<compile_context>
chip_gen: v7x
topology: tpu7x:2x2x1
jax: 0.10.2.dev20260603
libtpu: 0.0.44.dev20260713+nightly
codegen_flags: <defaults>
</compile_context>

<pallas_src>
import functools

import jax
import jax.numpy as jnp
from jax import lax
from jax.experimental import pallas as pl
from jax.experimental.pallas import tpu as pltpu
from jax.experimental.pallas import tpu_sc as plsc

N = 10000
E = 320000
D = 128
LAT = 64

NC = 2
NS = 16
NW = NC * NS
CH = 128
NCHUNKS = 2560
EPAD = NCHUNKS * CH
J = NCHUNKS // NS
NBUF = 5
IDXB = 16
CPW = NCHUNKS // NW
NPAD = 10240
ROWS_PT = NPAD // NS
BLK = 2048
GRID = NPAD // BLK

_mesh = plsc.VectorSubcoreMesh(core_axis_name="c", subcore_axis_name="s")


EPW = EPAD // NW


@functools.partial(
    pl.kernel,
    out_type=jax.ShapeDtypeStruct((NC, NPAD), jnp.float32),
    mesh=_mesh,
    scratch_types=[
        pltpu.VMEM_SHARED((NPAD,), jnp.float32),
    ],
)
def _deg_kernel(dstf_hbm, ones_hbm, z1_hbm, out_hbm, acc_sh):
    c = lax.axis_index("c")
    s = lax.axis_index("s")
    w = c * NS + s

    def inner(dst_v, ones_v, zb_v):
        pltpu.sync_copy(ones_hbm, ones_v)
        pltpu.sync_copy(dstf_hbm.at[pl.ds(w * EPW, EPW)], dst_v)
        pltpu.sync_copy(z1_hbm, zb_v)
        pltpu.sync_copy(zb_v, acc_sh.at[pl.ds(s * ROWS_PT, ROWS_PT)])
        plsc.subcore_barrier()
        pltpu.sync_copy(ones_v, acc_sh.at[dst_v], add=True)
        plsc.subcore_barrier()
        pltpu.sync_copy(acc_sh.at[pl.ds(s * ROWS_PT, ROWS_PT)], zb_v)
        pltpu.sync_copy(zb_v, out_hbm.at[c, pl.ds(s * ROWS_PT, ROWS_PT)])

    pl.run_scoped(inner,
                  pltpu.VMEM((EPW,), jnp.int32),
                  pltpu.VMEM((EPW,), jnp.float32),
                  pltpu.VMEM((ROWS_PT,), jnp.float32))


def _make_scatter(dwh, nbuf=NBUF):
    NBUF = nbuf

    @functools.partial(
        pl.kernel,
        out_type=jax.ShapeDtypeStruct((NC, NPAD, dwh), jnp.float32),
        mesh=_mesh,
        compiler_params=pltpu.CompilerParams(use_tc_tiling_on_sc=False),
        scratch_types=[
            pltpu.VMEM_SHARED((NPAD, dwh), jnp.float32),
            [pltpu.SemaphoreType.DMA] * NBUF,
            [pltpu.SemaphoreType.DMA] * NBUF,
        ],
    )
    def scat(g_hbm, src_hbm, dst_hbm, z_hbm, out_hbm, acc_sh, gsem, ssem):
        c = lax.axis_index("c")
        s = lax.axis_index("s")
        base = s * J

        def inner(src_v, dst_v, *bufs):
            pltpu.sync_copy(src_hbm.at[pl.ds(base, J)], src_v)
            pltpu.sync_copy(dst_hbm.at[pl.ds(base, J)], dst_v)

            pltpu.sync_copy(z_hbm, bufs[0])

            @pl.loop(0, ROWS_PT, step=CH)
            def _(r):
                pltpu.sync_copy(bufs[0], acc_sh.at[pl.ds(s * ROWS_PT + r, CH)])

            plsc.subcore_barrier()

            gv = g_hbm.at[c]
            for b in range(NBUF):
                pltpu.async_copy(gv.at[src_v.at[b]], bufs[b], gsem[b])

            @pl.loop(0, J, step=NBUF)
            def _(j):
                for b in range(NBUF):
                    jj = j + b
                    pltpu.make_async_copy(gv.at[src_v.at[jj]], bufs[b],
                                          gsem[b]).wait()
                    pltpu.async_copy(bufs[b], acc_sh.at[dst_v.at[jj]],
                                     ssem[b], add=True)
                for b in range(NBUF):
                    jj = j + b

                    @pl.when(jj + NBUF < J)
                    def _():
                        pltpu.make_async_copy(bufs[b],
                                              acc_sh.at[dst_v.at[jj]],
                                              ssem[b]).wait()
                        pltpu.async_copy(gv.at[src_v.at[jj + NBUF]], bufs[b],
                                         gsem[b])

            for b in range(NBUF):
                pltpu.make_async_copy(bufs[b], acc_sh.at[dst_v.at[J - NBUF + b]],
                                      ssem[b]).wait()

            plsc.subcore_barrier()

            @pl.loop(0, ROWS_PT, step=CH)
            def _(r):
                pltpu.sync_copy(acc_sh.at[pl.ds(s * ROWS_PT + r, CH)], bufs[1])
                pltpu.sync_copy(bufs[1],
                                out_hbm.at[c, pl.ds(s * ROWS_PT + r, CH)])

        pl.run_scoped(inner,
                      pltpu.VMEM((J, CH), jnp.int32),
                      pltpu.VMEM((J, CH), jnp.int32),
                      *([pltpu.VMEM((CH, dwh), jnp.float32)] * NBUF))

    return scat


_scatter_h = _make_scatter(D // 2)
_scatter_l = _make_scatter(LAT // 2, nbuf=8)


def _dinv_of(dp_block):
    return lax.rsqrt(jnp.sum(dp_block, axis=1, keepdims=True) + 1.0)


def _halves(ref):
    return jnp.concatenate([ref[0], ref[1]], axis=1)


def _tc1a_body(x_ref, w_ref, o_ref):
    o_ref[...] = jnp.dot(x_ref[...], w_ref[...],
                         preferred_element_type=jnp.float32)


def _tc1b_body(h_ref, dp_ref, o_ref):
    g = h_ref[...] * _dinv_of(dp_ref[...])
    o_ref[0] = g[:, :D // 2]
    o_ref[1] = g[:, D // 2:]


def _tc2_body(acc_ref, g_ref, dp_ref, w_ref, b_ref, o_ref):
    dinv = _dinv_of(dp_ref[...])
    i = pl.program_id(0)
    row = i * BLK + lax.broadcasted_iota(jnp.int32, (BLK, 1), 0)
    keep = row < N
    dh = D // 2
    h2 = None
    for c in range(NC):
        z = jnp.maximum((acc_ref[c] + g_ref[c]) * dinv
                        + b_ref[:, c * dh:(c + 1) * dh], 0.0)
        z = jnp.where(keep, z, 0.0)
        part = jnp.dot(z, w_ref[c * dh:(c + 1) * dh, :],
                       preferred_element_type=jnp.float32)
        h2 = part if h2 is None else h2 + part
    g2 = h2 * dinv
    o_ref[0] = g2[:, :LAT // 2]
    o_ref[1] = g2[:, LAT // 2:]


def _tc3_body(acc_ref, g_ref, dp_ref, b_ref, o_ref):
    dinv = _dinv_of(dp_ref[...])
    lh = LAT // 2
    for c in range(NC):
        o_ref[:, c * lh:(c + 1) * lh] = ((acc_ref[c] + g_ref[c]) * dinv
                                         + b_ref[:, c * lh:(c + 1) * lh])


def _split_spec(dwh):
    return pl.BlockSpec((NC, BLK, dwh), lambda i: (0, i, 0))


_x_spec = pl.BlockSpec((BLK, D), lambda i: (i, 0))
_dp_spec = pl.BlockSpec((BLK, NC), lambda i: (i, 0))

_tc1a = pl.pallas_call(
    _tc1a_body, grid=(GRID,),
    in_specs=[_x_spec, pl.BlockSpec((D, D), lambda i: (0, 0))],
    out_specs=_x_spec,
    out_shape=jax.ShapeDtypeStruct((NPAD, D), jnp.float32))

_tc1b = pl.pallas_call(
    _tc1b_body, grid=(GRID,),
    in_specs=[_x_spec, _dp_spec],
    out_specs=_split_spec(D // 2),
    out_shape=jax.ShapeDtypeStruct((NC, NPAD, D // 2), jnp.float32))

_tc2 = pl.pallas_call(
    _tc2_body, grid=(GRID,),
    in_specs=[_split_spec(D // 2), _split_spec(D // 2), _dp_spec,
              pl.BlockSpec((D, LAT), lambda i: (0, 0)),
              pl.BlockSpec((1, D), lambda i: (0, 0))],
    out_specs=_split_spec(LAT // 2),
    out_shape=jax.ShapeDtypeStruct((NC, NPAD, LAT // 2), jnp.float32))

_tc3 = pl.pallas_call(
    _tc3_body, grid=(GRID,),
    in_specs=[_split_spec(LAT // 2), _split_spec(LAT // 2), _dp_spec,
              pl.BlockSpec((1, LAT), lambda i: (0, 0))],
    out_specs=pl.BlockSpec((BLK, LAT), lambda i: (i, 0)),
    out_shape=jax.ShapeDtypeStruct((NPAD, LAT), jnp.float32))


def kernel(x, edge_index, W1, b1, W2, b2):
    src = edge_index[0].astype(jnp.int32)
    dst = edge_index[1].astype(jnp.int32)
    pad = EPAD - E
    pad_idx = (N + (jnp.arange(pad, dtype=jnp.int32) % (NPAD - N)))
    srcp = jnp.concatenate([src, pad_idx]).reshape(NCHUNKS, CH)
    dstp = jnp.concatenate([dst, pad_idx]).reshape(NCHUNKS, CH)

    x_pad = jnp.zeros((NPAD, D), jnp.float32).at[:N].set(x)
    b1r = b1.reshape(1, D)
    b2r = b2.reshape(1, LAT)
    dstf = dstp.reshape(EPAD)
    ones_h = jnp.ones((EPW,), jnp.float32)
    z1_h = jnp.zeros((ROWS_PT,), jnp.float32)
    zh_h = jnp.zeros((CH, D // 2), jnp.float32)
    zl_h = jnp.zeros((CH, LAT // 2), jnp.float32)

    h1 = _tc1a(x_pad, W1)
    degp = _deg_kernel(dstf, ones_h, z1_h)
    degpt = degp.T
    g1 = _tc1b(h1, degpt)
    acc1 = _scatter_h(g1, srcp, dstp, zh_h)
    g2 = _tc2(acc1, g1, degpt, W2, b1r)
    acc2 = _scatter_l(g2, srcp, dstp, zl_h)
    out = _tc3(acc2, g2, degpt, b2r)
    return out[:N]

# --- scband reference (transcript-rebuilt; emitter-appended) ---
"""Pipeline reference for scband-gcnencoder-4827543241243 (READ-ONLY COPY).

The authoritative reference and input builder live on the scoring server;
editing this copy changes nothing except your own understanding.
"""

import jax, jax.numpy as jnp
import numpy as np

N = 10000
E = 320000
IN_DIM = 128
HID_DIM = 128
LAT_DIM = 64


def gcn_conv(x, edge_index, W, b):
    n = x.shape[0]
    src = edge_index[0]
    dst = edge_index[1]
    loop = jnp.arange(n, dtype=src.dtype)
    src2 = jnp.concatenate([src, loop])
    dst2 = jnp.concatenate([dst, loop])
    deg = jnp.zeros((n,), dtype=x.dtype).at[dst2].add(1.0)
    dinv = jnp.where(deg > 0, 1.0 / jnp.sqrt(deg), 0.0)
    norm = dinv[src2] * dinv[dst2]
    h = x @ W
    msg = h[src2] * norm[:, None]
    out = jnp.zeros((n, W.shape[1]), dtype=x.dtype).at[dst2].add(msg)
    return out + b


def setup_inputs(seed: int = 0):
    key = jax.random.key(seed)
    k1, k2, k3, k4, k5, k6 = jax.random.split(key, 6)
    x = jax.random.normal(k1, (N, IN_DIM), dtype=jnp.float32)
    edge_index = jax.random.randint(k2, (2, E), 0, N)
    W1 = jax.random.normal(k3, (IN_DIM, HID_DIM), dtype=jnp.float32) * (1.0 / np.sqrt(IN_DIM))
    b1 = jnp.zeros((HID_DIM,), dtype=jnp.float32)
    W2 = jax.random.normal(k4, (HID_DIM, LAT_DIM), dtype=jnp.float32) * (1.0 / np.sqrt(HID_DIM))
    b2 = jnp.zeros((LAT_DIM,), dtype=jnp.float32)
    return {"x": x, "edge_index": edge_index, "W1": W1, "b1": b1, "W2": W2, "b2": b2}


def reference(x, edge_index, W1, b1, W2, b2):
    # GCNEncoder.forward (eval mode: dropout is identity)
    h = gcn_conv(x, edge_index, W1, b1)
    h = jax.nn.relu(h)
    out = gcn_conv(h, edge_index, W2, b2)
    return out

if __name__ == "__main__":
    import jax
    _d = setup_inputs()
    print(jax.jit(kernel)(*tuple(_d.values())))

</pallas_src>

<mosaic_0001>
#map = affine_map<(d0, d1) -> (0)>
#map1 = affine_map<(d0, d1) -> (0, 0)>
module attributes {stable_mosaic.version = 14 : i64} {
  func.func @_deg_kernel(%arg0: i32, %arg1: i32, %arg2: memref<327680xi32, #tpu.memory_space<hbm>>, %arg3: memref<10240xf32, #tpu.memory_space<hbm>>, %arg4: memref<640xf32, #tpu.memory_space<hbm>>, %arg5: memref<2x10240xf32, #tpu.memory_space<hbm>>, %arg6: memref<10240xf32, #tpu.memory_space<vmem_shared>>) attributes {dimension_semantics = [#tpu.dimension_semantics<core_parallel>, #tpu.dimension_semantics<subcore_parallel>], iteration_bounds = array<i64: 2, 16>, scalar_prefetch = 0 : i64, scratch_operands = 1 : i64, tpu.core_type = #tpu.core_type<sc_vector_subcore>, window_params = [{transform_indices = #map}, {transform_indices = #map}, {transform_indices = #map}, {transform_indices = #map1}]} {
    %mul3A = arith.constant 16 : i32
    %mul3A_0 = arith.muli %arg0, %mul3A : i32
    %add3A = arith.addi %mul3A_0, %arg1 : i32
    "tpu.region"() ({
      %run_scoped3A = memref.alloca() : memref<10240xi32, #tpu.memory_space<vmem>>
      %run_scoped3A_1 = memref.alloca() : memref<10240xf32, #tpu.memory_space<vmem>>
      %run_scoped3A_2 = memref.alloca() : memref<640xf32, #tpu.memory_space<vmem>>
      "tpu.region"() ({
        %run_scoped3A_12 = tpu.sem_alloc : memref<!tpu.dma_semaphore, #tpu.memory_space<semaphore_mem>>
        tpu.enqueue_dma source(%arg3 : memref<10240xf32, #tpu.memory_space<hbm>>) target(%run_scoped3A_1 : memref<10240xf32, #tpu.memory_space<vmem>>) target_semaphore(%run_scoped3A_12 : memref<!tpu.dma_semaphore, #tpu.memory_space<semaphore_mem>>)
        tpu.wait_dma2 semaphore(%run_scoped3A_12 : memref<!tpu.dma_semaphore, #tpu.memory_space<semaphore_mem>>) src(%arg3 : memref<10240xf32, #tpu.memory_space<hbm>>) dst(%run_scoped3A_1 : memref<10240xf32, #tpu.memory_space<vmem>>)
        tpu.yield
      }) : () -> ()
      %mul3A_3 = arith.constant 10240 : i32
      %mul3A_4 = arith.muli %add3A, %mul3A_3 : i32
      "tpu.region"() ({
        %run_scoped3A_12 = tpu.sem_alloc : memref<!tpu.dma_semaphore, #tpu.memory_space<semaphore_mem>>
        %dma_start3A = tpu.memref_slice %arg2[%mul3A_4] : memref<327680xi32, #tpu.memory_space<hbm>> -> memref<10240xi32, #tpu.memory_space<hbm>>
        %dma_start3A_13 = tpu.memref_slice %arg2[%mul3A_4] : memref<327680xi32, #tpu.memory_space<hbm>> -> memref<10240xi32, #tpu.memory_space<hbm>>
        tpu.enqueue_dma source(%dma_start3A_13 : memref<10240xi32, #tpu.memory_space<hbm>>) target(%run_scoped3A : memref<10240xi32, #tpu.memory_space<vmem>>) target_semaphore(%run_scoped3A_12 : memref<!tpu.dma_semaphore, #tpu.memory_space<semaphore_mem>>)
        %dma_wait3A = tpu.memref_slice %arg2[%mul3A_4] : memref<327680xi32, #tpu.memory_space<hbm>> -> memref<10240xi32, #tpu.memory_space<hbm>>
        %dma_wait3A_14 = tpu.memref_slice %arg2[%mul3A_4] : memref<327680xi32, #tpu.memory_space<hbm>> -> memref<10240xi32, #tpu.memory_space<hbm>>
        tpu.wait_dma2 semaphore(%run_scoped3A_12 : memref<!tpu.dma_semaphore, #tpu.memory_space<semaphore_mem>>) src(%dma_wait3A_14 : memref<10240xi32, #tpu.memory_space<hbm>>) dst(%run_scoped3A : memref<10240xi32, #tpu.memory_space<vmem>>)
        tpu.yield
      }) : () -> ()
      "tpu.region"() ({
        %run_scoped3A_12 = tpu.sem_alloc : memref<!tpu.dma_semaphore, #tpu.memory_space<semaphore_mem>>
        tpu.enqueue_dma source(%arg4 : memref<640xf32, #tpu.memory_space<hbm>>) target(%run_scoped3A_2 : memref<640xf32, #tpu.memory_space<vmem>>) target_semaphore(%run_scoped3A_12 : memref<!tpu.dma_semaphore, #tpu.memory_space<semaphore_mem>>)
        tpu.wait_dma2 semaphore(%run_scoped3A_12 : memref<!tpu.dma_semaphore, #tpu.memory_space<semaphore_mem>>) src(%arg4 : memref<640xf32, #tpu.memory_space<hbm>>) dst(%run_scoped3A_2 : memref<640xf32, #tpu.memory_space<vmem>>)
        tpu.yield
      }) : () -> ()
      %mul3A_5 = arith.constant 640 : i32
      %mul3A_6 = arith.muli %arg1, %mul3A_5 : i32
      "tpu.region"() ({
        %run_scoped3A_12 = tpu.sem_alloc : memref<!tpu.dma_semaphore, #tpu.memory_space<semaphore_mem>>
        %dma_start3A = tpu.memref_slice %arg6[%mul3A_6] : memref<10240xf32, #tpu.memory_space<vmem_shared>> -> memref<640xf32, #tpu.memory_space<vmem_shared>>
        %dma_start3A_13 = tpu.memref_slice %arg6[%mul3A_6] : memref<10240xf32, #tpu.memory_space<vmem_shared>> -> memref<640xf32, #tpu.memory_space<vmem_shared>>
        tpu.enqueue_dma source(%run_scoped3A_2 : memref<640xf32, #tpu.memory_space<vmem>>) target(%dma_start3A_13 : memref<640xf32, #tpu.memory_space<vmem_shared>>) target_semaphore(%run_scoped3A_12 : memref<!tpu.dma_semaphore, #tpu.memory_space<semaphore_mem>>)
        %dma_wait3A = tpu.memref_slice %arg6[%mul3A_6] : memref<10240xf32, #tpu.memory_space<vmem_shared>> -> memref<640xf32, #tpu.memory_space<vmem_shared>>
        %dma_wait3A_14 = tpu.memref_slice %arg6[%mul3A_6] : memref<10240xf32, #tpu.memory_space<vmem_shared>> -> memref<640xf32, #tpu.memory_space<vmem_shared>>
        tpu.wait_dma2 semaphore(%run_scoped3A_12 : memref<!tpu.dma_semaphore, #tpu.memory_space<semaphore_mem>>) src(%run_scoped3A_2 : memref<640xf32, #tpu.memory_space<vmem>>) dst(%dma_wait3A_14 : memref<640xf32, #tpu.memory_space<vmem_shared>>)
        tpu.yield
      }) : () -> ()
      %barrier3A = arith.constant 0 : index
      tpu.barrier barrier_id(%barrier3A)
      "tpu.region"() ({
        %run_scoped3A_12 = tpu.sem_alloc : memref<!tpu.dma_semaphore, #tpu.memory_space<semaphore_mem>>
        %dma_start3A = arith.constant 0 : i32
        %dma_start3A_13 = tpu.memref_slice %arg6[%dma_start3A] : memref<10240xf32, #tpu.memory_space<vmem_shared>> -> memref<10240xf32, #tpu.memory_space<vmem_shared>>
        tpu.enqueue_indirect_dma source(%run_scoped3A_1 : memref<10240xf32, #tpu.memory_space<vmem>>) target(%dma_start3A_13 : memref<10240xf32, #tpu.memory_space<vmem_shared>>) offsets(%run_scoped3A : memref<10240xi32, #tpu.memory_space<vmem>>) semaphore(%run_scoped3A_12 : memref<!tpu.dma_semaphore, #tpu.memory_space<semaphore_mem>>) {add = true}
        %dma_wait3A = arith.constant 0 : i32
        %dma_wait3A_14 = tpu.memref_slice %arg6[%dma_wait3A] : memref<10240xf32, #tpu.memory_space<vmem_shared>> -> memref<10240xf32, #tpu.memory_space<vmem_shared>>
        tpu.wait_indirect_dma semaphore(%run_scoped3A_12 : memref<!tpu.dma_semaphore, #tpu.memory_space<semaphore_mem>>) src(%run_scoped3A_1 : memref<10240xf32, #tpu.memory_space<vmem>>) dst(%dma_wait3A_14 : memref<10240xf32, #tpu.memory_space<vmem_shared>>)
        tpu.yield
      }) : () -> ()
      %barrier3A_7 = arith.constant 0 : index
      tpu.barrier barrier_id(%barrier3A_7)
      %mul3A_8 = arith.constant 640 : i32
      %mul3A_9 = arith.muli %arg1, %mul3A_8 : i32
      "tpu.region"() ({
        %run_scoped3A_12 = tpu.sem_alloc : memref<!tpu.dma_semaphore, #tpu.memory_space<semaphore_mem>>
        %dma_start3A = tpu.memref_slice %arg6[%mul3A_9] : memref<10240xf32, #tpu.memory_space<vmem_shared>> -> memref<640xf32, #tpu.memory_space<vmem_shared>>
        %dma_start3A_13 = tpu.memref_slice %arg6[%mul3A_9] : memref<10240xf32, #tpu.memory_space<vmem_shared>> -> memref<640xf32, #tpu.memory_space<vmem_shared>>
        tpu.enqueue_dma source(%dma_start3A_13 : memref<640xf32, #tpu.memory_space<vmem_shared>>) target(%run_scoped3A_2 : memref<640xf32, #tpu.memory_space<vmem>>) target_semaphore(%run_scoped3A_12 : memref<!tpu.dma_semaphore, #tpu.memory_space<semaphore_mem>>)
        %dma_wait3A = tpu.memref_slice %arg6[%mul3A_9] : memref<10240xf32, #tpu.memory_space<vmem_shared>> -> memref<640xf32, #tpu.memory_space<vmem_shared>>
        %dma_wait3A_14 = tpu.memref_slice %arg6[%mul3A_9] : memref<10240xf32, #tpu.memory_space<vmem_shared>> -> memref<640xf32, #tpu.memory_space<vmem_shared>>
        tpu.wait_dma2 semaphore(%run_scoped3A_12 : memref<!tpu.dma_semaphore, #tpu.memory_space<semaphore_mem>>) src(%dma_wait3A_14 : memref<640xf32, #tpu.memory_space<vmem_shared>>) dst(%run_scoped3A_2 : memref<640xf32, #tpu.memory_space<vmem>>)
        tpu.yield
      }) : () -> ()
      %mul3A_10 = arith.constant 640 : i32
      %mul3A_11 = arith.muli %arg1, %mul3A_10 : i32
      "tpu.region"() ({
        %run_scoped3A_12 = tpu.sem_alloc : memref<!tpu.dma_semaphore, #tpu.memory_space<semaphore_mem>>
        %dma_start3A = tpu.memref_slice %arg5[%arg0, %mul3A_11] : memref<2x10240xf32, #tpu.memory_space<hbm>> -> memref<1x640xf32, #tpu.memory_space<hbm>>
        %dma_start3A_13 = tpu.memref_squeeze %dma_start3A : memref<1x640xf32, #tpu.memory_space<hbm>> -> memref<640xf32, #tpu.memory_space<hbm>>
        %dma_start3A_14 = tpu.memref_slice %arg5[%arg0, %mul3A_11] : memref<2x10240xf32, #tpu.memory_space<hbm>> -> memref<1x640xf32, #tpu.memory_space<hbm>>
        %dma_start3A_15 = tpu.memref_squeeze %dma_start3A_14 : memref<1x640xf32, #tpu.memory_space<hbm>> -> memref<640xf32, #tpu.memory_space<hbm>>
        tpu.enqueue_dma source(%run_scoped3A_2 : memref<640xf32, #tpu.memory_space<vmem>>) target(%dma_start3A_15 : memref<640xf32, #tpu.memory_space<hbm>>) target_semaphore(%run_scoped3A_12 : memref<!tpu.dma_semaphore, #tpu.memory_space<semaphore_mem>>)
        %dma_wait3A = tpu.memref_slice %arg5[%arg0, %mul3A_11] : memref<2x10240xf32, #tpu.memory_space<hbm>> -> memref<1x640xf32, #tpu.memory_space<hbm>>
        %dma_wait3A_16 = tpu.memref_squeeze %dma_wait3A : memref<1x640xf32, #tpu.memory_space<hbm>> -> memref<640xf32, #tpu.memory_space<hbm>>
        %dma_wait3A_17 = tpu.memref_slice %arg5[%arg0, %mul3A_11] : memref<2x10240xf32, #tpu.memory_space<hbm>> -> memref<1x640xf32, #tpu.memory_space<hbm>>
        %dma_wait3A_18 = tpu.memref_squeeze %dma_wait3A_17 : memref<1x640xf32, #tpu.memory_space<hbm>> -> memref<640xf32, #tpu.memory_space<hbm>>
        tpu.wait_dma2 semaphore(%run_scoped3A_12 : memref<!tpu.dma_semaphore, #tpu.memory_space<semaphore_mem>>) src(%run_scoped3A_2 : memref<640xf32, #tpu.memory_space<vmem>>) dst(%dma_wait3A_18 : memref<640xf32, #tpu.memory_space<hbm>>)
        tpu.yield
      }) : () -> ()
      tpu.yield
    }) : () -> ()
    return
  }
}

#map = affine_map<(d0, d1) -> (0, 0, 0)>
#map1 = affine_map<(d0, d1) -> (0, 0)>
module attributes {stable_mosaic.version = 14 : i64} {
  func.func @scat(%arg0: i32, %arg1: i32, %arg2: memref<2x10240x32xf32, #tpu.memory_space<hbm>>, %arg3: memref<2560x128xi32, #tpu.memory_space<hbm>>, %arg4: memref<2560x128xi32, #tpu.memory_space<hbm>>, %arg5: memref<128x32xf32, #tpu.memory_space<hbm>>, %arg6: memref<2x10240x32xf32, #tpu.memory_space<hbm>>, %arg7: memref<10240x32xf32, #tpu.memory_space<vmem_shared>>, %arg8: memref<!tpu.dma_semaphore, #tpu.memory_space<semaphore_mem>>, %arg9: memref<!tpu.dma_semaphore, #tpu.memory_space<semaphore_mem>>, %arg10: memref<!tpu.dma_semaphore, #tpu.memory_space<semaphore_mem>>, %arg11: memref<!tpu.dma_semaphore, #tpu.memory_space<semaphore_mem>>, %arg12: memref<!tpu.dma_semaphore, #tpu.memory_space<semaphore_mem>>, %arg13: memref<!tpu.dma_semaphore, #tpu.memory_space<semaphore_mem>>, %arg14: memref<!tpu.dma_semaphore, #tpu.memory_space<semaphore_mem>>, %arg15: memref<!tpu.dma_semaphore, #tpu.memory_space<semaphore_mem>>, %arg16: memref<!tpu.dma_semaphore, #tpu.memory_space<semaphore_mem>>, %arg17: memref<!tpu.dma_semaphore, #tpu.memory_space<semaphore_mem>>, %arg18: memref<!tpu.dma_semaphore, #tpu.memory_space<semaphore_mem>>, %arg19: memref<!tpu.dma_semaphore, #tpu.memory_space<semaphore_mem>>, %arg20: memref<!tpu.dma_semaphore, #tpu.memory_space<semaphore_mem>>, %arg21: memref<!tpu.dma_semaphore, #tpu.memory_space<semaphore_mem>>, %arg22: memref<!tpu.dma_semaphore, #tpu.memory_space<semaphore_mem>>, %arg23: memref<!tpu.dma_semaphore, #tpu.memory_space<semaphore_mem>>) attributes {dimension_semantics = [#tpu.dimension_semantics<core_parallel>, #tpu.dimension_semantics<subcore_parallel>], iteration_bounds = array<i64: 2, 16>, scalar_prefetch = 0 : i64, scratch_operands = 17 : i64, tpu.core_type = #tpu.core_type<sc_vector_subcore>, window_params = [{transform_indices = #map}, {transform_indices = #map1}, {transform_indices = #map1}, {transform_indices = #map1}, {transform_indices = #map}]} {
    %mul3A = arith.constant 160 : i32
    %mul3A_0 = arith.muli %arg1, %mul3A : i32
    "tpu.region"() ({
      %run_scoped3A = memref.alloca() : memref<160x128xi32, #tpu.memory_space<vmem>>
      %run_scoped3A_1 = memref.alloca() : memref<160x128xi32, #tpu.memory_space<vmem>>
      %run_scoped3A_2 = memref.alloca() : memref<128x32xf32, #tpu.memory_space<vmem>>
      %run_scoped3A_3 = memref.alloca() : memref<128x32xf32, #tpu.memory_space<vmem>>
      %run_scoped3A_4 = memref.alloca() : memref<128x32xf32, #tpu.memory_space<vmem>>
      %run_scoped3A_5 = memref.alloca() : memref<128x32xf32, #tpu.memory_space<vmem>>
      %run_scoped3A_6 = memref.alloca() : memref<128x32xf32, #tpu.memory_space<vmem>>
      %run_scoped3A_7 = memref.alloca() : memref<128x32xf32, #tpu.memory_space<vmem>>
      %run_scoped3A_8 = memref.alloca() : memref<128x32xf32, #tpu.memory_space<vmem>>
      %run_scoped3A_9 = memref.alloca() : memref<128x32xf32, #tpu.memory_space<vmem>>
      "tpu.region"() ({
        %run_scoped3A_167 = tpu.sem_alloc : memref<!tpu.dma_semaphore, #tpu.memory_space<semaphore_mem>>
        %dma_start3A_168 = arith.constant 0 : i32
        %dma_start3A_169 = tpu.memref_slice %arg3[%mul3A_0, %dma_start3A_168] : memref<2560x128xi32, #tpu.memory_space<hbm>> -> memref<160x128xi32, #tpu.memory_space<hbm>>
        %dma_start3A_170 = arith.constant 0 : i32
        %dma_start3A_171 = tpu.memref_slice %arg3[%mul3A_0, %dma_start3A_170] : memref<2560x128xi32, #tpu.memory_space<hbm>> -> memref<160x128xi32, #tpu.memory_space<hbm>>
        tpu.enqueue_dma source(%dma_start3A_171 : memref<160x128xi32, #tpu.memory_space<hbm>>) target(%run_scoped3A : memref<160x128xi32, #tpu.memory_space<vmem>>) target_semaphore(%run_scoped3A_167 : memref<!tpu.dma_semaphore, #tpu.memory_space<semaphore_mem>>)
        %dma_wait3A_172 = arith.constant 0 : i32
        %dma_wait3A_173 = tpu.memref_slice %arg3[%mul3A_0, %dma_wait3A_172] : memref<2560x128xi32, #tpu.memory_space<hbm>> -> memref<160x128xi32, #tpu.memory_space<hbm>>
        %dma_wait3A_174 = arith.constant 0 : i32
        %dma_wait3A_175 = tpu.memref_slice %arg3[%mul3A_0, %dma_wait3A_174] : memref<2560x128xi32, #tpu.memory_space<hbm>> -> memref<160x128xi32, #tpu.memory_space<hbm>>
        tpu.wait_dma2 semaphore(%run_scoped3A_167 : memref<!tpu.dma_semaphore, #tpu.memory_space<semaphore_mem>>) src(%dma_wait3A_175 : memref<160x128xi32, #tpu.memory_space<hbm>>) dst(%run_scoped3A : memref<160x128xi32, #tpu.memory_space<vmem>>)
        tpu.yield
      }) : () -> ()
      "tpu.region"() ({
        %run_scoped3A_167 = tpu.sem_alloc : memref<!tpu.dma_semaphore, #tpu.memory_space<semaphore_mem>>
        %dma_start3A_168 = arith.constant 0 : i32
        %dma_start3A_169 = tpu.memref_slice %arg4[%mul3A_0, %dma_start3A_168] : memref<2560x128xi32, #tpu.memory_space<hbm>> -> memref<160x128xi32, #tpu.memory_space<hbm>>
        %dma_start3A_170 = arith.constant 0 : i32
        %dma_start3A_171 = tpu.memref_slice %arg4[%mul3A_0, %dma_start3A_170] : memref<2560x128xi32, #tpu.memory_space<hbm>> -> memref<160x128xi32, #tpu.memory_space<hbm>>
        tpu.enqueue_dma source(%dma_start3A_171 : memref<160x128xi32, #tpu.memory_space<hbm>>) target(%run_scoped3A_1 : memref<160x128xi32, #tpu.memory_space<vmem>>) target_semaphore(%run_scoped3A_167 : memref<!tpu.dma_semaphore, #tpu.memory_space<semaphore_mem>>)
        %dma_wait3A_172 = arith.constant 0 : i32
        %dma_wait3A_173 = tpu.memref_slice %arg4[%mul3A_0, %dma_wait3A_172] : memref<2560x128xi32, #tpu.memory_space<hbm>> -> memref<160x128xi32, #tpu.memory_space<hbm>>
        %dma_wait3A_174 = arith.constant 0 : i32
        %dma_wait3A_175 = tpu.memref_slice %arg4[%mul3A_0, %dma_wait3A_174] : memref<2560x128xi32, #tpu.memory_space<hbm>> -> memref<160x128xi32, #tpu.memory_space<hbm>>
        tpu.wait_dma2 semaphore(%run_scoped3A_167 : memref<!tpu.dma_semaphore, #tpu.memory_space<semaphore_mem>>) src(%dma_wait3A_175 : memref<160x128xi32, #tpu.memory_space<hbm>>) dst(%run_scoped3A_1 : memref<160x128xi32, #tpu.memory_space<vmem>>)
        tpu.yield
      }) : () -> ()
      "tpu.region"() ({
        %run_scoped3A_167 = tpu.sem_alloc : memref<!tpu.dma_semaphore, #tpu.memory_space<semaphore_mem>>
        tpu.enqueue_dma source(%arg5 : memref<128x32xf32, #tpu.memory_space<hbm>>) target(%run_scoped3A_2 : memref<128x32xf32, #tpu.memory_space<vmem>>) target_semaphore(%run_scoped3A_167 : memref<!tpu.dma_semaphore, #tpu.memory_space<semaphore_mem>>)
        tpu.wait_dma2 semaphore(%run_scoped3A_167 : memref<!tpu.dma_semaphore, #tpu.memory_space<semaphore_mem>>) src(%arg5 : memref<128x32xf32, #tpu.memory_space<hbm>>) dst(%run_scoped3A_2 : memref<128x32xf32, #tpu.memory_space<vmem>>)
        tpu.yield
      }) : () -> ()
      %scan3A = arith.constant 0 : i32
      %scan3A_10 = arith.constant 5 : i32
      %scan3A_11 = arith.addi %scan3A, %scan3A_10 : i32
      %scan3A_12 = arith.constant 1 : i32
      scf.for %scan3A_167 = %scan3A to %scan3A_11 step %scan3A_12  : i32 {
        %mul3A_168 = arith.constant 128 : i32
        %mul3A_169 = arith.muli %scan3A_167, %mul3A_168 : i32
        %add3A = arith.constant 0 : i32
        %add3A_170 = arith.addi %add3A, %mul3A_169 : i32
        %mul3A_171 = arith.constant 640 : i32
        %mul3A_172 = arith.muli %arg1, %mul3A_171 : i32
        %add3A_173 = arith.addi %mul3A_172, %add3A_170 : i32
        "tpu.region"() ({
          %run_scoped3A_174 = tpu.sem_alloc : memref<!tpu.dma_semaphore, #tpu.memory_space<semaphore_mem>>
          %dma_start3A_175 = arith.constant 0 : i32
          %dma_start3A_176 = tpu.memref_slice %arg7[%add3A_173, %dma_start3A_175] : memref<10240x32xf32, #tpu.memory_space<vmem_shared>> -> memref<128x32xf32, #tpu.memory_space<vmem_shared>>
          %dma_start3A_177 = arith.constant 0 : i32
          %dma_start3A_178 = tpu.memref_slice %arg7[%add3A_173, %dma_start3A_177] : memref<10240x32xf32, #tpu.memory_space<vmem_shared>> -> memref<128x32xf32, #tpu.memory_space<vmem_shared>>
          tpu.enqueue_dma source(%run_scoped3A_2 : memref<128x32xf32, #tpu.memory_space<vmem>>) target(%dma_start3A_178 : memref<128x32xf32, #tpu.memory_space<vmem_shared>>) target_semaphore(%run_scoped3A_174 : memref<!tpu.dma_semaphore, #tpu.memory_space<semaphore_mem>>)
          %dma_wait3A_179 = arith.constant 0 : i32
          %dma_wait3A_180 = tpu.memref_slice %arg7[%add3A_173, %dma_wait3A_179] : memref<10240x32xf32, #tpu.memory_space<vmem_shared>> -> memref<128x32xf32, #tpu.memory_space<vmem_shared>>
          %dma_wait3A_181 = arith.constant 0 : i32
          %dma_wait3A_182 = tpu.memref_slice %arg7[%add3A_173, %dma_wait3A_181] : memref<10240x32xf32, #tpu.memory_space<vmem_shared>> -> memref<128x32xf32, #tpu.memory_space<vmem_shared>>
          tpu.wait_dma2 semaphore(%run_scoped3A_174 : memref<!tpu.dma_semaphore, #tpu.memory_space<semaphore_mem>>) src(%run_scoped3A_2 : memref<128x32xf32, #tpu.memory_space<vmem>>) dst(%dma_wait3A_182 : memref<128x32xf32, #tpu.memory_space<vmem_shared>>)
          tpu.yield
        }) : () -> ()
      }
      %scan3A_13 = arith.constant 5 : i32
      %barrier3A = arith.constant 0 : index
      tpu.barrier barrier_id(%barrier3A)
      %dma_start3A = arith.constant 0 : i32
      %dma_start3A_14 = arith.constant 0 : i32
      %dma_start3A_15 = tpu.memref_slice %run_scoped3A[%dma_start3A, %dma_start3A_14] : memref<160x128xi32, #tpu.memory_space<vmem>> -> memref<1x128xi32, #tpu.memory_space<vmem>>
      %dma_start3A_16 = tpu.memref_squeeze %dma_start3A_15 : memref<1x128xi32, #tpu.memory_space<vmem>> -> memref<128xi32, #tpu.memory_space<vmem>>
      %dma_start3A_17 = arith.constant 0 : i32
      %dma_start3A_18 = arith.constant 0 : i32
      %dma_start3A_19 = tpu.memref_slice %arg2[%arg0, %dma_start3A_17, %dma_start3A_18] : memref<2x10240x32xf32, #tpu.memory_space<hbm>> -> memref<1x10240x32xf32, #tpu.memory_space<hbm>>
      %dma_start3A_20 = tpu.memref_squeeze %dma_start3A_19 : memref<1x10240x32xf32, #tpu.memory_space<hbm>> -> memref<10240x32xf32, #tpu.memory_space<hbm>>
      %dma_start3A_21 = arith.constant 0 : i32
      %dma_start3A_22 = arith.constant 0 : i32
      %dma_start3A_23 = tpu.memref_slice %dma_start3A_20[%dma_start3A_21, %dma_start3A_22] : memref<10240x32xf32, #tpu.memory_space<hbm>> -> memref<10240x32xf32, #tpu.memory_space<hbm>>
      tpu.enqueue_indirect_dma source(%dma_start3A_23 : memref<10240x32xf32, #tpu.memory_space<hbm>>) target(%run_scoped3A_2 : memref<128x32xf32, #tpu.memory_space<vmem>>) offsets(%dma_start3A_16 : memref<128xi32, #tpu.memory_space<vmem>>) semaphore(%arg8 : memref<!tpu.dma_semaphore, #tpu.memory_space<semaphore_mem>>)
      %dma_start3A_24 = arith.constant 1 : i32
      %dma_start3A_25 = arith.constant 0 : i32
      %dma_start3A_26 = tpu.memref_slice %run_scoped3A[%dma_start3A_24, %dma_start3A_25] : memref<160x128xi32, #tpu.memory_space<vmem>> -> memref<1x128xi32, #tpu.memory_space<vmem>>
      %dma_start3A_27 = tpu.memref_squeeze %dma_start3A_26 : memref<1x128xi32, #tpu.memory_space<vmem>> -> memref<128xi32, #tpu.memory_space<vmem>>
      %dma_start3A_28 = arith.constant 0 : i32
      %dma_start3A_29 = arith.constant 0 : i32
      %dma_start3A_30 = tpu.memref_slice %arg2[%arg0, %dma_start3A_28, %dma_start3A_29] : memref<2x10240x32xf32, #tpu.memory_space<hbm>> -> memref<1x10240x32xf32, #tpu.memory_space<hbm>>
      %dma_start3A_31 = tpu.memref_squeeze %dma_start3A_30 : memref<1x10240x32xf32, #tpu.memory_space<hbm>> -> memref<10240x32xf32, #tpu.memory_space<hbm>>
      %dma_start3A_32 = arith.constant 0 : i32
      %dma_start3A_33 = arith.constant 0 : i32
      %dma_start3A_34 = tpu.memref_slice %dma_start3A_31[%dma_start3A_32, %dma_start3A_33] : memref<10240x32xf32, #tpu.memory_space<hbm>> -> memref<10240x32xf32, #tpu.memory_space<hbm>>
      tpu.enqueue_indirect_dma source(%dma_start3A_34 : memref<10240x32xf32, #tpu.memory_space<hbm>>) target(%run_scoped3A_3 : memref<128x32xf32, #tpu.memory_space<vmem>>) offsets(%dma_start3A_27 : memref<128xi32, #tpu.memory_space<vmem>>) semaphore(%arg9 : memref<!tpu.dma_semaphore, #tpu.memory_space<semaphore_mem>>)
      %dma_start3A_35 = arith.constant 2 : i32
      %dma_start3A_36 = arith.constant 0 : i32
      %dma_start3A_37 = tpu.memref_slice %run_scoped3A[%dma_start3A_35, %dma_start3A_36] : memref<160x128xi32, #tpu.memory_space<vmem>> -> memref<1x128xi32, #tpu.memory_space<vmem>>
      %dma_start3A_38 = tpu.memref_squeeze %dma_start3A_37 : memref<1x128xi32, #tpu.memory_space<vmem>> -> memref<128xi32, #tpu.memory_space<vmem>>
      %dma_start3A_39 = arith.constant 0 : i32
      %dma_start3A_40 = arith.constant 0 : i32
      %dma_start3A_41 = tpu.memref_slice %arg2[%arg0, %dma_start3A_39, %dma_start3A_40] : memref<2x10240x32xf32, #tpu.memory_space<hbm>> -> memref<1x10240x32xf32, #tpu.memory_space<hbm>>
      %dma_start3A_42 = tpu.memref_squeeze %dma_start3A_41 : memref<1x10240x32xf32, #tpu.memory_space<hbm>> -> memref<10240x32xf32, #tpu.memory_space<hbm>>
      %dma_start3A_43 = arith.constant 0 : i32
      %dma_start3A_44 = arith.constant 0 : i32
      %dma_start3A_45 = tpu.memref_slice %dma_start3A_42[%dma_start3A_43, %dma_start3A_44] : memref<10240x32xf32, #tpu.memory_space<hbm>> -> memref<10240x32xf32, #tpu.memory_space<hbm>>
      tpu.enqueue_indirect_dma source(%dma_start3A_45 : memref<10240x32xf32, #tpu.memory_space<hbm>>) target(%run_scoped3A_4 : memref<128x32xf32, #tpu.memory_space<vmem>>) offsets(%dma_start3A_38 : memref<128xi32, #tpu.memory_space<vmem>>) semaphore(%arg10 : memref<!tpu.dma_semaphore, #tpu.memory_space<semaphore_mem>>)
      %dma_start3A_46 = arith.constant 3 : i32
      %dma_start3A_47 = arith.constant 0 : i32
      %dma_start3A_48 = tpu.memref_slice %run_scoped3A[%dma_start3A_46, %dma_start3A_47] : memref<160x128xi32, #tpu.memory_space<vmem>> -> memref<1x128xi32, #tpu.memory_space<vmem>>
      %dma_start3A_49 = tpu.memref_squeeze %dma_start3A_48 : memref<1x128xi32, #tpu.memory_space<vmem>> -> memref<128xi32, #tpu.memory_space<vmem>>
      %dma_start3A_50 = arith.constant 0 : i32
      %dma_start3A_51 = arith.constant 0 : i32
      %dma_start3A_52 = tpu.memref_slice %arg2[%arg0, %dma_start3A_50, %dma_start3A_51] : memref<2x10240x32xf32, #tpu.memory_space<hbm>> -> memref<1x10240x32xf32, #tpu.memory_space<hbm>>
      %dma_start3A_53 = tpu.memref_squeeze %dma_start3A_52 : memref<1x10240x32xf32, #tpu.memory_space<hbm>> -> memref<10240x32xf32, #tpu.memory_space<hbm>>
      %dma_start3A_54 = arith.constant 0 : i32
      %dma_start3A_55 = arith.constant 0 : i32
      %dma_start3A_56 = tpu.memref_slice %dma_start3A_53[%dma_start3A_54, %dma_start3A_55] : memref<10240x32xf32, #tpu.memory_space<hbm>> -> memref<10240x32xf32, #tpu.memory_space<hbm>>
      tpu.enqueue_indirect_dma source(%dma_start3A_56 : memref<10240x32xf32, #tpu.memory_space<hbm>>) target(%run_scoped3A_5 : memref<128x32xf32, #tpu.memory_space<vmem>>) offsets(%dma_start3A_49 : memref<128xi32, #tpu.memory_space<vmem>>) semaphore(%arg11 : memref<!tpu.dma_semaphore, #tpu.memory_space<semaphore_mem>>)
      %dma_start3A_57 = arith.constant 4 : i32
      %dma_start3A_58 = arith.constant 0 : i32
      %dma_start3A_59 = tpu.memref_slice %run_scoped3A[%dma_start3A_57, %dma_start3A_58] : memref<160x128xi32, #tpu.memory_space<vmem>> -> memref<1x128xi32, #tpu.memory_space<vmem>>
      %dma_start3A_60 = tpu.memref_squeeze %dma_start3A_59 : memref<1x128xi32, #tpu.memory_space<vmem>> -> memref<128xi32, #tpu.memory_space<vmem>>
      %dma_start3A_61 = arith.constant 0 : i32
      %dma_start3A_62 = arith.constant 0 : i32
      %dma_start3A_63 = tpu.memref_slice %arg2[%arg0, %dma_start3A_61, %dma_start3A_62] : memref<2x10240x32xf32, #tpu.memory_space<hbm>> -> memref<1x10240x32xf32, #tpu.memory_space<hbm>>
      %dma_start3A_64 = tpu.memref_squeeze %dma_start3A_63 : memref<1x10240x32xf32, #tpu.memory_space<hbm>> -> memref<10240x32xf32, #tpu.memory_space<hbm>>
      %dma_start3A_65 = arith.constant 0 : i32
      %dma_start3A_66 = arith.constant 0 : i32
      %dma_start3A_67 = tpu.memref_slice %dma_start3A_64[%dma_start3A_65, %dma_start3A_66] : memref<10240x32xf32, #tpu.memory_space<hbm>> -> memref<10240x32xf32, #tpu.memory_space<hbm>>
      tpu.enqueue_indirect_dma source(%dma_start3A_67 : memref<10240x32xf32, #tpu.memory_space<hbm>>) target(%run_scoped3A_6 : memref<128x32xf32, #tpu.memory_space<vmem>>) offsets(%dma_start3A_60 : memref<128xi32, #tpu.memory_space<vmem>>) semaphore(%arg12 : memref<!tpu.dma_semaphore, #tpu.memory_space<semaphore_mem>>)
      %dma_start3A_68 = arith.constant 5 : i32
      %dma_start3A_69 = arith.constant 0 : i32
      %dma_start3A_70 = tpu.memref_slice %run_scoped3A[%dma_start3A_68, %dma_start3A_69] : memref<160x128xi32, #tpu.memory_space<vmem>> -> memref<1x128xi32, #tpu.memory_space<vmem>>
      %dma_start3A_71 = tpu.memref_squeeze %dma_start3A_70 : memref<1x128xi32, #tpu.memory_space<vmem>> -> memref<128xi32, #tpu.memory_space<vmem>>
      %dma_start3A_72 = arith.constant 0 : i32
      %dma_start3A_73 = arith.constant 0 : i32
      %dma_start3A_74 = tpu.memref_slice %arg2[%arg0, %dma_start3A_72, %dma_start3A_73] : memref<2x10240x32xf32, #tpu.memory_space<hbm>> -> memref<1x10240x32xf32, #tpu.memory_space<hbm>>
      %dma_start3A_75 = tpu.memref_squeeze %dma_start3A_74 : memref<1x10240x32xf32, #tpu.memory_space<hbm>> -> memref<10240x32xf32, #tpu.memory_space<hbm>>
      %dma_start3A_76 = arith.constant 0 : i32
      %dma_start3A_77 = arith.constant 0 : i32
      %dma_start3A_78 = tpu.memref_slice %dma_start3A_75[%dma_start3A_76, %dma_start3A_77] : memref<10240x32xf32, #tpu.memory_space<hbm>> -> memref<10240x32xf32, #tpu.memory_space<hbm>>
      tpu.enqueue_indirect_dma source(%dma_start3A_78 : memref<10240x32xf32, #tpu.memory_space<hbm>>) target(%run_scoped3A_7 : memref<128x32xf32, #tpu.memory_space<vmem>>) offsets(%dma_start3A_71 : memref<128xi32, #tpu.memory_space<vmem>>) semaphore(%arg13 : memref<!tpu.dma_semaphore, #tpu.memory_space<semaphore_mem>>)
      %dma_start3A_79 = arith.constant 6 : i32
      %dma_start3A_80 = arith.constant 0 : i32
      %dma_start3A_81 = tpu.memref_slice %run_scoped3A[%dma_start3A_79, %dma_start3A_80] : memref<160x128xi32, #tpu.memory_space<vmem>> -> memref<1x128xi32, #tpu.memory_space<vmem>>
      %dma_start3A_82 = tpu.memref_squeeze %dma_start3A_81 : memref<1x128xi32, #tpu.memory_space<vmem>> -> memref<128xi32, #tpu.memory_space<vmem>>
      %dma_start3A_83 = arith.constant 0 : i32
      %dma_start3A_84 = arith.constant 0 : i32
      %dma_start3A_85 = tpu.memref_slice %arg2[%arg0, %dma_start3A_83, %dma_start3A_84] : memref<2x10240x32xf32, #tpu.memory_space<hbm>> -> memref<1x10240x32xf32, #tpu.memory_space<hbm>>
      %dma_start3A_86 = tpu.memref_squeeze %dma_start3A_85 : memref<1x10240x32xf32, #tpu.memory_space<hbm>> -> memref<10240x32xf32, #tpu.memory_space<hbm>>
      %dma_start3A_87 = arith.constant 0 : i32
      %dma_start3A_88 = arith.constant 0 : i32
      %dma_start3A_89 = tpu.memref_slice %dma_start3A_86[%dma_start3A_87, %dma_start3A_88] : memref<10240x32xf32, #tpu.memory_space<hbm>> -> memref<10240x32xf32, #tpu.memory_space<hbm>>
      tpu.enqueue_indirect_dma source(%dma_start3A_89 : memref<10240x32xf32, #tpu.memory_space<hbm>>) target(%run_scoped3A_8 : memref<128x32xf32, #tpu.memory_space<vmem>>) offsets(%dma_start3A_82 : memref<128xi32, #tpu.memory_space<vmem>>) semaphore(%arg14 : memref<!tpu.dma_semaphore, #tpu.memory_space<semaphore_mem>>)
      %dma_start3A_90 = arith.constant 7 : i32
      %dma_start3A_91 = arith.constant 0 : i32
      %dma_start3A_92 = tpu.memref_slice %run_scoped3A[%dma_start3A_90, %dma_start3A_91] : memref<160x128xi32, #tpu.memory_space<vmem>> -> memref<1x128xi32, #tpu.memory_space<vmem>>
      %dma_start3A_93 = tpu.memref_squeeze %dma_start3A_92 : memref<1x128xi32, #tpu.memory_space<vmem>> -> memref<128xi32, #tpu.memory_space<vmem>>
      %dma_start3A_94 = arith.constant 0 : i32
      %dma_start3A_95 = arith.constant 0 : i32
      %dma_start3A_96 = tpu.memref_slice %arg2[%arg0, %dma_start3A_94, %dma_start3A_95] : memref<2x10240x32xf32, #tpu.memory_space<hbm>> -> memref<1x10240x32xf32, #tpu.memory_space<hbm>>
      %dma_start3A_97 = tpu.memref_squeeze %dma_start3A_96 : memref<1x10240x32xf32, #tpu.memory_space<hbm>> -> memref<10240x32xf32, #tpu.memory_space<hbm>>
      %dma_start3A_98 = arith.constant 0 : i32
      %dma_start3A_99 = arith.constant 0 : i32
      %dma_start3A_100 = tpu.memref_slice %dma_start3A_97[%dma_start3A_98, %dma_start3A_99] : memref<10240x32xf32, #tpu.memory_space<hbm>> -> memref<10240x32xf32, #tpu.memory_space<hbm>>
      tpu.enqueue_indirect_dma source(%dma_start3A_100 : memref<10240x32xf32, #tpu.memory_space<hbm>>) target(%run_scoped3A_9 : memref<128x32xf32, #tpu.memory_space<vmem>>) offsets(%dma_start3A_93 : memref<128xi32, #tpu.memory_space<vmem>>) semaphore(%arg15 : memref<!tpu.dma_semaphore, #tpu.memory_space<semaphore_mem>>)
      %scan3A_101 = arith.constant 0 : i32
      %scan3A_102 = arith.constant 20 : i32
      %scan3A_103 = arith.addi %scan3A_101, %scan3A_102 : i32
      %scan3A_104 = arith.constant 1 : i32
      scf.for %scan3A_167 = %scan3A_101 to %scan3A_103 step %scan3A_104  : i32 {
        %mul3A_168 = arith.constant 8 : i32
        %mul3A_169 = arith.muli %scan3A_167, %mul3A_168 : i32
        %add3A = arith.constant 0 : i32
        %add3A_170 = arith.addi %add3A, %mul3A_169 : i32
        %add3A_171 = arith.constant 0 : i32
        %add3A_172 = arith.addi %add3A_170, %add3A_171 : i32
        %dma_wait3A_173 = arith.constant 0 : i32
        %dma_wait3A_174 = tpu.memref_slice %run_scoped3A[%add3A_172, %dma_wait3A_173] : memref<160x128xi32, #tpu.memory_space<vmem>> -> memref<1x128xi32, #tpu.memory_space<vmem>>
        %dma_wait3A_175 = tpu.memref_squeeze %dma_wait3A_174 : memref<1x128xi32, #tpu.memory_space<vmem>> -> memref<128xi32, #tpu.memory_space<vmem>>
        %dma_wait3A_176 = arith.constant 0 : i32
        %dma_wait3A_177 = arith.constant 0 : i32
        %dma_wait3A_178 = tpu.memref_slice %arg2[%arg0, %dma_wait3A_176, %dma_wait3A_177] : memref<2x10240x32xf32, #tpu.memory_space<hbm>> -> memref<1x10240x32xf32, #tpu.memory_space<hbm>>
        %dma_wait3A_179 = tpu.memref_squeeze %dma_wait3A_178 : memref<1x10240x32xf32, #tpu.memory_space<hbm>> -> memref<10240x32xf32, #tpu.memory_space<hbm>>
        %dma_wait3A_180 = arith.constant 0 : i32
        %dma_wait3A_181 = arith.constant 0 : i32
        %dma_wait3A_182 = tpu.memref_slice %dma_wait3A_179[%dma_wait3A_180, %dma_wait3A_181] : memref<10240x32xf32, #tpu.memory_space<hbm>> -> memref<10240x32xf32, #tpu.memory_space<hbm>>
        tpu.wait_indirect_dma semaphore(%arg8 : memref<!tpu.dma_semaphore, #tpu.memory_space<semaphore_mem>>) src(%dma_wait3A_182 : memref<10240x32xf32, #tpu.memory_space<hbm>>) dst(%run_scoped3A_2 : memref<128x32xf32, #tpu.memory_space<vmem>>)
        %dma_start3A_183 = arith.constant 0 : i32
        %dma_start3A_184 = tpu.memref_slice %run_scoped3A_1[%add3A_172, %dma_start3A_183] : memref<160x128xi32, #tpu.memory_space<vmem>> -> memref<1x128xi32, #tpu.memory_space<vmem>>
        %dma_start3A_185 = tpu.memref_squeeze %dma_start3A_184 : memref<1x128xi32, #tpu.memory_space<vmem>> -> memref<128xi32, #tpu.memory_space<vmem>>
        %dma_start3A_186 = arith.constant 0 : i32
        %dma_start3A_187 = arith.constant 0 : i32
        %dma_start3A_188 = tpu.memref_slice %arg7[%dma_start3A_186, %dma_start3A_187] : memref<10240x32xf32, #tpu.memory_space<vmem_shared>> -> memref<10240x32xf32, #tpu.memory_space<vmem_shared>>
        tpu.enqueue_indirect_dma source(%run_scoped3A_2 : memref<128x32xf32, #tpu.memory_space<vmem>>) target(%dma_start3A_188 : memref<10240x32xf32, #tpu.memory_space<vmem_shared>>) offsets(%dma_start3A_185 : memref<128xi32, #tpu.memory_space<vmem>>) semaphore(%arg16 : memref<!tpu.dma_semaphore, #tpu.memory_space<semaphore_mem>>) {add = true}
        %add3A_189 = arith.constant 1 : i32
        %add3A_190 = arith.addi %add3A_170, %add3A_189 : i32
        %dma_wait3A_191 = arith.constant 0 : i32
        %dma_wait3A_192 = tpu.memref_slice %run_scoped3A[%add3A_190, %dma_wait3A_191] : memref<160x128xi32, #tpu.memory_space<vmem>> -> memref<1x128xi32, #tpu.memory_space<vmem>>
        %dma_wait3A_193 = tpu.memref_squeeze %dma_wait3A_192 : memref<1x128xi32, #tpu.memory_space<vmem>> -> memref<128xi32, #tpu.memory_space<vmem>>
        %dma_wait3A_194 = arith.constant 0 : i32
        %dma_wait3A_195 = arith.constant 0 : i32
        %dma_wait3A_196 = tpu.memref_slice %arg2[%arg0, %dma_wait3A_194, %dma_wait3A_195] : memref<2x10240x32xf32, #tpu.memory_space<hbm>> -> memref<1x10240x32xf32, #tpu.memory_space<hbm>>
        %dma_wait3A_197 = tpu.memref_squeeze %dma_wait3A_196 : memref<1x10240x32xf32, #tpu.memory_space<hbm>> -> memref<10240x32xf32, #tpu.memory_space<hbm>>
        %dma_wait3A_198 = arith.constant 0 : i32
        %dma_wait3A_199 = arith.constant 0 : i32
        %dma_wait3A_200 = tpu.memref_slice %dma_wait3A_197[%dma_wait3A_198, %dma_wait3A_199] : memref<10240x32xf32, #tpu.memory_space<hbm>> -> memref<10240x32xf32, #tpu.memory_space<hbm>>
        tpu.wait_indirect_dma semaphore(%arg9 : memref<!tpu.dma_semaphore, #tpu.memory_space<semaphore_mem>>) src(%dma_wait3A_200 : memref<10240x32xf32, #tpu.memory_space<hbm>>) dst(%run_scoped3A_3 : memref<128x32xf32, #tpu.memory_space<vmem>>)
        %dma_start3A_201 = arith.constant 0 : i32
        %dma_start3A_202 = tpu.memref_slice %run_scoped3A_1[%add3A_190, %dma_start3A_201] : memref<160x128xi32, #tpu.memory_space<vmem>> -> memref<1x128xi32, #tpu.memory_space<vmem>>
        %dma_start3A_203 = tpu.memref_squeeze %dma_start3A_202 : memref<1x128xi32, #tpu.memory_space<vmem>> -> memref<128xi32, #tpu.memory_space<vmem>>
        %dma_start3A_204 = arith.constant 0 : i32
        %dma_start3A_205 = arith.constant 0 : i32
        %dma_start3A_206 = tpu.memref_slice %arg7[%dma_start3A_204, %dma_start3A_205] : memref<10240x32xf32, #tpu.memory_space<vmem_shared>> -> memref<10240x32xf32, #tpu.memory_space<vmem_shared>>
        tpu.enqueue_indirect_dma source(%run_scoped3A_3 : memref<128x32xf32, #tpu.memory_space<vmem>>) target(%dma_start3A_206 : memref<10240x32xf32, #tpu.memory_space<vmem_shared>>) offsets(%dma_start3A_203 : memref<128xi32, #tpu.memory_space<vmem>>) semaphore(%arg17 : memref<!tpu.dma_semaphore, #tpu.memory_space<semaphore_mem>>) {add = true}
        %add3A_207 = arith.constant 2 : i32
        %add3A_208 = arith.addi %add3A_170, %add3A_207 : i32
        %dma_wait3A_209 = arith.constant 0 : i32
        %dma_wait3A_210 = tpu.memref_slice %run_scoped3A[%add3A_208, %dma_wait3A_209] : memref<160x128xi32, #tpu.memory_space<vmem>> -> memref<1x128xi32, #tpu.memory_space<vmem>>
        %dma_wait3A_211 = tpu.memref_squeeze %dma_wait3A_210 : memref<1x128xi32, #tpu.memory_space<vmem>> -> memref<128xi32, #tpu.memory_space<vmem>>
        %dma_wait3A_212 = arith.constant 0 : i32
        %dma_wait3A_213 = arith.constant 0 : i32
        %dma_wait3A_214 = tpu.memref_slice %arg2[%arg0, %dma_wait3A_212, %dma_wait3A_213] : memref<2x10240x32xf32, #tpu.memory_space<hbm>> -> memref<1x10240x32xf32, #tpu.memory_space<hbm>>
        %dma_wait3A_215 = tpu.memref_squeeze %dma_wait3A_214 : memref<1x10240x32xf32, #tpu.memory_space<hbm>> -> memref<10240x32xf32, #tpu.memory_space<hbm>>
        %dma_wait3A_216 = arith.constant 0 : i32
        %dma_wait3A_217 = arith.constant 0 : i32
        %dma_wait3A_218 = tpu.memref_slice %dma_wait3A_215[%dma_wait3A_216, %dma_wait3A_217] : memref<10240x32xf32, #tpu.memory_space<hbm>> -> memref<10240x32xf32, #tpu.memory_space<hbm>>
        tpu.wait_indirect_dma semaphore(%arg10 : memref<!tpu.dma_semaphore, #tpu.memory_space<semaphore_mem>>) src(%dma_wait3A_218 : memref<10240x32xf32, #tpu.memory_space<hbm>>) dst(%run_scoped3A_4 : memref<128x32xf32, #tpu.memory_space<vmem>>)
        %dma_start3A_219 = arith.constant 0 : i32
        %dma_start3A_220 = tpu.memref_slice %run_scoped3A_1[%add3A_208, %dma_start3A_219] : memref<160x128xi32, #tpu.memory_space<vmem>> -> memref<1x128xi32, #tpu.memory_space<vmem>>
        %dma_start3A_221 = tpu.memref_squeeze %dma_start3A_220 : memref<1x128xi32, #tpu.memory_space<vmem>> -> memref<128xi32, #tpu.memory_space<vmem>>
        %dma_start3A_222 = arith.constant 0 : i32
        %dma_start3A_223 = arith.constant 0 : i32
        %dma_start3A_224 = tpu.memref_slice %arg7[%dma_start3A_222, %dma_start3A_223] : memref<10240x32xf32, #tpu.memory_space<vmem_shared>> -> memref<10240x32xf32, #tpu.memory_space<vmem_shared>>
        tpu.enqueue_indirect_dma source(%run_scoped3A_4 : memref<128x32xf32, #tpu.memory_space<vmem>>) target(%dma_start3A_224 : memref<10240x32xf32, #tpu.memory_space<vmem_shared>>) offsets(%dma_start3A_221 : memref<128xi32, #tpu.memory_space<vmem>>) semaphore(%arg18 : memref<!tpu.dma_semaphore, #tpu.memory_space<semaphore_mem>>) {add = true}
        %add3A_225 = arith.constant 3 : i32
        %add3A_226 = arith.addi %add3A_170, %add3A_225 : i32
        %dma_wait3A_227 = arith.constant 0 : i32
        %dma_wait3A_228 = tpu.memref_slice %run_scoped3A[%add3A_226, %dma_wait3A_227] : memref<160x128xi32, #tpu.memory_space<vmem>> -> memref<1x128xi32, #tpu.memory_space<vmem>>
        %dma_wait3A_229 = tpu.memref_squeeze %dma_wait3A_228 : memref<1x128xi32, #tpu.memory_space<vmem>> -> memref<128xi32, #tpu.memory_space<vmem>>
        %dma_wait3A_230 = arith.constant 0 : i32
        %dma_wait3A_231 = arith.constant 0 : i32
        %dma_wait3A_232 = tpu.memref_slice %arg2[%arg0, %dma_wait3A_230, %dma_wait3A_231] : memref<2x10240x32xf32, #tpu.memory_space<hbm>> -> memref<1x10240x32xf32, #tpu.memory_space<hbm>>
        %dma_wait3A_233 = tpu.memref_squeeze %dma_wait3A_232 : memref<1x10240x32xf32, #tpu.memory_space<hbm>> -> memref<10240x32xf32, #tpu.memory_space<hbm>>
        %dma_wait3A_234 = arith.constant 0 : i32
        %dma_wait3A_235 = arith.constant 0 : i32
        %dma_wait3A_236 = tpu.memref_slice %dma_wait3A_233[%dma_wait3A_234, %dma_wait3A_235] : memref<10240x32xf32, #tpu.memory_space<hbm>> -> memref<10240x32xf32, #tpu.memory_space<hbm>>
        tpu.wait_indirect_dma semaphore(%arg11 : memref<!tpu.dma_semaphore, #tpu.memory_space<semaphore_mem>>) src(%dma_wait3A_236 : memref<10240x32xf32, #tpu.memory_space<hbm>>) dst(%run_scoped3A_5 : memref<128x32xf32, #tpu.memory_space<vmem>>)
        %dma_start3A_237 = arith.constant 0 : i32
        %dma_start3A_238 = tpu.memref_slice %run_scoped3A_1[%add3A_226, %dma_start3A_237] : memref<160x128xi32, #tpu.memory_space<vmem>> -> memref<1x128xi32, #tpu.memory_space<vmem>>
        %dma_start3A_239 = tpu.memref_squeeze %dma_start3A_238 : memref<1x128xi32, #tpu.memory_space<vmem>> -> memref<128xi32, #tpu.memory_space<vmem>>
        %dma_start3A_240 = arith.constant 0 : i32
        %dma_start3A_241 = arith.constant 0 : i32
        %dma_start3A_242 = tpu.memref_slice %arg7[%dma_start3A_240, %dma_start3A_241] : memref<10240x32xf32, #tpu.memory_space<vmem_shared>> -> memref<10240x32xf32, #tpu.memory_space<vmem_shared>>
        tpu.enqueue_indirect_dma source(%run_scoped3A_5 : memref<128x32xf32, #tpu.memory_space<vmem>>) target(%dma_start3A_242 : memref<10240x32xf32, #tpu.memory_space<vmem_shared>>) offsets(%dma_start3A_239 : memref<128xi32, #tpu.memory_space<vmem>>) semaphore(%arg19 : memref<!tpu.dma_semaphore, #tpu.memory_space<semaphore_mem>>) {add = true}
        %add3A_243 = arith.constant 4 : i32
        %add3A_244 = arith.addi %add3A_170, %add3A_243 : i32
        %dma_wait3A_245 = arith.constant 0 : i32
        %dma_wait3A_246 = tpu.memref_slice %run_scoped3A[%add3A_244, %dma_wait3A_245] : memref<160x128xi32, #tpu.memory_space<vmem>> -> memref<1x128xi32, #tpu.memory_space<vmem>>
        %dma_wait3A_247 = tpu.memref_squeeze %dma_wait3A_246 : memref<1x128xi32, #tpu.memory_space<vmem>> -> memref<128xi32, #tpu.memory_space<vmem>>
        %dma_wait3A_248 = arith.constant 0 : i32
        %dma_wait3A_249 = arith.constant 0 : i32
        %dma_wait3A_250 = tpu.memref_slice %arg2[%arg0, %dma_wait3A_248, %dma_wait3A_249] : memref<2x10240x32xf32, #tpu.memory_space<hbm>> -> memref<1x10240x32xf32, #tpu.memory_space<hbm>>
        %dma_wait3A_251 = tpu.memref_squeeze %dma_wait3A_250 : memref<1x10240x32xf32, #tpu.memory_space<hbm>> -> memref<10240x32xf32, #tpu.memory_space<hbm>>
        %dma_wait3A_252 = arith.constant 0 : i32
        %dma_wait3A_253 = arith.constant 0 : i32
        %dma_wait3A_254 = tpu.memref_slice %dma_wait3A_251[%dma_wait3A_252, %dma_wait3A_253] : memref<10240x32xf32, #tpu.memory_space<hbm>> -> memref<10240x32xf32, #tpu.memory_space<hbm>>
        tpu.wait_indirect_dma semaphore(%arg12 : memref<!tpu.dma_semaphore, #tpu.memory_space<semaphore_mem>>) src(%dma_wait3A_254 : memref<10240x32xf32, #tpu.memory_space<hbm>>) dst(%run_scoped3A_6 : memref<128x32xf32, #tpu.memory_space<vmem>>)
        %dma_start3A_255 = arith.constant 0 : i32
        %dma_start3A_256 = tpu.memref_slice %run_scoped3A_1[%add3A_244, %dma_start3A_255] : memref<160x128xi32, #tpu.memory_space<vmem>> -> memref<1x128xi32, #tpu.memory_space<vmem>>
        %dma_start3A_257 = tpu.memref_squeeze %dma_start3A_256 : memref<1x128xi32, #tpu.memory_space<vmem>> -> memref<128xi32, #tpu.memory_space<vmem>>
        %dma_start3A_258 = arith.constant 0 : i32
        %dma_start3A_259 = arith.constant 0 : i32
        %dma_start3A_260 = tpu.memref_slice %arg7[%dma_start3A_258, %dma_start3A_259] : memref<10240x32xf32, #tpu.memory_space<vmem_shared>> -> memref<10240x32xf32, #tpu.memory_space<vmem_shared>>
        tpu.enqueue_indirect_dma source(%run_scoped3A_6 : memref<128x32xf32, #tpu.memory_space<vmem>>) target(%dma_start3A_260 : memref<10240x32xf32, #tpu.memory_space<vmem_shared>>) offsets(%dma_start3A_257 : memref<128xi32, #tpu.memory_space<vmem>>) semaphore(%arg20 : memref<!tpu.dma_semaphore, #tpu.memory_space<semaphore_mem>>) {add = true}
        %add3A_261 = arith.constant 5 : i32
        %add3A_262 = arith.addi %add3A_170, %add3A_261 : i32
        %dma_wait3A_263 = arith.constant 0 : i32
        %dma_wait3A_264 = tpu.memref_slice %run_scoped3A[%add3A_262, %dma_wait3A_263] : memref<160x128xi32, #tpu.memory_space<vmem>> -> memref<1x128xi32, #tpu.memory_space<vmem>>
        %dma_wait3A_265 = tpu.memref_squeeze %dma_wait3A_264 : memref<1x128xi32, #tpu.memory_space<vmem>> -> memref<128xi32, #tpu.memory_space<vmem>>
        %dma_wait3A_266 = arith.constant 0 : i32
        %dma_wait3A_267 = arith.constant 0 : i32
        %dma_wait3A_268 = tpu.memref_slice %arg2[%arg0, %dma_wait3A_266, %dma_wait3A_267] : memref<2x10240x32xf32, #tpu.memory_space<hbm>> -> memref<1x10240x32xf32, #tpu.memory_space<hbm>>
        %dma_wait3A_269 = tpu.memref_squeeze %dma_wait3A_268 : memref<1x10240x32xf32, #tpu.memory_space<hbm>> -> memref<10240x32xf32, #tpu.memory_space<hbm>>
        %dma_wait3A_270 = arith.constant 0 : i32
        %dma_wait3A_271 = arith.constant 0 : i32
        %dma_wait3A_272 = tpu.memref_slice %dma_wait3A_269[%dma_wait3A_270, %dma_wait3A_271] : memref<10240x32xf32, #tpu.memory_space<hbm>> -> memref<10240x32xf32, #tpu.memory_space<hbm>>
        tpu.wait_indirect_dma semaphore(%arg13 : memref<!tpu.dma_semaphore, #tpu.memory_space<semaphore_mem>>) src(%dma_wait3A_272 : memref<10240x32xf32, #tpu.memory_space<hbm>>) dst(%run_scoped3A_7 : memref<128x32xf32, #tpu.memory_space<vmem>>)
        %dma_start3A_273 = arith.constant 0 : i32
        %dma_start3A_274 = tpu.memref_slice %run_scoped3A_1[%add3A_262, %dma_start3A_273] : memref<160x128xi32, #tpu.memory_space<vmem>> -> memref<1x128xi32, #tpu.memory_space<vmem>>
        %dma_start3A_275 = tpu.memref_squeeze %dma_start3A_274 : memref<1x128xi32, #tpu.memory_space<vmem>> -> memref<128xi32, #tpu.memory_space<vmem>>
        %dma_start3A_276 = arith.constant 0 : i32
        %dma_start3A_277 = arith.constant 0 : i32
        %dma_start3A_278 = tpu.memref_slice %arg7[%dma_start3A_276, %dma_start3A_277] : memref<10240x32xf32, #tpu.memory_space<vmem_shared>> -> memref<10240x32xf32, #tpu.memory_space<vmem_shared>>
        tpu.enqueue_indirect_dma source(%run_scoped3A_7 : memref<128x32xf32, #tpu.memory_space<vmem>>) target(%dma_start3A_278 : memref<10240x32xf32, #tpu.memory_space<vmem_shared>>) offsets(%dma_start3A_275 : memref<128xi32, #tpu.memory_space<vmem>>) semaphore(%arg21 : memref<!tpu.dma_semaphore, #tpu.memory_space<semaphore_mem>>) {add = true}
        %add3A_279 = arith.constant 6 : i32
        %add3A_280 = arith.addi %add3A_170, %add3A_279 : i32
        %dma_wait3A_281 = arith.constant 0 : i32
        %dma_wait3A_282 = tpu.memref_slice %run_scoped3A[%add3A_280, %dma_wait3A_281] : memref<160x128xi32, #tpu.memory_space<vmem>> -> memref<1x128xi32, #tpu.memory_space<vmem>>
        %dma_wait3A_283 = tpu.memref_squeeze %dma_wait3A_282 : memref<1x128xi32, #tpu.memory_space<vmem>> -> memref<128xi32, #tpu.memory_space<vmem>>
        %dma_wait3A_284 = arith.constant 0 : i32
        %dma_wait3A_285 = arith.constant 0 : i32
        %dma_wait3A_286 = tpu.memref_slice %arg2[%arg0, %dma_wait3A_284, %dma_wait3A_285] : memref<2x10240x32xf32, #tpu.memory_space<hbm>> -> memref<1x10240x32xf32, #tpu.memory_space<hbm>>
        %dma_wait3A_287 = tpu.memref_squeeze %dma_wait3A_286 : memref<1x10240x32xf32, #tpu.memory_space<hbm>> -> memref<10240x32xf32, #tpu.memory_space<hbm>>
        %dma_wait3A_288 = arith.constant 0 : i32
        %dma_wait3A_289 = arith.constant 0 : i32
        %dma_wait3A_290 = tpu.memref_slice %dma_wait3A_287[%dma_wait3A_288, %dma_wait3A_289] : memref<10240x32xf32, #tpu.memory_space<hbm>> -> memref<10240x32xf32, #tpu.memory_space<hbm>>
        tpu.wait_indirect_dma semaphore(%arg14 : memref<!tpu.dma_semaphore, #tpu.memory_space<semaphore_mem>>) src(%dma_wait3A_290 : memref<10240x32xf32, #tpu.memory_space<hbm>>) dst(%run_scoped3A_8 : memref<128x32xf32, #tpu.memory_space<vmem>>)
        %dma_start3A_291 = arith.constant 0 : i32
        %dma_start3A_292 = tpu.memref_slice %run_scoped3A_1[%add3A_280, %dma_start3A_291] : memref<160x128xi32, #tpu.memory_space<vmem>> -> memref<1x128xi32, #tpu.memory_space<vmem>>
        %dma_start3A_293 = tpu.memref_squeeze %dma_start3A_292 : memref<1x128xi32, #tpu.memory_space<vmem>> -> memref<128xi32, #tpu.memory_space<vmem>>
        %dma_start3A_294 = arith.constant 0 : i32
        %dma_start3A_295 = arith.constant 0 : i32
        %dma_start3A_296 = tpu.memref_slice %arg7[%dma_start3A_294, %dma_start3A_295] : memref<10240x32xf32, #tpu.memory_space<vmem_shared>> -> memref<10240x32xf32, #tpu.memory_space<vmem_shared>>
        tpu.enqueue_indirect_dma source(%run_scoped3A_8 : memref<128x32xf32, #tpu.memory_space<vmem>>) target(%dma_start3A_296 : memref<10240x32xf32, #tpu.memory_space<vmem_shared>>) offsets(%dma_start3A_293 : memref<128xi32, #tpu.memory_space<vmem>>) semaphore(%arg22 : memref<!tpu.dma_semaphore, #tpu.memory_space<semaphore_mem>>) {add = true}
        %add3A_297 = arith.constant 7 : i32
        %add3A_298 = arith.addi %add3A_170, %add3A_297 : i32
        %dma_wait3A_299 = arith.constant 0 : i32
        %dma_wait3A_300 = tpu.memref_slice %run_scoped3A[%add3A_298, %dma_wait3A_299] : memref<160x128xi32, #tpu.memory_space<vmem>> -> memref<1x128xi32, #tpu.memory_space<vmem>>
        %dma_wait3A_301 = tpu.memref_squeeze %dma_wait3A_300 : memref<1x128xi32, #tpu.memory_space<vmem>> -> memref<128xi32, #tpu.memory_space<vmem>>
        %dma_wait3A_302 = arith.constant 0 : i32
        %dma_wait3A_303 = arith.constant 0 : i32
        %dma_wait3A_304 = tpu.memref_slice %arg2[%arg0, %dma_wait3A_302, %dma_wait3A_303] : memref<2x10240x32xf32, #tpu.memory_space<hbm>> -> memref<1x10240x32xf32, #tpu.memory_space<hbm>>
        %dma_wait3A_305 = tpu.memref_squeeze %dma_wait3A_304 : memref<1x10240x32xf32, #tpu.memory_space<hbm>> -> memref<10240x32xf32, #tpu.memory_space<hbm>>
        %dma_wait3A_306 = arith.constant 0 : i32
        %dma_wait3A_307 = arith.constant 0 : i32
        %dma_wait3A_308 = tpu.memref_slice %dma_wait3A_305[%dma_wait3A_306, %dma_wait3A_307] : memref<10240x32xf32, #tpu.memory_space<hbm>> -> memref<10240x32xf32, #tpu.memory_space<hbm>>
        tpu.wait_indirect_dma semaphore(%arg15 : memref<!tpu.dma_semaphore, #tpu.memory_space<semaphore_mem>>) src(%dma_wait3A_308 : memref<10240x32xf32, #tpu.memory_space<hbm>>) dst(%run_scoped3A_9 : memref<128x32xf32, #tpu.memory_space<vmem>>)
        %dma_start3A_309 = arith.constant 0 : i32
        %dma_start3A_310 = tpu.memref_slice %run_scoped3A_1[%add3A_298, %dma_start3A_309] : memref<160x128xi32, #tpu.memory_space<vmem>> -> memref<1x128xi32, #tpu.memory_space<vmem>>
        %dma_start3A_311 = tpu.memref_squeeze %dma_start3A_310 : memref<1x128xi32, #tpu.memory_space<vmem>> -> memref<128xi32, #tpu.memory_space<vmem>>
        %dma_start3A_312 = arith.constant 0 : i32
        %dma_start3A_313 = arith.constant 0 : i32
        %dma_start3A_314 = tpu.memref_slice %arg7[%dma_start3A_312, %dma_start3A_313] : memref<10240x32xf32, #tpu.memory_space<vmem_shared>> -> memref<10240x32xf32, #tpu.memory_space<vmem_shared>>
        tpu.enqueue_indirect_dma source(%run_scoped3A_9 : memref<128x32xf32, #tpu.memory_space<vmem>>) target(%dma_start3A_314 : memref<10240x32xf32, #tpu.memory_space<vmem_shared>>) offsets(%dma_start3A_311 : memref<128xi32, #tpu.memory_space<vmem>>) semaphore(%arg23 : memref<!tpu.dma_semaphore, #tpu.memory_space<semaphore_mem>>) {add = true}
        %add3A_315 = arith.constant 0 : i32
        %add3A_316 = arith.addi %add3A_170, %add3A_315 : i32
        %add3A_317 = arith.constant 8 : i32
        %add3A_318 = arith.addi %add3A_316, %add3A_317 : i32
        %lt3A = arith.constant 160 : i32
        %lt3A_319 = arith.cmpi slt, %add3A_318, %lt3A : i32
        %convert_element_type3A = arith.extui %lt3A_319 : i1 to i32
        %cond3A = arith.constant 0 : i32
        %cond3A_320 = arith.cmpi ne, %convert_element_type3A, %cond3A : i32
        scf.if %cond3A_320 {
          %dma_wait3A_384 = arith.constant 0 : i32
          %dma_wait3A_385 = tpu.memref_slice %run_scoped3A_1[%add3A_316, %dma_wait3A_384] : memref<160x128xi32, #tpu.memory_space<vmem>> -> memref<1x128xi32, #tpu.memory_space<vmem>>
          %dma_wait3A_386 = tpu.memref_squeeze %dma_wait3A_385 : memref<1x128xi32, #tpu.memory_space<vmem>> -> memref<128xi32, #tpu.memory_space<vmem>>
          %dma_wait3A_387 = arith.constant 0 : i32
          %dma_wait3A_388 = arith.constant 0 : i32
          %dma_wait3A_389 = tpu.memref_slice %arg7[%dma_wait3A_387, %dma_wait3A_388] : memref<10240x32xf32, #tpu.memory_space<vmem_shared>> -> memref<10240x32xf32, #tpu.memory_space<vmem_shared>>
          tpu.wait_indirect_dma semaphore(%arg16 : memref<!tpu.dma_semaphore, #tpu.memory_space<semaphore_mem>>) src(%run_scoped3A_2 : memref<128x32xf32, #tpu.memory_space<vmem>>) dst(%dma_wait3A_389 : memref<10240x32xf32, #tpu.memory_space<vmem_shared>>)
          %add3A_390 = arith.constant 8 : i32
          %add3A_391 = arith.addi %add3A_316, %add3A_390 : i32
          %dma_start3A_392 = arith.constant 0 : i32
          %dma_start3A_393 = tpu.memref_slice %run_scoped3A[%add3A_391, %dma_start3A_392] : memref<160x128xi32, #tpu.memory_space<vmem>> -> memref<1x128xi32, #tpu.memory_space<vmem>>
          %dma_start3A_394 = tpu.memref_squeeze %dma_start3A_393 : memref<1x128xi32, #tpu.memory_space<vmem>> -> memref<128xi32, #tpu.memory_space<vmem>>
          %dma_start3A_395 = arith.constant 0 : i32
          %dma_start3A_396 = arith.constant 0 : i32
          %dma_start3A_397 = tpu.memref_slice %arg2[%arg0, %dma_start3A_395, %dma_start3A_396] : memref<2x10240x32xf32, #tpu.memory_space<hbm>> -> memref<1x10240x32xf32, #tpu.memory_space<hbm>>
          %dma_start3A_398 = tpu.memref_squeeze %dma_start3A_397 : memref<1x10240x32xf32, #tpu.memory_space<hbm>> -> memref<10240x32xf32, #tpu.memory_space<hbm>>
          %dma_start3A_399 = arith.constant 0 : i32
          %dma_start3A_400 = arith.constant 0 : i32
          %dma_start3A_401 = tpu.memref_slice %dma_start3A_398[%dma_start3A_399, %dma_start3A_400] : memref<10240x32xf32, #tpu.memory_space<hbm>> -> memref<10240x32xf32, #tpu.memory_space<hbm>>
          tpu.enqueue_indirect_dma source(%dma_start3A_401 : memref<10240x32xf32, #tpu.memory_space<hbm>>) target(%run_scoped3A_2 : memref<128x32xf32, #tpu.memory_space<vmem>>) offsets(%dma_start3A_394 : memref<128xi32, #tpu.memory_space<vmem>>) semaphore(%arg8 : memref<!tpu.dma_semaphore, #tpu.memory_space<semaphore_mem>>)
        } else {
        }
        %add3A_321 = arith.constant 1 : i32
        %add3A_322 = arith.addi %add3A_170, %add3A_321 : i32
        %add3A_323 = arith.constant 8 : i32
        %add3A_324 = arith.addi %add3A_322, %add3A_323 : i32
        %lt3A_325 = arith.constant 160 : i32
        %lt3A_326 = arith.cmpi slt, %add3A_324, %lt3A_325 : i32
        %convert_element_type3A_327 = arith.extui %lt3A_326 : i1 to i32
        %cond3A_328 = arith.constant 0 : i32
        %cond3A_329 = arith.cmpi ne, %convert_element_type3A_327, %cond3A_328 : i32
        scf.if %cond3A_329 {
          %dma_wait3A_384 = arith.constant 0 : i32
          %dma_wait3A_385 = tpu.memref_slice %run_scoped3A_1[%add3A_322, %dma_wait3A_384] : memref<160x128xi32, #tpu.memory_space<vmem>> -> memref<1x128xi32, #tpu.memory_space<vmem>>
          %dma_wait3A_386 = tpu.memref_squeeze %dma_wait3A_385 : memref<1x128xi32, #tpu.memory_space<vmem>> -> memref<128xi32, #tpu.memory_space<vmem>>
          %dma_wait3A_387 = arith.constant 0 : i32
          %dma_wait3A_388 = arith.constant 0 : i32
          %dma_wait3A_389 = tpu.memref_slice %arg7[%dma_wait3A_387, %dma_wait3A_388] : memref<10240x32xf32, #tpu.memory_space<vmem_shared>> -> memref<10240x32xf32, #tpu.memory_space<vmem_shared>>
          tpu.wait_indirect_dma semaphore(%arg17 : memref<!tpu.dma_semaphore, #tpu.memory_space<semaphore_mem>>) src(%run_scoped3A_3 : memref<128x32xf32, #tpu.memory_space<vmem>>) dst(%dma_wait3A_389 : memref<10240x32xf32, #tpu.memory_space<vmem_shared>>)
          %add3A_390 = arith.constant 8 : i32
          %add3A_391 = arith.addi %add3A_322, %add3A_390 : i32
          %dma_start3A_392 = arith.constant 0 : i32
          %dma_start3A_393 = tpu.memref_slice %run_scoped3A[%add3A_391, %dma_start3A_392] : memref<160x128xi32, #tpu.memory_space<vmem>> -> memref<1x128xi32, #tpu.memory_space<vmem>>
          %dma_start3A_394 = tpu.memref_squeeze %dma_start3A_393 : memref<1x128xi32, #tpu.memory_space<vmem>> -> memref<128xi32, #tpu.memory_space<vmem>>
          %dma_start3A_395 = arith.constant 0 : i32
          %dma_start3A_396 = arith.constant 0 : i32
          %dma_start3A_397 = tpu.memref_slice %arg2[%arg0, %dma_start3A_395, %dma_start3A_396] : memref<2x10240x32xf32, #tpu.memory_space<hbm>> -> memref<1x10240x32xf32, #tpu.memory_space<hbm>>
          %dma_start3A_398 = tpu.memref_squeeze %dma_start3A_397 : memref<1x10240x32xf32, #tpu.memory_space<hbm>> -> memref<10240x32xf32, #tpu.memory_space<hbm>>
          %dma_start3A_399 = arith.constant 0 : i32
          %dma_start3A_400 = arith.constant 0 : i32
          %dma_start3A_401 = tpu.memref_slice %dma_start3A_398[%dma_start3A_399, %dma_start3A_400] : memref<10240x32xf32, #tpu.memory_space<hbm>> -> memref<10240x32xf32, #tpu.memory_space<hbm>>
          tpu.enqueue_indirect_dma source(%dma_start3A_401 : memref<10240x32xf32, #tpu.memory_space<hbm>>) target(%run_scoped3A_3 : memref<128x32xf32, #tpu.memory_space<vmem>>) offsets(%dma_start3A_394 : memref<128xi32, #tpu.memory_space<vmem>>) semaphore(%arg9 : memref<!tpu.dma_semaphore, #tpu.memory_space<semaphore_mem>>)
        } else {
        }
        %add3A_330 = arith.constant 2 : i32
        %add3A_331 = arith.addi %add3A_170, %add3A_330 : i32
        %add3A_332 = arith.constant 8 : i32
        %add3A_333 = arith.addi %add3A_331, %add3A_332 : i32
        %lt3A_334 = arith.constant 160 : i32
        %lt3A_335 = arith.cmpi slt, %add3A_333, %lt3A_334 : i32
        %convert_element_type3A_336 = arith.extui %lt3A_335 : i1 to i32
        %cond3A_337 = arith.constant 0 : i32
        %cond3A_338 = arith.cmpi ne, %convert_element_type3A_336, %cond3A_337 : i32
        scf.if %cond3A_338 {
          %dma_wait3A_384 = arith.constant 0 : i32
          %dma_wait3A_385 = tpu.memref_slice %run_scoped3A_1[%add3A_331, %dma_wait3A_384] : memref<160x128xi32, #tpu.memory_space<vmem>> -> memref<1x128xi32, #tpu.memory_space<vmem>>
          %dma_wait3A_386 = tpu.memref_squeeze %dma_wait3A_385 : memref<1x128xi32, #tpu.memory_space<vmem>> -> memref<128xi32, #tpu.memory_space<vmem>>
          %dma_wait3A_387 = arith.constant 0 : i32
          %dma_wait3A_388 = arith.constant 0 : i32
          %dma_wait3A_389 = tpu.memref_slice %arg7[%dma_wait3A_387, %dma_wait3A_388] : memref<10240x32xf32, #tpu.memory_space<vmem_shared>> -> memref<10240x32xf32, #tpu.memory_space<vmem_shared>>
          tpu.wait_indirect_dma semaphore(%arg18 : memref<!tpu.dma_semaphore, #tpu.memory_space<semaphore_mem>>) src(%run_scoped3A_4 : memref<128x32xf32, #tpu.memory_space<vmem>>) dst(%dma_wait3A_389 : memref<10240x32xf32, #tpu.memory_space<vmem_shared>>)
          %add3A_390 = arith.constant 8 : i32
          %add3A_391 = arith.addi %add3A_331, %add3A_390 : i32
          %dma_start3A_392 = arith.constant 0 : i32
          %dma_start3A_393 = tpu.memref_slice %run_scoped3A[%add3A_391, %dma_start3A_392] : memref<160x128xi32, #tpu.memory_space<vmem>> -> memref<1x128xi32, #tpu.memory_space<vmem>>
          %dma_start3A_394 = tpu.memref_squeeze %dma_start3A_393 : memref<1x128xi32, #tpu.memory_space<vmem>> -> memref<128xi32, #tpu.memory_space<vmem>>
          %dma_start3A_395 = arith.constant 0 : i32
          %dma_start3A_396 = arith.constant 0 : i32
          %dma_start3A_397 = tpu.memref_slice %arg2[%arg0, %dma_start3A_395, %dma_start3A_396] : memref<2x10240x32xf32, #tpu.memory_space<hbm>> -> memref<1x10240x32xf32, #tpu.memory_space<hbm>>
          %dma_start3A_398 = tpu.memref_squeeze %dma_start3A_397 : memref<1x10240x32xf32, #tpu.memory_space<hbm>> -> memref<10240x32xf32, #tpu.memory_space<hbm>>
          %dma_start3A_399 = arith.constant 0 : i32
          %dma_start3A_400 = arith.constant 0 : i32
          %dma_start3A_401 = tpu.memref_slice %dma_start3A_398[%dma_start3A_399, %dma_start3A_400] : memref<10240x32xf32, #tpu.memory_space<hbm>> -> memref<10240x32xf32, #tpu.memory_space<hbm>>
          tpu.enqueue_indirect_dma source(%dma_start3A_401 : memref<10240x32xf32, #tpu.memory_space<hbm>>) target(%run_scoped3A_4 : memref<128x32xf32, #tpu.memory_space<vmem>>) offsets(%dma_start3A_394 : memref<128xi32, #tpu.memory_space<vmem>>) semaphore(%arg10 : memref<!tpu.dma_semaphore, #tpu.memory_space<semaphore_mem>>)
        } else {
        }
        %add3A_339 = arith.constant 3 : i32
        %add3A_340 = arith.addi %add3A_170, %add3A_339 : i32
        %add3A_341 = arith.constant 8 : i32
        %add3A_342 = arith.addi %add3A_340, %add3A_341 : i32
        %lt3A_343 = arith.constant 160 : i32
        %lt3A_344 = arith.cmpi slt, %add3A_342, %lt3A_343 : i32
        %convert_element_type3A_345 = arith.extui %lt3A_344 : i1 to i32
        %cond3A_346 = arith.constant 0 : i32
        %cond3A_347 = arith.cmpi ne, %convert_element_type3A_345, %cond3A_346 : i32
        scf.if %cond3A_347 {
          %dma_wait3A_384 = arith.constant 0 : i32
          %dma_wait3A_385 = tpu.memref_slice %run_scoped3A_1[%add3A_340, %dma_wait3A_384] : memref<160x128xi32, #tpu.memory_space<vmem>> -> memref<1x128xi32, #tpu.memory_space<vmem>>
          %dma_wait3A_386 = tpu.memref_squeeze %dma_wait3A_385 : memref<1x128xi32, #tpu.memory_space<vmem>> -> memref<128xi32, #tpu.memory_space<vmem>>
          %dma_wait3A_387 = arith.constant 0 : i32
          %dma_wait3A_388 = arith.constant 0 : i32
          %dma_wait3A_389 = tpu.memref_slice %arg7[%dma_wait3A_387, %dma_wait3A_388] : memref<10240x32xf32, #tpu.memory_space<vmem_shared>> -> memref<10240x32xf32, #tpu.memory_space<vmem_shared>>
          tpu.wait_indirect_dma semaphore(%arg19 : memref<!tpu.dma_semaphore, #tpu.memory_space<semaphore_mem>>) src(%run_scoped3A_5 : memref<128x32xf32, #tpu.memory_space<vmem>>) dst(%dma_wait3A_389 : memref<10240x32xf32, #tpu.memory_space<vmem_shared>>)
          %add3A_390 = arith.constant 8 : i32
          %add3A_391 = arith.addi %add3A_340, %add3A_390 : i32
          %dma_start3A_392 = arith.constant 0 : i32
          %dma_start3A_393 = tpu.memref_slice %run_scoped3A[%add3A_391, %dma_start3A_392] : memref<160x128xi32, #tpu.memory_space<vmem>> -> memref<1x128xi32, #tpu.memory_space<vmem>>
          %dma_start3A_394 = tpu.memref_squeeze %dma_start3A_393 : memref<1x128xi32, #tpu.memory_space<vmem>> -> memref<128xi32, #tpu.memory_space<vmem>>
          %dma_start3A_395 = arith.constant 0 : i32
          %dma_start3A_396 = arith.constant 0 : i32
          %dma_start3A_397 = tpu.memref_slice %arg2[%arg0, %dma_start3A_395, %dma_start3A_396] : memref<2x10240x32xf32, #tpu.memory_space<hbm>> -> memref<1x10240x32xf32, #tpu.memory_space<hbm>>
          %dma_start3A_398 = tpu.memref_squeeze %dma_start3A_397 : memref<1x10240x32xf32, #tpu.memory_space<hbm>> -> memref<10240x32xf32, #tpu.memory_space<hbm>>
          %dma_start3A_399 = arith.constant 0 : i32
          %dma_start3A_400 = arith.constant 0 : i32
          %dma_start3A_401 = tpu.memref_slice %dma_start3A_398[%dma_start3A_399, %dma_start3A_400] : memref<10240x32xf32, #tpu.memory_space<hbm>> -> memref<10240x32xf32, #tpu.memory_space<hbm>>
          tpu.enqueue_indirect_dma source(%dma_start3A_401 : memref<10240x32xf32, #tpu.memory_space<hbm>>) target(%run_scoped3A_5 : memref<128x32xf32, #tpu.memory_space<vmem>>) offsets(%dma_start3A_394 : memref<128xi32, #tpu.memory_space<vmem>>) semaphore(%arg11 : memref<!tpu.dma_semaphore, #tpu.memory_space<semaphore_mem>>)
        } else {
        }
        %add3A_348 = arith.constant 4 : i32
        %add3A_349 = arith.addi %add3A_170, %add3A_348 : i32
        %add3A_350 = arith.constant 8 : i32
        %add3A_351 = arith.addi %add3A_349, %add3A_350 : i32
        %lt3A_352 = arith.constant 160 : i32
        %lt3A_353 = arith.cmpi slt, %add3A_351, %lt3A_352 : i32
        %convert_element_type3A_354 = arith.extui %lt3A_353 : i1 to i32
        %cond3A_355 = arith.constant 0 : i32
        %cond3A_356 = arith.cmpi ne, %convert_element_type3A_354, %cond3A_355 : i32
        scf.if %cond3A_356 {
          %dma_wait3A_384 = arith.constant 0 : i32
          %dma_wait3A_385 = tpu.memref_slice %run_scoped3A_1[%add3A_349, %dma_wait3A_384] : memref<160x128xi32, #tpu.memory_space<vmem>> -> memref<1x128xi32, #tpu.memory_space<vmem>>
          %dma_wait3A_386 = tpu.memref_squeeze %dma_wait3A_385 : memref<1x128xi32, #tpu.memory_space<vmem>> -> memref<128xi32, #tpu.memory_space<vmem>>
          %dma_wait3A_387 = arith.constant 0 : i32
          %dma_wait3A_388 = arith.constant 0 : i32
          %dma_wait3A_389 = tpu.memref_slice %arg7[%dma_wait3A_387, %dma_wait3A_388] : memref<10240x32xf32, #tpu.memory_space<vmem_shared>> -> memref<10240x32xf32, #tpu.memory_space<vmem_shared>>
          tpu.wait_indirect_dma semaphore(%arg20 : memref<!tpu.dma_semaphore, #tpu.memory_space<semaphore_mem>>) src(%run_scoped3A_6 : memref<128x32xf32, #tpu.memory_space<vmem>>) dst(%dma_wait3A_389 : memref<10240x32xf32, #tpu.memory_space<vmem_shared>>)
          %add3A_390 = arith.constant 8 : i32
          %add3A_391 = arith.addi %add3A_349, %add3A_390 : i32
          %dma_start3A_392 = arith.constant 0 : i32
          %dma_start3A_393 = tpu.memref_slice %run_scoped3A[%add3A_391, %dma_start3A_392] : memref<160x128xi32, #tpu.memory_space<vmem>> -> memref<1x128xi32, #tpu.memory_space<vmem>>
          %dma_start3A_394 = tpu.memref_squeeze %dma_start3A_393 : memref<1x128xi32, #tpu.memory_space<vmem>> -> memref<128xi32, #tpu.memory_space<vmem>>
          %dma_start3A_395 = arith.constant 0 : i32
          %dma_start3A_396 = arith.constant 0 : i32
          %dma_start3A_397 = tpu.memref_slice %arg2[%arg0, %dma_start3A_395, %dma_start3A_396] : memref<2x10240x32xf32, #tpu.memory_space<hbm>> -> memref<1x10240x32xf32, #tpu.memory_space<hbm>>
          %dma_start3A_398 = tpu.memref_squeeze %dma_start3A_397 : memref<1x10240x32xf32, #tpu.memory_space<hbm>> -> memref<10240x32xf32, #tpu.memory_space<hbm>>
          %dma_start3A_399 = arith.constant 0 : i32
          %dma_start3A_400 = arith.constant 0 : i32
          %dma_start3A_401 = tpu.memref_slice %dma_start3A_398[%dma_start3A_399, %dma_start3A_400] : memref<10240x32xf32, #tpu.memory_space<hbm>> -> memref<10240x32xf32, #tpu.memory_space<hbm>>
          tpu.enqueue_indirect_dma source(%dma_start3A_401 : memref<10240x32xf32, #tpu.memory_space<hbm>>) target(%run_scoped3A_6 : memref<128x32xf32, #tpu.memory_space<vmem>>) offsets(%dma_start3A_394 : memref<128xi32, #tpu.memory_space<vmem>>) semaphore(%arg12 : memref<!tpu.dma_semaphore, #tpu.memory_space<semaphore_mem>>)
        } else {
        }
        %add3A_357 = arith.constant 5 : i32
        %add3A_358 = arith.addi %add3A_170, %add3A_357 : i32
        %add3A_359 = arith.constant 8 : i32
        %add3A_360 = arith.addi %add3A_358, %add3A_359 : i32
        %lt3A_361 = arith.constant 160 : i32
        %lt3A_362 = arith.cmpi slt, %add3A_360, %lt3A_361 : i32
        %convert_element_type3A_363 = arith.extui %lt3A_362 : i1 to i32
        %cond3A_364 = arith.constant 0 : i32
        %cond3A_365 = arith.cmpi ne, %convert_element_type3A_363, %cond3A_364 : i32
        scf.if %cond3A_365 {
          %dma_wait3A_384 = arith.constant 0 : i32
          %dma_wait3A_385 = tpu.memref_slice %run_scoped3A_1[%add3A_358, %dma_wait3A_384] : memref<160x128xi32, #tpu.memory_space<vmem>> -> memref<1x128xi32, #tpu.memory_space<vmem>>
          %dma_wait3A_386 = tpu.memref_squeeze %dma_wait3A_385 : memref<1x128xi32, #tpu.memory_space<vmem>> -> memref<128xi32, #tpu.memory_space<vmem>>
          %dma_wait3A_387 = arith.constant 0 : i32
          %dma_wait3A_388 = arith.constant 0 : i32
          %dma_wait3A_389 = tpu.memref_slice %arg7[%dma_wait3A_387, %dma_wait3A_388] : memref<10240x32xf32, #tpu.memory_space<vmem_shared>> -> memref<10240x32xf32, #tpu.memory_space<vmem_shared>>
          tpu.wait_indirect_dma semaphore(%arg21 : memref<!tpu.dma_semaphore, #tpu.memory_space<semaphore_mem>>) src(%run_scoped3A_7 : memref<128x32xf32, #tpu.memory_space<vmem>>) dst(%dma_wait3A_389 : memref<10240x32xf32, #tpu.memory_space<vmem_shared>>)
          %add3A_390 = arith.constant 8 : i32
          %add3A_391 = arith.addi %add3A_358, %add3A_390 : i32
          %dma_start3A_392 = arith.constant 0 : i32
          %dma_start3A_393 = tpu.memref_slice %run_scoped3A[%add3A_391, %dma_start3A_392] : memref<160x128xi32, #tpu.memory_space<vmem>> -> memref<1x128xi32, #tpu.memory_space<vmem>>
          %dma_start3A_394 = tpu.memref_squeeze %dma_start3A_393 : memref<1x128xi32, #tpu.memory_space<vmem>> -> memref<128xi32, #tpu.memory_space<vmem>>
          %dma_start3A_395 = arith.constant 0 : i32
          %dma_start3A_396 = arith.constant 0 : i32
          %dma_start3A_397 = tpu.memref_slice %arg2[%arg0, %dma_start3A_395, %dma_start3A_396] : memref<2x10240x32xf32, #tpu.memory_space<hbm>> -> memref<1x10240x32xf32, #tpu.memory_space<hbm>>
          %dma_start3A_398 = tpu.memref_squeeze %dma_start3A_397 : memref<1x10240x32xf32, #tpu.memory_space<hbm>> -> memref<10240x32xf32, #tpu.memory_space<hbm>>
          %dma_start3A_399 = arith.constant 0 : i32
          %dma_start3A_400 = arith.constant 0 : i32
          %dma_start3A_401 = tpu.memref_slice %dma_start3A_398[%dma_start3A_399, %dma_start3A_400] : memref<10240x32xf32, #tpu.memory_space<hbm>> -> memref<10240x32xf32, #tpu.memory_space<hbm>>
          tpu.enqueue_indirect_dma source(%dma_start3A_401 : memref<10240x32xf32, #tpu.memory_space<hbm>>) target(%run_scoped3A_7 : memref<128x32xf32, #tpu.memory_space<vmem>>) offsets(%dma_start3A_394 : memref<128xi32, #tpu.memory_space<vmem>>) semaphore(%arg13 : memref<!tpu.dma_semaphore, #tpu.memory_space<semaphore_mem>>)
        } else {
        }
        %add3A_366 = arith.constant 6 : i32
        %add3A_367 = arith.addi %add3A_170, %add3A_366 : i32
        %add3A_368 = arith.constant 8 : i32
        %add3A_369 = arith.addi %add3A_367, %add3A_368 : i32
        %lt3A_370 = arith.constant 160 : i32
        %lt3A_371 = arith.cmpi slt, %add3A_369, %lt3A_370 : i32
        %convert_element_type3A_372 = arith.extui %lt3A_371 : i1 to i32
        %cond3A_373 = arith.constant 0 : i32
        %cond3A_374 = arith.cmpi ne, %convert_element_type3A_372, %cond3A_373 : i32
        scf.if %cond3A_374 {
          %dma_wait3A_384 = arith.constant 0 : i32
          %dma_wait3A_385 = tpu.memref_slice %run_scoped3A_1[%add3A_367, %dma_wait3A_384] : memref<160x128xi32, #tpu.memory_space<vmem>> -> memref<1x128xi32, #tpu.memory_space<vmem>>
          %dma_wait3A_386 = tpu.memref_squeeze %dma_wait3A_385 : memref<1x128xi32, #tpu.memory_space<vmem>> -> memref<128xi32, #tpu.memory_space<vmem>>
          %dma_wait3A_387 = arith.constant 0 : i32
          %dma_wait3A_388 = arith.constant 0 : i32
          %dma_wait3A_389 = tpu.memref_slice %arg7[%dma_wait3A_387, %dma_wait3A_388] : memref<10240x32xf32, #tpu.memory_space<vmem_shared>> -> memref<10240x32xf32, #tpu.memory_space<vmem_shared>>
          tpu.wait_indirect_dma semaphore(%arg22 : memref<!tpu.dma_semaphore, #tpu.memory_space<semaphore_mem>>) src(%run_scoped3A_8 : memref<128x32xf32, #tpu.memory_space<vmem>>) dst(%dma_wait3A_389 : memref<10240x32xf32, #tpu.memory_space<vmem_shared>>)
          %add3A_390 = arith.constant 8 : i32
          %add3A_391 = arith.addi %add3A_367, %add3A_390 : i32
          %dma_start3A_392 = arith.constant 0 : i32
          %dma_start3A_393 = tpu.memref_slice %run_scoped3A[%add3A_391, %dma_start3A_392] : memref<160x128xi32, #tpu.memory_space<vmem>> -> memref<1x128xi32, #tpu.memory_space<vmem>>
          %dma_start3A_394 = tpu.memref_squeeze %dma_start3A_393 : memref<1x128xi32, #tpu.memory_space<vmem>> -> memref<128xi32, #tpu.memory_space<vmem>>
          %dma_start3A_395 = arith.constant 0 : i32
          %dma_start3A_396 = arith.constant 0 : i32
          %dma_start3A_397 = tpu.memref_slice %arg2[%arg0, %dma_start3A_395, %dma_start3A_396] : memref<2x10240x32xf32, #tpu.memory_space<hbm>> -> memref<1x10240x32xf32, #tpu.memory_space<hbm>>
          %dma_start3A_398 = tpu.memref_squeeze %dma_start3A_397 : memref<1x10240x32xf32, #tpu.memory_space<hbm>> -> memref<10240x32xf32, #tpu.memory_space<hbm>>
          %dma_start3A_399 = arith.constant 0 : i32
          %dma_start3A_400 = arith.constant 0 : i32
          %dma_start3A_401 = tpu.memref_slice %dma_start3A_398[%dma_start3A_399, %dma_start3A_400] : memref<10240x32xf32, #tpu.memory_space<hbm>> -> memref<10240x32xf32, #tpu.memory_space<hbm>>
          tpu.enqueue_indirect_dma source(%dma_start3A_401 : memref<10240x32xf32, #tpu.memory_space<hbm>>) target(%run_scoped3A_8 : memref<128x32xf32, #tpu.memory_space<vmem>>) offsets(%dma_start3A_394 : memref<128xi32, #tpu.memory_space<vmem>>) semaphore(%arg14 : memref<!tpu.dma_semaphore, #tpu.memory_space<semaphore_mem>>)
        } else {
        }
        %add3A_375 = arith.constant 7 : i32
        %add3A_376 = arith.addi %add3A_170, %add3A_375 : i32
        %add3A_377 = arith.constant 8 : i32
        %add3A_378 = arith.addi %add3A_376, %add3A_377 : i32
        %lt3A_379 = arith.constant 160 : i32
        %lt3A_380 = arith.cmpi slt, %add3A_378, %lt3A_379 : i32
        %convert_element_type3A_381 = arith.extui %lt3A_380 : i1 to i32
        %cond3A_382 = arith.constant 0 : i32
        %cond3A_383 = arith.cmpi ne, %convert_element_type3A_381, %cond3A_382 : i32
        scf.if %cond3A_383 {
          %dma_wait3A_384 = arith.constant 0 : i32
          %dma_wait3A_385 = tpu.memref_slice %run_scoped3A_1[%add3A_376, %dma_wait3A_384] : memref<160x128xi32, #tpu.memory_space<vmem>> -> memref<1x128xi32, #tpu.memory_space<vmem>>
          %dma_wait3A_386 = tpu.memref_squeeze %dma_wait3A_385 : memref<1x128xi32, #tpu.memory_space<vmem>> -> memref<128xi32, #tpu.memory_space<vmem>>
          %dma_wait3A_387 = arith.constant 0 : i32
          %dma_wait3A_388 = arith.constant 0 : i32
          %dma_wait3A_389 = tpu.memref_slice %arg7[%dma_wait3A_387, %dma_wait3A_388] : memref<10240x32xf32, #tpu.memory_space<vmem_shared>> -> memref<10240x32xf32, #tpu.memory_space<vmem_shared>>
          tpu.wait_indirect_dma semaphore(%arg23 : memref<!tpu.dma_semaphore, #tpu.memory_space<semaphore_mem>>) src(%run_scoped3A_9 : memref<128x32xf32, #tpu.memory_space<vmem>>) dst(%dma_wait3A_389 : memref<10240x32xf32, #tpu.memory_space<vmem_shared>>)
          %add3A_390 = arith.constant 8 : i32
          %add3A_391 = arith.addi %add3A_376, %add3A_390 : i32
          %dma_start3A_392 = arith.constant 0 : i32
          %dma_start3A_393 = tpu.memref_slice %run_scoped3A[%add3A_391, %dma_start3A_392] : memref<160x128xi32, #tpu.memory_space<vmem>> -> memref<1x128xi32, #tpu.memory_space<vmem>>
          %dma_start3A_394 = tpu.memref_squeeze %dma_start3A_393 : memref<1x128xi32, #tpu.memory_space<vmem>> -> memref<128xi32, #tpu.memory_space<vmem>>
          %dma_start3A_395 = arith.constant 0 : i32
          %dma_start3A_396 = arith.constant 0 : i32
          %dma_start3A_397 = tpu.memref_slice %arg2[%arg0, %dma_start3A_395, %dma_start3A_396] : memref<2x10240x32xf32, #tpu.memory_space<hbm>> -> memref<1x10240x32xf32, #tpu.memory_space<hbm>>
          %dma_start3A_398 = tpu.memref_squeeze %dma_start3A_397 : memref<1x10240x32xf32, #tpu.memory_space<hbm>> -> memref<10240x32xf32, #tpu.memory_space<hbm>>
          %dma_start3A_399 = arith.constant 0 : i32
          %dma_start3A_400 = arith.constant 0 : i32
          %dma_start3A_401 = tpu.memref_slice %dma_start3A_398[%dma_start3A_399, %dma_start3A_400] : memref<10240x32xf32, #tpu.memory_space<hbm>> -> memref<10240x32xf32, #tpu.memory_space<hbm>>
          tpu.enqueue_indirect_dma source(%dma_start3A_401 : memref<10240x32xf32, #tpu.memory_space<hbm>>) target(%run_scoped3A_9 : memref<128x32xf32, #tpu.memory_space<vmem>>) offsets(%dma_start3A_394 : memref<128xi32, #tpu.memory_space<vmem>>) semaphore(%arg15 : memref<!tpu.dma_semaphore, #tpu.memory_space<semaphore_mem>>)
        } else {
        }
      }
      %scan3A_105 = arith.constant 20 : i32
      %dma_wait3A = arith.constant 152 : i32
      %dma_wait3A_106 = arith.constant 0 : i32
      %dma_wait3A_107 = tpu.memref_slice %run_scoped3A_1[%dma_wait3A, %dma_wait3A_106] : memref<160x128xi32, #tpu.memory_space<vmem>> -> memref<1x128xi32, #tpu.memory_space<vmem>>
      %dma_wait3A_108 = tpu.memref_squeeze %dma_wait3A_107 : memref<1x128xi32, #tpu.memory_space<vmem>> -> memref<128xi32, #tpu.memory_space<vmem>>
      %dma_wait3A_109 = arith.constant 0 : i32
      %dma_wait3A_110 = arith.constant 0 : i32
      %dma_wait3A_111 = tpu.memref_slice %arg7[%dma_wait3A_109, %dma_wait3A_110] : memref<10240x32xf32, #tpu.memory_space<vmem_shared>> -> memref<10240x32xf32, #tpu.memory_space<vmem_shared>>
      tpu.wait_indirect_dma semaphore(%arg16 : memref<!tpu.dma_semaphore, #tpu.memory_space<semaphore_mem>>) src(%run_scoped3A_2 : memref<128x32xf32, #tpu.memory_space<vmem>>) dst(%dma_wait3A_111 : memref<10240x32xf32, #tpu.memory_space<vmem_shared>>)
      %dma_wait3A_112 = arith.constant 153 : i32
      %dma_wait3A_113 = arith.constant 0 : i32
      %dma_wait3A_114 = tpu.memref_slice %run_scoped3A_1[%dma_wait3A_112, %dma_wait3A_113] : memref<160x128xi32, #tpu.memory_space<vmem>> -> memref<1x128xi32, #tpu.memory_space<vmem>>
      %dma_wait3A_115 = tpu.memref_squeeze %dma_wait3A_114 : memref<1x128xi32, #tpu.memory_space<vmem>> -> memref<128xi32, #tpu.memory_space<vmem>>
      %dma_wait3A_116 = arith.constant 0 : i32
      %dma_wait3A_117 = arith.constant 0 : i32
      %dma_wait3A_118 = tpu.memref_slice %arg7[%dma_wait3A_116, %dma_wait3A_117] : memref<10240x32xf32, #tpu.memory_space<vmem_shared>> -> memref<10240x32xf32, #tpu.memory_space<vmem_shared>>
      tpu.wait_indirect_dma semaphore(%arg17 : memref<!tpu.dma_semaphore, #tpu.memory_space<semaphore_mem>>) src(%run_scoped3A_3 : memref<128x32xf32, #tpu.memory_space<vmem>>) dst(%dma_wait3A_118 : memref<10240x32xf32, #tpu.memory_space<vmem_shared>>)
      %dma_wait3A_119 = arith.constant 154 : i32
      %dma_wait3A_120 = arith.constant 0 : i32
      %dma_wait3A_121 = tpu.memref_slice %run_scoped3A_1[%dma_wait3A_119, %dma_wait3A_120] : memref<160x128xi32, #tpu.memory_space<vmem>> -> memref<1x128xi32, #tpu.memory_space<vmem>>
      %dma_wait3A_122 = tpu.memref_squeeze %dma_wait3A_121 : memref<1x128xi32, #tpu.memory_space<vmem>> -> memref<128xi32, #tpu.memory_space<vmem>>
      %dma_wait3A_123 = arith.constant 0 : i32
      %dma_wait3A_124 = arith.constant 0 : i32
      %dma_wait3A_125 = tpu.memref_slice %arg7[%dma_wait3A_123, %dma_wait3A_124] : memref<10240x32xf32, #tpu.memory_space<vmem_shared>> -> memref<10240x32xf32, #tpu.memory_space<vmem_shared>>
      tpu.wait_indirect_dma semaphore(%arg18 : memref<!tpu.dma_semaphore, #tpu.memory_space<semaphore_mem>>) src(%run_scoped3A_4 : memref<128x32xf32, #tpu.memory_space<vmem>>) dst(%dma_wait3A_125 : memref<10240x32xf32, #tpu.memory_space<vmem_shared>>)
      %dma_wait3A_126 = arith.constant 155 : i32
      %dma_wait3A_127 = arith.constant 0 : i32
      %dma_wait3A_128 = tpu.memref_slice %run_scoped3A_1[%dma_wait3A_126, %dma_wait3A_127] : memref<160x128xi32, #tpu.memory_space<vmem>> -> memref<1x128xi32, #tpu.memory_space<vmem>>
      %dma_wait3A_129 = tpu.memref_squeeze %dma_wait3A_128 : memref<1x128xi32, #tpu.memory_space<vmem>> -> memref<128xi32, #tpu.memory_space<vmem>>
      %dma_wait3A_130 = arith.constant 0 : i32
      %dma_wait3A_131 = arith.constant 0 : i32
      %dma_wait3A_132 = tpu.memref_slice %arg7[%dma_wait3A_130, %dma_wait3A_131] : memref<10240x32xf32, #tpu.memory_space<vmem_shared>> -> memref<10240x32xf32, #tpu.memory_space<vmem_shared>>
      tpu.wait_indirect_dma semaphore(%arg19 : memref<!tpu.dma_semaphore, #tpu.memory_space<semaphore_mem>>) src(%run_scoped3A_5 : memref<128x32xf32, #tpu.memory_space<vmem>>) dst(%dma_wait3A_132 : memref<10240x32xf32, #tpu.memory_space<vmem_shared>>)
      %dma_wait3A_133 = arith.constant 156 : i32
      %dma_wait3A_134 = arith.constant 0 : i32
      %dma_wait3A_135 = tpu.memref_slice %run_scoped3A_1[%dma_wait3A_133, %dma_wait3A_134] : memref<160x128xi32, #tpu.memory_space<vmem>> -> memref<1x128xi32, #tpu.memory_space<vmem>>
      %dma_wait3A_136 = tpu.memref_squeeze %dma_wait3A_135 : memref<1x128xi32, #tpu.memory_space<vmem>> -> memref<128xi32, #tpu.memory_space<vmem>>
      %dma_wait3A_137 = arith.constant 0 : i32
      %dma_wait3A_138 = arith.constant 0 : i32
      %dma_wait3A_139 = tpu.memref_slice %arg7[%dma_wait3A_137, %dma_wait3A_138] : memref<10240x32xf32, #tpu.memory_space<vmem_shared>> -> memref<10240x32xf32, #tpu.memory_space<vmem_shared>>
      tpu.wait_indirect_dma semaphore(%arg20 : memref<!tpu.dma_semaphore, #tpu.memory_space<semaphore_mem>>) src(%run_scoped3A_6 : memref<128x32xf32, #tpu.memory_space<vmem>>) dst(%dma_wait3A_139 : memref<10240x32xf32, #tpu.memory_space<vmem_shared>>)
      %dma_wait3A_140 = arith.constant 157 : i32
      %dma_wait3A_141 = arith.constant 0 : i32
      %dma_wait3A_142 = tpu.memref_slice %run_scoped3A_1[%dma_wait3A_140, %dma_wait3A_141] : memref<160x128xi32, #tpu.memory_space<vmem>> -> memref<1x128xi32, #tpu.memory_space<vmem>>
      %dma_wait3A_143 = tpu.memref_squeeze %dma_wait3A_142 : memref<1x128xi32, #tpu.memory_space<vmem>> -> memref<128xi32, #tpu.memory_space<vmem>>
      %dma_wait3A_144 = arith.constant 0 : i32
      %dma_wait3A_145 = arith.constant 0 : i32
      %dma_wait3A_146 = tpu.memref_slice %arg7[%dma_wait3A_144, %dma_wait3A_145] : memref<10240x32xf32, #tpu.memory_space<vmem_shared>> -> memref<10240x32xf32, #tpu.memory_space<vmem_shared>>
      tpu.wait_indirect_dma semaphore(%arg21 : memref<!tpu.dma_semaphore, #tpu.memory_space<semaphore_mem>>) src(%run_scoped3A_7 : memref<128x32xf32, #tpu.memory_space<vmem>>) dst(%dma_wait3A_146 : memref<10240x32xf32, #tpu.memory_space<vmem_shared>>)
      %dma_wait3A_147 = arith.constant 158 : i32
      %dma_wait3A_148 = arith.constant 0 : i32
      %dma_wait3A_149 = tpu.memref_slice %run_scoped3A_1[%dma_wait3A_147, %dma_wait3A_148] : memref<160x128xi32, #tpu.memory_space<vmem>> -> memref<1x128xi32, #tpu.memory_space<vmem>>
      %dma_wait3A_150 = tpu.memref_squeeze %dma_wait3A_149 : memref<1x128xi32, #tpu.memory_space<vmem>> -> memref<128xi32, #tpu.memory_space<vmem>>
      %dma_wait3A_151 = arith.constant 0 : i32
      %dma_wait3A_152 = arith.constant 0 : i32
      %dma_wait3A_153 = tpu.memref_slice %arg7[%dma_wait3A_151, %dma_wait3A_152] : memref<10240x32xf32, #tpu.memory_space<vmem_shared>> -> memref<10240x32xf32, #tpu.memory_space<vmem_shared>>
      tpu.wait_indirect_dma semaphore(%arg22 : memref<!tpu.dma_semaphore, #tpu.memory_space<semaphore_mem>>) src(%run_scoped3A_8 : memref<128x32xf32, #tpu.memory_space<vmem>>) dst(%dma_wait3A_153 : memref<10240x32xf32, #tpu.memory_space<vmem_shared>>)
      %dma_wait3A_154 = arith.constant 159 : i32
      %dma_wait3A_155 = arith.constant 0 : i32
      %dma_wait3A_156 = tpu.memref_slice %run_scoped3A_1[%dma_wait3A_154, %dma_wait3A_155] : memref<160x128xi32, #tpu.memory_space<vmem>> -> memref<1x128xi32, #tpu.memory_space<vmem>>
      %dma_wait3A_157 = tpu.memref_squeeze %dma_wait3A_156 : memref<1x128xi32, #tpu.memory_space<vmem>> -> memref<128xi32, #tpu.memory_space<vmem>>
      %dma_wait3A_158 = arith.constant 0 : i32
      %dma_wait3A_159 = arith.constant 0 : i32
      %dma_wait3A_160 = tpu.memref_slice %arg7[%dma_wait3A_158, %dma_wait3A_159] : memref<10240x32xf32, #tpu.memory_space<vmem_shared>> -> memref<10240x32xf32, #tpu.memory_space<vmem_shared>>
      tpu.wait_indirect_dma semaphore(%arg23 : memref<!tpu.dma_semaphore, #tpu.memory_space<semaphore_mem>>) src(%run_scoped3A_9 : memref<128x32xf32, #tpu.memory_space<vmem>>) dst(%dma_wait3A_160 : memref<10240x32xf32, #tpu.memory_space<vmem_shared>>)
      %barrier3A_161 = arith.constant 0 : index
      tpu.barrier barrier_id(%barrier3A_161)
      %scan3A_162 = arith.constant 0 : i32
      %scan3A_163 = arith.constant 5 : i32
      %scan3A_164 = arith.addi %scan3A_162, %scan3A_163 : i32
      %scan3A_165 = arith.constant 1 : i32
      scf.for %scan3A_167 = %scan3A_162 to %scan3A_164 step %scan3A_165  : i32 {
        %mul3A_168 = arith.constant 128 : i32
        %mul3A_169 = arith.muli %scan3A_167, %mul3A_168 : i32
        %add3A = arith.constant 0 : i32
        %add3A_170 = arith.addi %add3A, %mul3A_169 : i32
        %mul3A_171 = arith.constant 640 : i32
        %mul3A_172 = arith.muli %arg1, %mul3A_171 : i32
        %add3A_173 = arith.addi %mul3A_172, %add3A_170 : i32
        "tpu.region"() ({
          %run_scoped3A_177 = tpu.sem_alloc : memref<!tpu.dma_semaphore, #tpu.memory_space<semaphore_mem>>
          %dma_start3A_178 = arith.constant 0 : i32
          %dma_start3A_179 = tpu.memref_slice %arg7[%add3A_173, %dma_start3A_178] : memref<10240x32xf32, #tpu.memory_space<vmem_shared>> -> memref<128x32xf32, #tpu.memory_space<vmem_shared>>
          %dma_start3A_180 = arith.constant 0 : i32
          %dma_start3A_181 = tpu.memref_slice %arg7[%add3A_173, %dma_start3A_180] : memref<10240x32xf32, #tpu.memory_space<vmem_shared>> -> memref<128x32xf32, #tpu.memory_space<vmem_shared>>
          tpu.enqueue_dma source(%dma_start3A_181 : memref<128x32xf32, #tpu.memory_space<vmem_shared>>) target(%run_scoped3A_3 : memref<128x32xf32, #tpu.memory_space<vmem>>) target_semaphore(%run_scoped3A_177 : memref<!tpu.dma_semaphore, #tpu.memory_space<semaphore_mem>>)
          %dma_wait3A_182 = arith.constant 0 : i32
          %dma_wait3A_183 = tpu.memref_slice %arg7[%add3A_173, %dma_wait3A_182] : memref<10240x32xf32, #tpu.memory_space<vmem_shared>> -> memref<128x32xf32, #tpu.memory_space<vmem_shared>>
          %dma_wait3A_184 = arith.constant 0 : i32
          %dma_wait3A_185 = tpu.memref_slice %arg7[%add3A_173, %dma_wait3A_184] : memref<10240x32xf32, #tpu.memory_space<vmem_shared>> -> memref<128x32xf32, #tpu.memory_space<vmem_shared>>
          tpu.wait_dma2 semaphore(%run_scoped3A_177 : memref<!tpu.dma_semaphore, #tpu.memory_space<semaphore_mem>>) src(%dma_wait3A_185 : memref<128x32xf32, #tpu.memory_space<vmem_shared>>) dst(%run_scoped3A_3 : memref<128x32xf32, #tpu.memory_space<vmem>>)
          tpu.yield
        }) : () -> ()
        %mul3A_174 = arith.constant 640 : i32
        %mul3A_175 = arith.muli %arg1, %mul3A_174 : i32
        %add3A_176 = arith.addi %mul3A_175, %add3A_170 : i32
        "tpu.region"() ({
          %run_scoped3A_177 = tpu.sem_alloc : memref<!tpu.dma_semaphore, #tpu.memory_space<semaphore_mem>>
          %dma_start3A_178 = arith.constant 0 : i32
          %dma_start3A_179 = tpu.memref_slice %arg6[%arg0, %add3A_176, %dma_start3A_178] : memref<2x10240x32xf32, #tpu.memory_space<hbm>> -> memref<1x128x32xf32, #tpu.memory_space<hbm>>
          %dma_start3A_180 = tpu.memref_squeeze %dma_start3A_179 : memref<1x128x32xf32, #tpu.memory_space<hbm>> -> memref<128x32xf32, #tpu.memory_space<hbm>>
          %dma_start3A_181 = arith.constant 0 : i32
          %dma_start3A_182 = tpu.memref_slice %arg6[%arg0, %add3A_176, %dma_start3A_181] : memref<2x10240x32xf32, #tpu.memory_space<hbm>> -> memref<1x128x32xf32, #tpu.memory_space<hbm>>
          %dma_start3A_183 = tpu.memref_squeeze %dma_start3A_182 : memref<1x128x32xf32, #tpu.memory_space<hbm>> -> memref<128x32xf32, #tpu.memory_space<hbm>>
          tpu.enqueue_dma source(%run_scoped3A_3 : memref<128x32xf32, #tpu.memory_space<vmem>>) target(%dma_start3A_183 : memref<128x32xf32, #tpu.memory_space<hbm>>) target_semaphore(%run_scoped3A_177 : memref<!tpu.dma_semaphore, #tpu.memory_space<semaphore_mem>>)
          %dma_wait3A_184 = arith.constant 0 : i32
          %dma_wait3A_185 = tpu.memref_slice %arg6[%arg0, %add3A_176, %dma_wait3A_184] : memref<2x10240x32xf32, #tpu.memory_space<hbm>> -> memref<1x128x32xf32, #tpu.memory_space<hbm>>
          %dma_wait3A_186 = tpu.memref_squeeze %dma_wait3A_185 : memref<1x128x32xf32, #tpu.memory_space<hbm>> -> memref<128x32xf32, #tpu.memory_space<hbm>>
          %dma_wait3A_187 = arith.constant 0 : i32
          %dma_wait3A_188 = tpu.memref_slice %arg6[%arg0, %add3A_176, %dma_wait3A_187] : memref<2x10240x32xf32, #tpu.memory_space<hbm>> -> memref<1x128x32xf32, #tpu.memory_space<hbm>>
          %dma_wait3A_189 = tpu.memref_squeeze %dma_wait3A_188 : memref<1x128x32xf32, #tpu.memory_space<hbm>> -> memref<128x32xf32, #tpu.memory_space<hbm>>
          tpu.wait_dma2 semaphore(%run_scoped3A_177 : memref<!tpu.dma_semaphore, #tpu.memory_space<semaphore_mem>>) src(%run_scoped3A_3 : memref<128x32xf32, #tpu.memory_space<vmem>>) dst(%dma_wait3A_189 : memref<128x32xf32, #tpu.memory_space<hbm>>)
          tpu.yield
        }) : () -> ()
      }
      %scan3A_166 = arith.constant 5 : i32
      tpu.yield
    }) : () -> ()
    return
  }
}

#map = affine_map<(d0, d1) -> (0, 0, 0)>
#map1 = affine_map<(d0, d1) -> (0, 0)>
module attributes {stable_mosaic.version = 14 : i64} {
  func.func @scat(%arg0: i32, %arg1: i32, %arg2: memref<2x10240x64xf32, #tpu.memory_space<hbm>>, %arg3: memref<2560x128xi32, #tpu.memory_space<hbm>>, %arg4: memref<2560x128xi32, #tpu.memory_space<hbm>>, %arg5: memref<128x64xf32, #tpu.memory_space<hbm>>, %arg6: memref<2x10240x64xf32, #tpu.memory_space<hbm>>, %arg7: memref<10240x64xf32, #tpu.memory_space<vmem_shared>>, %arg8: memref<!tpu.dma_semaphore, #tpu.memory_space<semaphore_mem>>, %arg9: memref<!tpu.dma_semaphore, #tpu.memory_space<semaphore_mem>>, %arg10: memref<!tpu.dma_semaphore, #tpu.memory_space<semaphore_mem>>, %arg11: memref<!tpu.dma_semaphore, #tpu.memory_space<semaphore_mem>>, %arg12: memref<!tpu.dma_semaphore, #tpu.memory_space<semaphore_mem>>, %arg13: memref<!tpu.dma_semaphore, #tpu.memory_space<semaphore_mem>>, %arg14: memref<!tpu.dma_semaphore, #tpu.memory_space<semaphore_mem>>, %arg15: memref<!tpu.dma_semaphore, #tpu.memory_space<semaphore_mem>>, %arg16: memref<!tpu.dma_semaphore, #tpu.memory_space<semaphore_mem>>, %arg17: memref<!tpu.dma_semaphore, #tpu.memory_space<semaphore_mem>>) attributes {dimension_semantics = [#tpu.dimension_semantics<core_parallel>, #tpu.dimension_semantics<subcore_parallel>], iteration_bounds = array<i64: 2, 16>, scalar_prefetch = 0 : i64, scratch_operands = 11 : i64, tpu.core_type = #tpu.core_type<sc_vector_subcore>, window_params = [{transform_indices = #map}, {transform_indices = #map1}, {transform_indices = #map1}, {transform_indices = #map1}, {transform_indices = #map}]} {
    %mul3A = arith.constant 160 : i32
    %mul3A_0 = arith.muli %arg1, %mul3A : i32
    "tpu.region"() ({
      %run_scoped3A = memref.alloca() : memref<160x128xi32, #tpu.memory_space<vmem>>
      %run_scoped3A_1 = memref.alloca() : memref<160x128xi32, #tpu.memory_space<vmem>>
      %run_scoped3A_2 = memref.alloca() : memref<128x64xf32, #tpu.memory_space<vmem>>
      %run_scoped3A_3 = memref.alloca() : memref<128x64xf32, #tpu.memory_space<vmem>>
      %run_scoped3A_4 = memref.alloca() : memref<128x64xf32, #tpu.memory_space<vmem>>
      %run_scoped3A_5 = memref.alloca() : memref<128x64xf32, #tpu.memory_space<vmem>>
      %run_scoped3A_6 = memref.alloca() : memref<128x64xf32, #tpu.memory_space<vmem>>
      "tpu.region"() ({
        %run_scoped3A_110 = tpu.sem_alloc : memref<!tpu.dma_semaphore, #tpu.memory_space<semaphore_mem>>
        %dma_start3A_111 = arith.constant 0 : i32
        %dma_start3A_112 = tpu.memref_slice %arg3[%mul3A_0, %dma_start3A_111] : memref<2560x128xi32, #tpu.memory_space<hbm>> -> memref<160x128xi32, #tpu.memory_space<hbm>>
        %dma_start3A_113 = arith.constant 0 : i32
        %dma_start3A_114 = tpu.memref_slice %arg3[%mul3A_0, %dma_start3A_113] : memref<2560x128xi32, #tpu.memory_space<hbm>> -> memref<160x128xi32, #tpu.memory_space<hbm>>
        tpu.enqueue_dma source(%dma_start3A_114 : memref<160x128xi32, #tpu.memory_space<hbm>>) target(%run_scoped3A : memref<160x128xi32, #tpu.memory_space<vmem>>) target_semaphore(%run_scoped3A_110 : memref<!tpu.dma_semaphore, #tpu.memory_space<semaphore_mem>>)
        %dma_wait3A_115 = arith.constant 0 : i32
        %dma_wait3A_116 = tpu.memref_slice %arg3[%mul3A_0, %dma_wait3A_115] : memref<2560x128xi32, #tpu.memory_space<hbm>> -> memref<160x128xi32, #tpu.memory_space<hbm>>
        %dma_wait3A_117 = arith.constant 0 : i32
        %dma_wait3A_118 = tpu.memref_slice %arg3[%mul3A_0, %dma_wait3A_117] : memref<2560x128xi32, #tpu.memory_space<hbm>> -> memref<160x128xi32, #tpu.memory_space<hbm>>
        tpu.wait_dma2 semaphore(%run_scoped3A_110 : memref<!tpu.dma_semaphore, #tpu.memory_space<semaphore_mem>>) src(%dma_wait3A_118 : memref<160x128xi32, #tpu.memory_space<hbm>>) dst(%run_scoped3A : memref<160x128xi32, #tpu.memory_space<vmem>>)
        tpu.yield
      }) : () -> ()
      "tpu.region"() ({
        %run_scoped3A_110 = tpu.sem_alloc : memref<!tpu.dma_semaphore, #tpu.memory_space<semaphore_mem>>
        %dma_start3A_111 = arith.constant 0 : i32
        %dma_start3A_112 = tpu.memref_slice %arg4[%mul3A_0, %dma_start3A_111] : memref<2560x128xi32, #tpu.memory_space<hbm>> -> memref<160x128xi32, #tpu.memory_space<hbm>>
        %dma_start3A_113 = arith.constant 0 : i32
        %dma_start3A_114 = tpu.memref_slice %arg4[%mul3A_0, %dma_start3A_113] : memref<2560x128xi32, #tpu.memory_space<hbm>> -> memref<160x128xi32, #tpu.memory_space<hbm>>
        tpu.enqueue_dma source(%dma_start3A_114 : memref<160x128xi32, #tpu.memory_space<hbm>>) target(%run_scoped3A_1 : memref<160x128xi32, #tpu.memory_space<vmem>>) target_semaphore(%run_scoped3A_110 : memref<!tpu.dma_semaphore, #tpu.memory_space<semaphore_mem>>)
        %dma_wait3A_115 = arith.constant 0 : i32
        %dma_wait3A_116 = tpu.memref_slice %arg4[%mul3A_0, %dma_wait3A_115] : memref<2560x128xi32, #tpu.memory_space<hbm>> -> memref<160x128xi32, #tpu.memory_space<hbm>>
        %dma_wait3A_117 = arith.constant 0 : i32
        %dma_wait3A_118 = tpu.memref_slice %arg4[%mul3A_0, %dma_wait3A_117] : memref<2560x128xi32, #tpu.memory_space<hbm>> -> memref<160x128xi32, #tpu.memory_space<hbm>>
        tpu.wait_dma2 semaphore(%run_scoped3A_110 : memref<!tpu.dma_semaphore, #tpu.memory_space<semaphore_mem>>) src(%dma_wait3A_118 : memref<160x128xi32, #tpu.memory_space<hbm>>) dst(%run_scoped3A_1 : memref<160x128xi32, #tpu.memory_space<vmem>>)
        tpu.yield
      }) : () -> ()
      "tpu.region"() ({
        %run_scoped3A_110 = tpu.sem_alloc : memref<!tpu.dma_semaphore, #tpu.memory_space<semaphore_mem>>
        tpu.enqueue_dma source(%arg5 : memref<128x64xf32, #tpu.memory_space<hbm>>) target(%run_scoped3A_2 : memref<128x64xf32, #tpu.memory_space<vmem>>) target_semaphore(%run_scoped3A_110 : memref<!tpu.dma_semaphore, #tpu.memory_space<semaphore_mem>>)
        tpu.wait_dma2 semaphore(%run_scoped3A_110 : memref<!tpu.dma_semaphore, #tpu.memory_space<semaphore_mem>>) src(%arg5 : memref<128x64xf32, #tpu.memory_space<hbm>>) dst(%run_scoped3A_2 : memref<128x64xf32, #tpu.memory_space<vmem>>)
        tpu.yield
      }) : () -> ()
      %scan3A = arith.constant 0 : i32
      %scan3A_7 = arith.constant 5 : i32
      %scan3A_8 = arith.addi %scan3A, %scan3A_7 : i32
      %scan3A_9 = arith.constant 1 : i32
      scf.for %scan3A_110 = %scan3A to %scan3A_8 step %scan3A_9  : i32 {
        %mul3A_111 = arith.constant 128 : i32
        %mul3A_112 = arith.muli %scan3A_110, %mul3A_111 : i32
        %add3A = arith.constant 0 : i32
        %add3A_113 = arith.addi %add3A, %mul3A_112 : i32
        %mul3A_114 = arith.constant 640 : i32
        %mul3A_115 = arith.muli %arg1, %mul3A_114 : i32
        %add3A_116 = arith.addi %mul3A_115, %add3A_113 : i32
        "tpu.region"() ({
          %run_scoped3A_117 = tpu.sem_alloc : memref<!tpu.dma_semaphore, #tpu.memory_space<semaphore_mem>>
          %dma_start3A_118 = arith.constant 0 : i32
          %dma_start3A_119 = tpu.memref_slice %arg7[%add3A_116, %dma_start3A_118] : memref<10240x64xf32, #tpu.memory_space<vmem_shared>> -> memref<128x64xf32, #tpu.memory_space<vmem_shared>>
          %dma_start3A_120 = arith.constant 0 : i32
          %dma_start3A_121 = tpu.memref_slice %arg7[%add3A_116, %dma_start3A_120] : memref<10240x64xf32, #tpu.memory_space<vmem_shared>> -> memref<128x64xf32, #tpu.memory_space<vmem_shared>>
          tpu.enqueue_dma source(%run_scoped3A_2 : memref<128x64xf32, #tpu.memory_space<vmem>>) target(%dma_start3A_121 : memref<128x64xf32, #tpu.memory_space<vmem_shared>>) target_semaphore(%run_scoped3A_117 : memref<!tpu.dma_semaphore, #tpu.memory_space<semaphore_mem>>)
          %dma_wait3A_122 = arith.constant 0 : i32
          %dma_wait3A_123 = tpu.memref_slice %arg7[%add3A_116, %dma_wait3A_122] : memref<10240x64xf32, #tpu.memory_space<vmem_shared>> -> memref<128x64xf32, #tpu.memory_space<vmem_shared>>
          %dma_wait3A_124 = arith.constant 0 : i32
          %dma_wait3A_125 = tpu.memref_slice %arg7[%add3A_116, %dma_wait3A_124] : memref<10240x64xf32, #tpu.memory_space<vmem_shared>> -> memref<128x64xf32, #tpu.memory_space<vmem_shared>>
          tpu.wait_dma2 semaphore(%run_scoped3A_117 : memref<!tpu.dma_semaphore, #tpu.memory_space<semaphore_mem>>) src(%run_scoped3A_2 : memref<128x64xf32, #tpu.memory_space<vmem>>) dst(%dma_wait3A_125 : memref<128x64xf32, #tpu.memory_space<vmem_shared>>)
          tpu.yield
        }) : () -> ()
      }
      %scan3A_10 = arith.constant 5 : i32
      %barrier3A = arith.constant 0 : index
      tpu.barrier barrier_id(%barrier3A)
      %dma_start3A = arith.constant 0 : i32
      %dma_start3A_11 = arith.constant 0 : i32
      %dma_start3A_12 = tpu.memref_slice %run_scoped3A[%dma_start3A, %dma_start3A_11] : memref<160x128xi32, #tpu.memory_space<vmem>> -> memref<1x128xi32, #tpu.memory_space<vmem>>
      %dma_start3A_13 = tpu.memref_squeeze %dma_start3A_12 : memref<1x128xi32, #tpu.memory_space<vmem>> -> memref<128xi32, #tpu.memory_space<vmem>>
      %dma_start3A_14 = arith.constant 0 : i32
      %dma_start3A_15 = arith.constant 0 : i32
      %dma_start3A_16 = tpu.memref_slice %arg2[%arg0, %dma_start3A_14, %dma_start3A_15] : memref<2x10240x64xf32, #tpu.memory_space<hbm>> -> memref<1x10240x64xf32, #tpu.memory_space<hbm>>
      %dma_start3A_17 = tpu.memref_squeeze %dma_start3A_16 : memref<1x10240x64xf32, #tpu.memory_space<hbm>> -> memref<10240x64xf32, #tpu.memory_space<hbm>>
      %dma_start3A_18 = arith.constant 0 : i32
      %dma_start3A_19 = arith.constant 0 : i32
      %dma_start3A_20 = tpu.memref_slice %dma_start3A_17[%dma_start3A_18, %dma_start3A_19] : memref<10240x64xf32, #tpu.memory_space<hbm>> -> memref<10240x64xf32, #tpu.memory_space<hbm>>
      tpu.enqueue_indirect_dma source(%dma_start3A_20 : memref<10240x64xf32, #tpu.memory_space<hbm>>) target(%run_scoped3A_2 : memref<128x64xf32, #tpu.memory_space<vmem>>) offsets(%dma_start3A_13 : memref<128xi32, #tpu.memory_space<vmem>>) semaphore(%arg8 : memref<!tpu.dma_semaphore, #tpu.memory_space<semaphore_mem>>)
      %dma_start3A_21 = arith.constant 1 : i32
      %dma_start3A_22 = arith.constant 0 : i32
      %dma_start3A_23 = tpu.memref_slice %run_scoped3A[%dma_start3A_21, %dma_start3A_22] : memref<160x128xi32, #tpu.memory_space<vmem>> -> memref<1x128xi32, #tpu.memory_space<vmem>>
      %dma_start3A_24 = tpu.memref_squeeze %dma_start3A_23 : memref<1x128xi32, #tpu.memory_space<vmem>> -> memref<128xi32, #tpu.memory_space<vmem>>
      %dma_start3A_25 = arith.constant 0 : i32
      %dma_start3A_26 = arith.constant 0 : i32
      %dma_start3A_27 = tpu.memref_slice %arg2[%arg0, %dma_start3A_25, %dma_start3A_26] : memref<2x10240x64xf32, #tpu.memory_space<hbm>> -> memref<1x10240x64xf32, #tpu.memory_space<hbm>>
      %dma_start3A_28 = tpu.memref_squeeze %dma_start3A_27 : memref<1x10240x64xf32, #tpu.memory_space<hbm>> -> memref<10240x64xf32, #tpu.memory_space<hbm>>
      %dma_start3A_29 = arith.constant 0 : i32
      %dma_start3A_30 = arith.constant 0 : i32
      %dma_start3A_31 = tpu.memref_slice %dma_start3A_28[%dma_start3A_29, %dma_start3A_30] : memref<10240x64xf32, #tpu.memory_space<hbm>> -> memref<10240x64xf32, #tpu.memory_space<hbm>>
      tpu.enqueue_indirect_dma source(%dma_start3A_31 : memref<10240x64xf32, #tpu.memory_space<hbm>>) target(%run_scoped3A_3 : memref<128x64xf32, #tpu.memory_space<vmem>>) offsets(%dma_start3A_24 : memref<128xi32, #tpu.memory_space<vmem>>) semaphore(%arg9 : memref<!tpu.dma_semaphore, #tpu.memory_space<semaphore_mem>>)
      %dma_start3A_32 = arith.constant 2 : i32
      %dma_start3A_33 = arith.constant 0 : i32
      %dma_start3A_34 = tpu.memref_slice %run_scoped3A[%dma_start3A_32, %dma_start3A_33] : memref<160x128xi32, #tpu.memory_space<vmem>> -> memref<1x128xi32, #tpu.memory_space<vmem>>
      %dma_start3A_35 = tpu.memref_squeeze %dma_start3A_34 : memref<1x128xi32, #tpu.memory_space<vmem>> -> memref<128xi32, #tpu.memory_space<vmem>>
      %dma_start3A_36 = arith.constant 0 : i32
      %dma_start3A_37 = arith.constant 0 : i32
      %dma_start3A_38 = tpu.memref_slice %arg2[%arg0, %dma_start3A_36, %dma_start3A_37] : memref<2x10240x64xf32, #tpu.memory_space<hbm>> -> memref<1x10240x64xf32, #tpu.memory_space<hbm>>
      %dma_start3A_39 = tpu.memref_squeeze %dma_start3A_38 : memref<1x10240x64xf32, #tpu.memory_space<hbm>> -> memref<10240x64xf32, #tpu.memory_space<hbm>>
      %dma_start3A_40 = arith.constant 0 : i32
      %dma_start3A_41 = arith.constant 0 : i32
      %dma_start3A_42 = tpu.memref_slice %dma_start3A_39[%dma_start3A_40, %dma_start3A_41] : memref<10240x64xf32, #tpu.memory_space<hbm>> -> memref<10240x64xf32, #tpu.memory_space<hbm>>
      tpu.enqueue_indirect_dma source(%dma_start3A_42 : memref<10240x64xf32, #tpu.memory_space<hbm>>) target(%run_scoped3A_4 : memref<128x64xf32, #tpu.memory_space<vmem>>) offsets(%dma_start3A_35 : memref<128xi32, #tpu.memory_space<vmem>>) semaphore(%arg10 : memref<!tpu.dma_semaphore, #tpu.memory_space<semaphore_mem>>)
      %dma_start3A_43 = arith.constant 3 : i32
      %dma_start3A_44 = arith.constant 0 : i32
      %dma_start3A_45 = tpu.memref_slice %run_scoped3A[%dma_start3A_43, %dma_start3A_44] : memref<160x128xi32, #tpu.memory_space<vmem>> -> memref<1x128xi32, #tpu.memory_space<vmem>>
      %dma_start3A_46 = tpu.memref_squeeze %dma_start3A_45 : memref<1x128xi32, #tpu.memory_space<vmem>> -> memref<128xi32, #tpu.memory_space<vmem>>
      %dma_start3A_47 = arith.constant 0 : i32
      %dma_start3A_48 = arith.constant 0 : i32
      %dma_start3A_49 = tpu.memref_slice %arg2[%arg0, %dma_start3A_47, %dma_start3A_48] : memref<2x10240x64xf32, #tpu.memory_space<hbm>> -> memref<1x10240x64xf32, #tpu.memory_space<hbm>>
      %dma_start3A_50 = tpu.memref_squeeze %dma_start3A_49 : memref<1x10240x64xf32, #tpu.memory_space<hbm>> -> memref<10240x64xf32, #tpu.memory_space<hbm>>
      %dma_start3A_51 = arith.constant 0 : i32
      %dma_start3A_52 = arith.constant 0 : i32
      %dma_start3A_53 = tpu.memref_slice %dma_start3A_50[%dma_start3A_51, %dma_start3A_52] : memref<10240x64xf32, #tpu.memory_space<hbm>> -> memref<10240x64xf32, #tpu.memory_space<hbm>>
      tpu.enqueue_indirect_dma source(%dma_start3A_53 : memref<10240x64xf32, #tpu.memory_space<hbm>>) target(%run_scoped3A_5 : memref<128x64xf32, #tpu.memory_space<vmem>>) offsets(%dma_start3A_46 : memref<128xi32, #tpu.memory_space<vmem>>) semaphore(%arg11 : memref<!tpu.dma_semaphore, #tpu.memory_space<semaphore_mem>>)
      %dma_start3A_54 = arith.constant 4 : i32
      %dma_start3A_55 = arith.constant 0 : i32
      %dma_start3A_56 = tpu.memref_slice %run_scoped3A[%dma_start3A_54, %dma_start3A_55] : memref<160x128xi32, #tpu.memory_space<vmem>> -> memref<1x128xi32, #tpu.memory_space<vmem>>
      %dma_start3A_57 = tpu.memref_squeeze %dma_start3A_56 : memref<1x128xi32, #tpu.memory_space<vmem>> -> memref<128xi32, #tpu.memory_space<vmem>>
      %dma_start3A_58 = arith.constant 0 : i32
      %dma_start3A_59 = arith.constant 0 : i32
      %dma_start3A_60 = tpu.memref_slice %arg2[%arg0, %dma_start3A_58, %dma_start3A_59] : memref<2x10240x64xf32, #tpu.memory_space<hbm>> -> memref<1x10240x64xf32, #tpu.memory_space<hbm>>
      %dma_start3A_61 = tpu.memref_squeeze %dma_start3A_60 : memref<1x10240x64xf32, #tpu.memory_space<hbm>> -> memref<10240x64xf32, #tpu.memory_space<hbm>>
      %dma_start3A_62 = arith.constant 0 : i32
      %dma_start3A_63 = arith.constant 0 : i32
      %dma_start3A_64 = tpu.memref_slice %dma_start3A_61[%dma_start3A_62, %dma_start3A_63] : memref<10240x64xf32, #tpu.memory_space<hbm>> -> memref<10240x64xf32, #tpu.memory_space<hbm>>
      tpu.enqueue_indirect_dma source(%dma_start3A_64 : memref<10240x64xf32, #tpu.memory_space<hbm>>) target(%run_scoped3A_6 : memref<128x64xf32, #tpu.memory_space<vmem>>) offsets(%dma_start3A_57 : memref<128xi32, #tpu.memory_space<vmem>>) semaphore(%arg12 : memref<!tpu.dma_semaphore, #tpu.memory_space<semaphore_mem>>)
      %scan3A_65 = arith.constant 0 : i32
      %scan3A_66 = arith.constant 32 : i32
      %scan3A_67 = arith.addi %scan3A_65, %scan3A_66 : i32
      %scan3A_68 = arith.constant 1 : i32
      scf.for %scan3A_110 = %scan3A_65 to %scan3A_67 step %scan3A_68  : i32 {
        %mul3A_111 = arith.constant 5 : i32
        %mul3A_112 = arith.muli %scan3A_110, %mul3A_111 : i32
        %add3A = arith.constant 0 : i32
        %add3A_113 = arith.addi %add3A, %mul3A_112 : i32
        %add3A_114 = arith.constant 0 : i32
        %add3A_115 = arith.addi %add3A_113, %add3A_114 : i32
        %dma_wait3A_116 = arith.constant 0 : i32
        %dma_wait3A_117 = tpu.memref_slice %run_scoped3A[%add3A_115, %dma_wait3A_116] : memref<160x128xi32, #tpu.memory_space<vmem>> -> memref<1x128xi32, #tpu.memory_space<vmem>>
        %dma_wait3A_118 = tpu.memref_squeeze %dma_wait3A_117 : memref<1x128xi32, #tpu.memory_space<vmem>> -> memref<128xi32, #tpu.memory_space<vmem>>
        %dma_wait3A_119 = arith.constant 0 : i32
        %dma_wait3A_120 = arith.constant 0 : i32
        %dma_wait3A_121 = tpu.memref_slice %arg2[%arg0, %dma_wait3A_119, %dma_wait3A_120] : memref<2x10240x64xf32, #tpu.memory_space<hbm>> -> memref<1x10240x64xf32, #tpu.memory_space<hbm>>
        %dma_wait3A_122 = tpu.memref_squeeze %dma_wait3A_121 : memref<1x10240x64xf32, #tpu.memory_space<hbm>> -> memref<10240x64xf32, #tpu.memory_space<hbm>>
        %dma_wait3A_123 = arith.constant 0 : i32
        %dma_wait3A_124 = arith.constant 0 : i32
        %dma_wait3A_125 = tpu.memref_slice %dma_wait3A_122[%dma_wait3A_123, %dma_wait3A_124] : memref<10240x64xf32, #tpu.memory_space<hbm>> -> memref<10240x64xf32, #tpu.memory_space<hbm>>
        tpu.wait_indirect_dma semaphore(%arg8 : memref<!tpu.dma_semaphore, #tpu.memory_space<semaphore_mem>>) src(%dma_wait3A_125 : memref<10240x64xf32, #tpu.memory_space<hbm>>) dst(%run_scoped3A_2 : memref<128x64xf32, #tpu.memory_space<vmem>>)
        %dma_start3A_126 = arith.constant 0 : i32
        %dma_start3A_127 = tpu.memref_slice %run_scoped3A_1[%add3A_115, %dma_start3A_126] : memref<160x128xi32, #tpu.memory_space<vmem>> -> memref<1x128xi32, #tpu.memory_space<vmem>>
        %dma_start3A_128 = tpu.memref_squeeze %dma_start3A_127 : memref<1x128xi32, #tpu.memory_space<vmem>> -> memref<128xi32, #tpu.memory_space<vmem>>
        %dma_start3A_129 = arith.constant 0 : i32
        %dma_start3A_130 = arith.constant 0 : i32
        %dma_start3A_131 = tpu.memref_slice %arg7[%dma_start3A_129, %dma_start3A_130] : memref<10240x64xf32, #tpu.memory_space<vmem_shared>> -> memref<10240x64xf32, #tpu.memory_space<vmem_shared>>
        tpu.enqueue_indirect_dma source(%run_scoped3A_2 : memref<128x64xf32, #tpu.memory_space<vmem>>) target(%dma_start3A_131 : memref<10240x64xf32, #tpu.memory_space<vmem_shared>>) offsets(%dma_start3A_128 : memref<128xi32, #tpu.memory_space<vmem>>) semaphore(%arg13 : memref<!tpu.dma_semaphore, #tpu.memory_space<semaphore_mem>>) {add = true}
        %add3A_132 = arith.constant 1 : i32
        %add3A_133 = arith.addi %add3A_113, %add3A_132 : i32
        %dma_wait3A_134 = arith.constant 0 : i32
        %dma_wait3A_135 = tpu.memref_slice %run_scoped3A[%add3A_133, %dma_wait3A_134] : memref<160x128xi32, #tpu.memory_space<vmem>> -> memref<1x128xi32, #tpu.memory_space<vmem>>
        %dma_wait3A_136 = tpu.memref_squeeze %dma_wait3A_135 : memref<1x128xi32, #tpu.memory_space<vmem>> -> memref<128xi32, #tpu.memory_space<vmem>>
        %dma_wait3A_137 = arith.constant 0 : i32
        %dma_wait3A_138 = arith.constant 0 : i32
        %dma_wait3A_139 = tpu.memref_slice %arg2[%arg0, %dma_wait3A_137, %dma_wait3A_138] : memref<2x10240x64xf32, #tpu.memory_space<hbm>> -> memref<1x10240x64xf32, #tpu.memory_space<hbm>>
        %dma_wait3A_140 = tpu.memref_squeeze %dma_wait3A_139 : memref<1x10240x64xf32, #tpu.memory_space<hbm>> -> memref<10240x64xf32, #tpu.memory_space<hbm>>
        %dma_wait3A_141 = arith.constant 0 : i32
        %dma_wait3A_142 = arith.constant 0 : i32
        %dma_wait3A_143 = tpu.memref_slice %dma_wait3A_140[%dma_wait3A_141, %dma_wait3A_142] : memref<10240x64xf32, #tpu.memory_space<hbm>> -> memref<10240x64xf32, #tpu.memory_space<hbm>>
        tpu.wait_indirect_dma semaphore(%arg9 : memref<!tpu.dma_semaphore, #tpu.memory_space<semaphore_mem>>) src(%dma_wait3A_143 : memref<10240x64xf32, #tpu.memory_space<hbm>>) dst(%run_scoped3A_3 : memref<128x64xf32, #tpu.memory_space<vmem>>)
        %dma_start3A_144 = arith.constant 0 : i32
        %dma_start3A_145 = tpu.memref_slice %run_scoped3A_1[%add3A_133, %dma_start3A_144] : memref<160x128xi32, #tpu.memory_space<vmem>> -> memref<1x128xi32, #tpu.memory_space<vmem>>
        %dma_start3A_146 = tpu.memref_squeeze %dma_start3A_145 : memref<1x128xi32, #tpu.memory_space<vmem>> -> memref<128xi32, #tpu.memory_space<vmem>>
        %dma_start3A_147 = arith.constant 0 : i32
        %dma_start3A_148 = arith.constant 0 : i32
        %dma_start3A_149 = tpu.memref_slice %arg7[%dma_start3A_147, %dma_start3A_148] : memref<10240x64xf32, #tpu.memory_space<vmem_shared>> -> memref<10240x64xf32, #tpu.memory_space<vmem_shared>>
        tpu.enqueue_indirect_dma source(%run_scoped3A_3 : memref<128x64xf32, #tpu.memory_space<vmem>>) target(%dma_start3A_149 : memref<10240x64xf32, #tpu.memory_space<vmem_shared>>) offsets(%dma_start3A_146 : memref<128xi32, #tpu.memory_space<vmem>>) semaphore(%arg14 : memref<!tpu.dma_semaphore, #tpu.memory_space<semaphore_mem>>) {add = true}
        %add3A_150 = arith.constant 2 : i32
        %add3A_151 = arith.addi %add3A_113, %add3A_150 : i32
        %dma_wait3A_152 = arith.constant 0 : i32
        %dma_wait3A_153 = tpu.memref_slice %run_scoped3A[%add3A_151, %dma_wait3A_152] : memref<160x128xi32, #tpu.memory_space<vmem>> -> memref<1x128xi32, #tpu.memory_space<vmem>>
        %dma_wait3A_154 = tpu.memref_squeeze %dma_wait3A_153 : memref<1x128xi32, #tpu.memory_space<vmem>> -> memref<128xi32, #tpu.memory_space<vmem>>
        %dma_wait3A_155 = arith.constant 0 : i32
        %dma_wait3A_156 = arith.constant 0 : i32
        %dma_wait3A_157 = tpu.memref_slice %arg2[%arg0, %dma_wait3A_155, %dma_wait3A_156] : memref<2x10240x64xf32, #tpu.memory_space<hbm>> -> memref<1x10240x64xf32, #tpu.memory_space<hbm>>
        %dma_wait3A_158 = tpu.memref_squeeze %dma_wait3A_157 : memref<1x10240x64xf32, #tpu.memory_space<hbm>> -> memref<10240x64xf32, #tpu.memory_space<hbm>>
        %dma_wait3A_159 = arith.constant 0 : i32
        %dma_wait3A_160 = arith.constant 0 : i32
        %dma_wait3A_161 = tpu.memref_slice %dma_wait3A_158[%dma_wait3A_159, %dma_wait3A_160] : memref<10240x64xf32, #tpu.memory_space<hbm>> -> memref<10240x64xf32, #tpu.memory_space<hbm>>
        tpu.wait_indirect_dma semaphore(%arg10 : memref<!tpu.dma_semaphore, #tpu.memory_space<semaphore_mem>>) src(%dma_wait3A_161 : memref<10240x64xf32, #tpu.memory_space<hbm>>) dst(%run_scoped3A_4 : memref<128x64xf32, #tpu.memory_space<vmem>>)
        %dma_start3A_162 = arith.constant 0 : i32
        %dma_start3A_163 = tpu.memref_slice %run_scoped3A_1[%add3A_151, %dma_start3A_162] : memref<160x128xi32, #tpu.memory_space<vmem>> -> memref<1x128xi32, #tpu.memory_space<vmem>>
        %dma_start3A_164 = tpu.memref_squeeze %dma_start3A_163 : memref<1x128xi32, #tpu.memory_space<vmem>> -> memref<128xi32, #tpu.memory_space<vmem>>
        %dma_start3A_165 = arith.constant 0 : i32
        %dma_start3A_166 = arith.constant 0 : i32
        %dma_start3A_167 = tpu.memref_slice %arg7[%dma_start3A_165, %dma_start3A_166] : memref<10240x64xf32, #tpu.memory_space<vmem_shared>> -> memref<10240x64xf32, #tpu.memory_space<vmem_shared>>
        tpu.enqueue_indirect_dma source(%run_scoped3A_4 : memref<128x64xf32, #tpu.memory_space<vmem>>) target(%dma_start3A_167 : memref<10240x64xf32, #tpu.memory_space<vmem_shared>>) offsets(%dma_start3A_164 : memref<128xi32, #tpu.memory_space<vmem>>) semaphore(%arg15 : memref<!tpu.dma_semaphore, #tpu.memory_space<semaphore_mem>>) {add = true}
        %add3A_168 = arith.constant 3 : i32
        %add3A_169 = arith.addi %add3A_113, %add3A_168 : i32
        %dma_wait3A_170 = arith.constant 0 : i32
        %dma_wait3A_171 = tpu.memref_slice %run_scoped3A[%add3A_169, %dma_wait3A_170] : memref<160x128xi32, #tpu.memory_space<vmem>> -> memref<1x128xi32, #tpu.memory_space<vmem>>
        %dma_wait3A_172 = tpu.memref_squeeze %dma_wait3A_171 : memref<1x128xi32, #tpu.memory_space<vmem>> -> memref<128xi32, #tpu.memory_space<vmem>>
        %dma_wait3A_173 = arith.constant 0 : i32
        %dma_wait3A_174 = arith.constant 0 : i32
        %dma_wait3A_175 = tpu.memref_slice %arg2[%arg0, %dma_wait3A_173, %dma_wait3A_174] : memref<2x10240x64xf32, #tpu.memory_space<hbm>> -> memref<1x10240x64xf32, #tpu.memory_space<hbm>>
        %dma_wait3A_176 = tpu.memref_squeeze %dma_wait3A_175 : memref<1x10240x64xf32, #tpu.memory_space<hbm>> -> memref<10240x64xf32, #tpu.memory_space<hbm>>
        %dma_wait3A_177 = arith.constant 0 : i32
        %dma_wait3A_178 = arith.constant 0 : i32
        %dma_wait3A_179 = tpu.memref_slice %dma_wait3A_176[%dma_wait3A_177, %dma_wait3A_178] : memref<10240x64xf32, #tpu.memory_space<hbm>> -> memref<10240x64xf32, #tpu.memory_space<hbm>>
        tpu.wait_indirect_dma semaphore(%arg11 : memref<!tpu.dma_semaphore, #tpu.memory_space<semaphore_mem>>) src(%dma_wait3A_179 : memref<10240x64xf32, #tpu.memory_space<hbm>>) dst(%run_scoped3A_5 : memref<128x64xf32, #tpu.memory_space<vmem>>)
        %dma_start3A_180 = arith.constant 0 : i32
        %dma_start3A_181 = tpu.memref_slice %run_scoped3A_1[%add3A_169, %dma_start3A_180] : memref<160x128xi32, #tpu.memory_space<vmem>> -> memref<1x128xi32, #tpu.memory_space<vmem>>
        %dma_start3A_182 = tpu.memref_squeeze %dma_start3A_181 : memref<1x128xi32, #tpu.memory_space<vmem>> -> memref<128xi32, #tpu.memory_space<vmem>>
        %dma_start3A_183 = arith.constant 0 : i32
        %dma_start3A_184 = arith.constant 0 : i32
        %dma_start3A_185 = tpu.memref_slice %arg7[%dma_start3A_183, %dma_start3A_184] : memref<10240x64xf32, #tpu.memory_space<vmem_shared>> -> memref<10240x64xf32, #tpu.memory_space<vmem_shared>>
        tpu.enqueue_indirect_dma source(%run_scoped3A_5 : memref<128x64xf32, #tpu.memory_space<vmem>>) target(%dma_start3A_185 : memref<10240x64xf32, #tpu.memory_space<vmem_shared>>) offsets(%dma_start3A_182 : memref<128xi32, #tpu.memory_space<vmem>>) semaphore(%arg16 : memref<!tpu.dma_semaphore, #tpu.memory_space<semaphore_mem>>) {add = true}
        %add3A_186 = arith.constant 4 : i32
        %add3A_187 = arith.addi %add3A_113, %add3A_186 : i32
        %dma_wait3A_188 = arith.constant 0 : i32
        %dma_wait3A_189 = tpu.memref_slice %run_scoped3A[%add3A_187, %dma_wait3A_188] : memref<160x128xi32, #tpu.memory_space<vmem>> -> memref<1x128xi32, #tpu.memory_space<vmem>>
        %dma_wait3A_190 = tpu.memref_squeeze %dma_wait3A_189 : memref<1x128xi32, #tpu.memory_space<vmem>> -> memref<128xi32, #tpu.memory_space<vmem>>
        %dma_wait3A_191 = arith.constant 0 : i32
        %dma_wait3A_192 = arith.constant 0 : i32
        %dma_wait3A_193 = tpu.memref_slice %arg2[%arg0, %dma_wait3A_191, %dma_wait3A_192] : memref<2x10240x64xf32, #tpu.memory_space<hbm>> -> memref<1x10240x64xf32, #tpu.memory_space<hbm>>
        %dma_wait3A_194 = tpu.memref_squeeze %dma_wait3A_193 : memref<1x10240x64xf32, #tpu.memory_space<hbm>> -> memref<10240x64xf32, #tpu.memory_space<hbm>>
        %dma_wait3A_195 = arith.constant 0 : i32
        %dma_wait3A_196 = arith.constant 0 : i32
        %dma_wait3A_197 = tpu.memref_slice %dma_wait3A_194[%dma_wait3A_195, %dma_wait3A_196] : memref<10240x64xf32, #tpu.memory_space<hbm>> -> memref<10240x64xf32, #tpu.memory_space<hbm>>
        tpu.wait_indirect_dma semaphore(%arg12 : memref<!tpu.dma_semaphore, #tpu.memory_space<semaphore_mem>>) src(%dma_wait3A_197 : memref<10240x64xf32, #tpu.memory_space<hbm>>) dst(%run_scoped3A_6 : memref<128x64xf32, #tpu.memory_space<vmem>>)
        %dma_start3A_198 = arith.constant 0 : i32
        %dma_start3A_199 = tpu.memref_slice %run_scoped3A_1[%add3A_187, %dma_start3A_198] : memref<160x128xi32, #tpu.memory_space<vmem>> -> memref<1x128xi32, #tpu.memory_space<vmem>>
        %dma_start3A_200 = tpu.memref_squeeze %dma_start3A_199 : memref<1x128xi32, #tpu.memory_space<vmem>> -> memref<128xi32, #tpu.memory_space<vmem>>
        %dma_start3A_201 = arith.constant 0 : i32
        %dma_start3A_202 = arith.constant 0 : i32
        %dma_start3A_203 = tpu.memref_slice %arg7[%dma_start3A_201, %dma_start3A_202] : memref<10240x64xf32, #tpu.memory_space<vmem_shared>> -> memref<10240x64xf32, #tpu.memory_space<vmem_shared>>
        tpu.enqueue_indirect_dma source(%run_scoped3A_6 : memref<128x64xf32, #tpu.memory_space<vmem>>) target(%dma_start3A_203 : memref<10240x64xf32, #tpu.memory_space<vmem_shared>>) offsets(%dma_start3A_200 : memref<128xi32, #tpu.memory_space<vmem>>) semaphore(%arg17 : memref<!tpu.dma_semaphore, #tpu.memory_space<semaphore_mem>>) {add = true}
        %add3A_204 = arith.constant 0 : i32
        %add3A_205 = arith.addi %add3A_113, %add3A_204 : i32
        %add3A_206 = arith.constant 5 : i32
        %add3A_207 = arith.addi %add3A_205, %add3A_206 : i32
        %lt3A = arith.constant 160 : i32
        %lt3A_208 = arith.cmpi slt, %add3A_207, %lt3A : i32
        %convert_element_type3A = arith.extui %lt3A_208 : i1 to i32
        %cond3A = arith.constant 0 : i32
        %cond3A_209 = arith.cmpi ne, %convert_element_type3A, %cond3A : i32
        scf.if %cond3A_209 {
          %dma_wait3A_246 = arith.constant 0 : i32
          %dma_wait3A_247 = tpu.memref_slice %run_scoped3A_1[%add3A_205, %dma_wait3A_246] : memref<160x128xi32, #tpu.memory_space<vmem>> -> memref<1x128xi32, #tpu.memory_space<vmem>>
          %dma_wait3A_248 = tpu.memref_squeeze %dma_wait3A_247 : memref<1x128xi32, #tpu.memory_space<vmem>> -> memref<128xi32, #tpu.memory_space<vmem>>
          %dma_wait3A_249 = arith.constant 0 : i32
          %dma_wait3A_250 = arith.constant 0 : i32
          %dma_wait3A_251 = tpu.memref_slice %arg7[%dma_wait3A_249, %dma_wait3A_250] : memref<10240x64xf32, #tpu.memory_space<vmem_shared>> -> memref<10240x64xf32, #tpu.memory_space<vmem_shared>>
          tpu.wait_indirect_dma semaphore(%arg13 : memref<!tpu.dma_semaphore, #tpu.memory_space<semaphore_mem>>) src(%run_scoped3A_2 : memref<128x64xf32, #tpu.memory_space<vmem>>) dst(%dma_wait3A_251 : memref<10240x64xf32, #tpu.memory_space<vmem_shared>>)
          %add3A_252 = arith.constant 5 : i32
          %add3A_253 = arith.addi %add3A_205, %add3A_252 : i32
          %dma_start3A_254 = arith.constant 0 : i32
          %dma_start3A_255 = tpu.memref_slice %run_scoped3A[%add3A_253, %dma_start3A_254] : memref<160x128xi32, #tpu.memory_space<vmem>> -> memref<1x128xi32, #tpu.memory_space<vmem>>
          %dma_start3A_256 = tpu.memref_squeeze %dma_start3A_255 : memref<1x128xi32, #tpu.memory_space<vmem>> -> memref<128xi32, #tpu.memory_space<vmem>>
          %dma_start3A_257 = arith.constant 0 : i32
          %dma_start3A_258 = arith.constant 0 : i32
          %dma_start3A_259 = tpu.memref_slice %arg2[%arg0, %dma_start3A_257, %dma_start3A_258] : memref<2x10240x64xf32, #tpu.memory_space<hbm>> -> memref<1x10240x64xf32, #tpu.memory_space<hbm>>
          %dma_start3A_260 = tpu.memref_squeeze %dma_start3A_259 : memref<1x10240x64xf32, #tpu.memory_space<hbm>> -> memref<10240x64xf32, #tpu.memory_space<hbm>>
          %dma_start3A_261 = arith.constant 0 : i32
          %dma_start3A_262 = arith.constant 0 : i32
          %dma_start3A_263 = tpu.memref_slice %dma_start3A_260[%dma_start3A_261, %dma_start3A_262] : memref<10240x64xf32, #tpu.memory_space<hbm>> -> memref<10240x64xf32, #tpu.memory_space<hbm>>
          tpu.enqueue_indirect_dma source(%dma_start3A_263 : memref<10240x64xf32, #tpu.memory_space<hbm>>) target(%run_scoped3A_2 : memref<128x64xf32, #tpu.memory_space<vmem>>) offsets(%dma_start3A_256 : memref<128xi32, #tpu.memory_space<vmem>>) semaphore(%arg8 : memref<!tpu.dma_semaphore, #tpu.memory_space<semaphore_mem>>)
        } else {
        }
        %add3A_210 = arith.constant 1 : i32
        %add3A_211 = arith.addi %add3A_113, %add3A_210 : i32
        %add3A_212 = arith.constant 5 : i32
        %add3A_213 = arith.addi %add3A_211, %add3A_212 : i32
        %lt3A_214 = arith.constant 160 : i32
        %lt3A_215 = arith.cmpi slt, %add3A_213, %lt3A_214 : i32
        %convert_element_type3A_216 = arith.extui %lt3A_215 : i1 to i32
        %cond3A_217 = arith.constant 0 : i32
        %cond3A_218 = arith.cmpi ne, %convert_element_type3A_216, %cond3A_217 : i32
        scf.if %cond3A_218 {
          %dma_wait3A_246 = arith.constant 0 : i32
          %dma_wait3A_247 = tpu.memref_slice %run_scoped3A_1[%add3A_211, %dma_wait3A_246] : memref<160x128xi32, #tpu.memory_space<vmem>> -> memref<1x128xi32, #tpu.memory_space<vmem>>
          %dma_wait3A_248 = tpu.memref_squeeze %dma_wait3A_247 : memref<1x128xi32, #tpu.memory_space<vmem>> -> memref<128xi32, #tpu.memory_space<vmem>>
          %dma_wait3A_249 = arith.constant 0 : i32
          %dma_wait3A_250 = arith.constant 0 : i32
          %dma_wait3A_251 = tpu.memref_slice %arg7[%dma_wait3A_249, %dma_wait3A_250] : memref<10240x64xf32, #tpu.memory_space<vmem_shared>> -> memref<10240x64xf32, #tpu.memory_space<vmem_shared>>
          tpu.wait_indirect_dma semaphore(%arg14 : memref<!tpu.dma_semaphore, #tpu.memory_space<semaphore_mem>>) src(%run_scoped3A_3 : memref<128x64xf32, #tpu.memory_space<vmem>>) dst(%dma_wait3A_251 : memref<10240x64xf32, #tpu.memory_space<vmem_shared>>)
          %add3A_252 = arith.constant 5 : i32
          %add3A_253 = arith.addi %add3A_211, %add3A_252 : i32
          %dma_start3A_254 = arith.constant 0 : i32
          %dma_start3A_255 = tpu.memref_slice %run_scoped3A[%add3A_253, %dma_start3A_254] : memref<160x128xi32, #tpu.memory_space<vmem>> -> memref<1x128xi32, #tpu.memory_space<vmem>>
          %dma_start3A_256 = tpu.memref_squeeze %dma_start3A_255 : memref<1x128xi32, #tpu.memory_space<vmem>> -> memref<128xi32, #tpu.memory_space<vmem>>
          %dma_start3A_257 = arith.constant 0 : i32
          %dma_start3A_258 = arith.constant 0 : i32
          %dma_start3A_259 = tpu.memref_slice %arg2[%arg0, %dma_start3A_257, %dma_start3A_258] : memref<2x10240x64xf32, #tpu.memory_space<hbm>> -> memref<1x10240x64xf32, #tpu.memory_space<hbm>>
          %dma_start3A_260 = tpu.memref_squeeze %dma_start3A_259 : memref<1x10240x64xf32, #tpu.memory_space<hbm>> -> memref<10240x64xf32, #tpu.memory_space<hbm>>
          %dma_start3A_261 = arith.constant 0 : i32
          %dma_start3A_262 = arith.constant 0 : i32
          %dma_start3A_263 = tpu.memref_slice %dma_start3A_260[%dma_start3A_261, %dma_start3A_262] : memref<10240x64xf32, #tpu.memory_space<hbm>> -> memref<10240x64xf32, #tpu.memory_space<hbm>>
          tpu.enqueue_indirect_dma source(%dma_start3A_263 : memref<10240x64xf32, #tpu.memory_space<hbm>>) target(%run_scoped3A_3 : memref<128x64xf32, #tpu.memory_space<vmem>>) offsets(%dma_start3A_256 : memref<128xi32, #tpu.memory_space<vmem>>) semaphore(%arg9 : memref<!tpu.dma_semaphore, #tpu.memory_space<semaphore_mem>>)
        } else {
        }
        %add3A_219 = arith.constant 2 : i32
        %add3A_220 = arith.addi %add3A_113, %add3A_219 : i32
        %add3A_221 = arith.constant 5 : i32
        %add3A_222 = arith.addi %add3A_220, %add3A_221 : i32
        %lt3A_223 = arith.constant 160 : i32
        %lt3A_224 = arith.cmpi slt, %add3A_222, %lt3A_223 : i32
        %convert_element_type3A_225 = arith.extui %lt3A_224 : i1 to i32
        %cond3A_226 = arith.constant 0 : i32
        %cond3A_227 = arith.cmpi ne, %convert_element_type3A_225, %cond3A_226 : i32
        scf.if %cond3A_227 {
          %dma_wait3A_246 = arith.constant 0 : i32
          %dma_wait3A_247 = tpu.memref_slice %run_scoped3A_1[%add3A_220, %dma_wait3A_246] : memref<160x128xi32, #tpu.memory_space<vmem>> -> memref<1x128xi32, #tpu.memory_space<vmem>>
          %dma_wait3A_248 = tpu.memref_squeeze %dma_wait3A_247 : memref<1x128xi32, #tpu.memory_space<vmem>> -> memref<128xi32, #tpu.memory_space<vmem>>
          %dma_wait3A_249 = arith.constant 0 : i32
          %dma_wait3A_250 = arith.constant 0 : i32
          %dma_wait3A_251 = tpu.memref_slice %arg7[%dma_wait3A_249, %dma_wait3A_250] : memref<10240x64xf32, #tpu.memory_space<vmem_shared>> -> memref<10240x64xf32, #tpu.memory_space<vmem_shared>>
          tpu.wait_indirect_dma semaphore(%arg15 : memref<!tpu.dma_semaphore, #tpu.memory_space<semaphore_mem>>) src(%run_scoped3A_4 : memref<128x64xf32, #tpu.memory_space<vmem>>) dst(%dma_wait3A_251 : memref<10240x64xf32, #tpu.memory_space<vmem_shared>>)
          %add3A_252 = arith.constant 5 : i32
          %add3A_253 = arith.addi %add3A_220, %add3A_252 : i32
          %dma_start3A_254 = arith.constant 0 : i32
          %dma_start3A_255 = tpu.memref_slice %run_scoped3A[%add3A_253, %dma_start3A_254] : memref<160x128xi32, #tpu.memory_space<vmem>> -> memref<1x128xi32, #tpu.memory_space<vmem>>
          %dma_start3A_256 = tpu.memref_squeeze %dma_start3A_255 : memref<1x128xi32, #tpu.memory_space<vmem>> -> memref<128xi32, #tpu.memory_space<vmem>>
          %dma_start3A_257 = arith.constant 0 : i32
          %dma_start3A_258 = arith.constant 0 : i32
          %dma_start3A_259 = tpu.memref_slice %arg2[%arg0, %dma_start3A_257, %dma_start3A_258] : memref<2x10240x64xf32, #tpu.memory_space<hbm>> -> memref<1x10240x64xf32, #tpu.memory_space<hbm>>
          %dma_start3A_260 = tpu.memref_squeeze %dma_start3A_259 : memref<1x10240x64xf32, #tpu.memory_space<hbm>> -> memref<10240x64xf32, #tpu.memory_space<hbm>>
          %dma_start3A_261 = arith.constant 0 : i32
          %dma_start3A_262 = arith.constant 0 : i32
          %dma_start3A_263 = tpu.memref_slice %dma_start3A_260[%dma_start3A_261, %dma_start3A_262] : memref<10240x64xf32, #tpu.memory_space<hbm>> -> memref<10240x64xf32, #tpu.memory_space<hbm>>
          tpu.enqueue_indirect_dma source(%dma_start3A_263 : memref<10240x64xf32, #tpu.memory_space<hbm>>) target(%run_scoped3A_4 : memref<128x64xf32, #tpu.memory_space<vmem>>) offsets(%dma_start3A_256 : memref<128xi32, #tpu.memory_space<vmem>>) semaphore(%arg10 : memref<!tpu.dma_semaphore, #tpu.memory_space<semaphore_mem>>)
        } else {
        }
        %add3A_228 = arith.constant 3 : i32
        %add3A_229 = arith.addi %add3A_113, %add3A_228 : i32
        %add3A_230 = arith.constant 5 : i32
        %add3A_231 = arith.addi %add3A_229, %add3A_230 : i32
        %lt3A_232 = arith.constant 160 : i32
        %lt3A_233 = arith.cmpi slt, %add3A_231, %lt3A_232 : i32
        %convert_element_type3A_234 = arith.extui %lt3A_233 : i1 to i32
        %cond3A_235 = arith.constant 0 : i32
        %cond3A_236 = arith.cmpi ne, %convert_element_type3A_234, %cond3A_235 : i32
        scf.if %cond3A_236 {
          %dma_wait3A_246 = arith.constant 0 : i32
          %dma_wait3A_247 = tpu.memref_slice %run_scoped3A_1[%add3A_229, %dma_wait3A_246] : memref<160x128xi32, #tpu.memory_space<vmem>> -> memref<1x128xi32, #tpu.memory_space<vmem>>
          %dma_wait3A_248 = tpu.memref_squeeze %dma_wait3A_247 : memref<1x128xi32, #tpu.memory_space<vmem>> -> memref<128xi32, #tpu.memory_space<vmem>>
          %dma_wait3A_249 = arith.constant 0 : i32
          %dma_wait3A_250 = arith.constant 0 : i32
          %dma_wait3A_251 = tpu.memref_slice %arg7[%dma_wait3A_249, %dma_wait3A_250] : memref<10240x64xf32, #tpu.memory_space<vmem_shared>> -> memref<10240x64xf32, #tpu.memory_space<vmem_shared>>
          tpu.wait_indirect_dma semaphore(%arg16 : memref<!tpu.dma_semaphore, #tpu.memory_space<semaphore_mem>>) src(%run_scoped3A_5 : memref<128x64xf32, #tpu.memory_space<vmem>>) dst(%dma_wait3A_251 : memref<10240x64xf32, #tpu.memory_space<vmem_shared>>)
          %add3A_252 = arith.constant 5 : i32
          %add3A_253 = arith.addi %add3A_229, %add3A_252 : i32
          %dma_start3A_254 = arith.constant 0 : i32
          %dma_start3A_255 = tpu.memref_slice %run_scoped3A[%add3A_253, %dma_start3A_254] : memref<160x128xi32, #tpu.memory_space<vmem>> -> memref<1x128xi32, #tpu.memory_space<vmem>>
          %dma_start3A_256 = tpu.memref_squeeze %dma_start3A_255 : memref<1x128xi32, #tpu.memory_space<vmem>> -> memref<128xi32, #tpu.memory_space<vmem>>
          %dma_start3A_257 = arith.constant 0 : i32
          %dma_start3A_258 = arith.constant 0 : i32
          %dma_start3A_259 = tpu.memref_slice %arg2[%arg0, %dma_start3A_257, %dma_start3A_258] : memref<2x10240x64xf32, #tpu.memory_space<hbm>> -> memref<1x10240x64xf32, #tpu.memory_space<hbm>>
          %dma_start3A_260 = tpu.memref_squeeze %dma_start3A_259 : memref<1x10240x64xf32, #tpu.memory_space<hbm>> -> memref<10240x64xf32, #tpu.memory_space<hbm>>
          %dma_start3A_261 = arith.constant 0 : i32
          %dma_start3A_262 = arith.constant 0 : i32
          %dma_start3A_263 = tpu.memref_slice %dma_start3A_260[%dma_start3A_261, %dma_start3A_262] : memref<10240x64xf32, #tpu.memory_space<hbm>> -> memref<10240x64xf32, #tpu.memory_space<hbm>>
          tpu.enqueue_indirect_dma source(%dma_start3A_263 : memref<10240x64xf32, #tpu.memory_space<hbm>>) target(%run_scoped3A_5 : memref<128x64xf32, #tpu.memory_space<vmem>>) offsets(%dma_start3A_256 : memref<128xi32, #tpu.memory_space<vmem>>) semaphore(%arg11 : memref<!tpu.dma_semaphore, #tpu.memory_space<semaphore_mem>>)
        } else {
        }
        %add3A_237 = arith.constant 4 : i32
        %add3A_238 = arith.addi %add3A_113, %add3A_237 : i32
        %add3A_239 = arith.constant 5 : i32
        %add3A_240 = arith.addi %add3A_238, %add3A_239 : i32
        %lt3A_241 = arith.constant 160 : i32
        %lt3A_242 = arith.cmpi slt, %add3A_240, %lt3A_241 : i32
        %convert_element_type3A_243 = arith.extui %lt3A_242 : i1 to i32
        %cond3A_244 = arith.constant 0 : i32
        %cond3A_245 = arith.cmpi ne, %convert_element_type3A_243, %cond3A_244 : i32
        scf.if %cond3A_245 {
          %dma_wait3A_246 = arith.constant 0 : i32
          %dma_wait3A_247 = tpu.memref_slice %run_scoped3A_1[%add3A_238, %dma_wait3A_246] : memref<160x128xi32, #tpu.memory_space<vmem>> -> memref<1x128xi32, #tpu.memory_space<vmem>>
          %dma_wait3A_248 = tpu.memref_squeeze %dma_wait3A_247 : memref<1x128xi32, #tpu.memory_space<vmem>> -> memref<128xi32, #tpu.memory_space<vmem>>
          %dma_wait3A_249 = arith.constant 0 : i32
          %dma_wait3A_250 = arith.constant 0 : i32
          %dma_wait3A_251 = tpu.memref_slice %arg7[%dma_wait3A_249, %dma_wait3A_250] : memref<10240x64xf32, #tpu.memory_space<vmem_shared>> -> memref<10240x64xf32, #tpu.memory_space<vmem_shared>>
          tpu.wait_indirect_dma semaphore(%arg17 : memref<!tpu.dma_semaphore, #tpu.memory_space<semaphore_mem>>) src(%run_scoped3A_6 : memref<128x64xf32, #tpu.memory_space<vmem>>) dst(%dma_wait3A_251 : memref<10240x64xf32, #tpu.memory_space<vmem_shared>>)
          %add3A_252 = arith.constant 5 : i32
          %add3A_253 = arith.addi %add3A_238, %add3A_252 : i32
          %dma_start3A_254 = arith.constant 0 : i32
          %dma_start3A_255 = tpu.memref_slice %run_scoped3A[%add3A_253, %dma_start3A_254] : memref<160x128xi32, #tpu.memory_space<vmem>> -> memref<1x128xi32, #tpu.memory_space<vmem>>
          %dma_start3A_256 = tpu.memref_squeeze %dma_start3A_255 : memref<1x128xi32, #tpu.memory_space<vmem>> -> memref<128xi32, #tpu.memory_space<vmem>>
          %dma_start3A_257 = arith.constant 0 : i32
          %dma_start3A_258 = arith.constant 0 : i32
          %dma_start3A_259 = tpu.memref_slice %arg2[%arg0, %dma_start3A_257, %dma_start3A_258] : memref<2x10240x64xf32, #tpu.memory_space<hbm>> -> memref<1x10240x64xf32, #tpu.memory_space<hbm>>
          %dma_start3A_260 = tpu.memref_squeeze %dma_start3A_259 : memref<1x10240x64xf32, #tpu.memory_space<hbm>> -> memref<10240x64xf32, #tpu.memory_space<hbm>>
          %dma_start3A_261 = arith.constant 0 : i32
          %dma_start3A_262 = arith.constant 0 : i32
          %dma_start3A_263 = tpu.memref_slice %dma_start3A_260[%dma_start3A_261, %dma_start3A_262] : memref<10240x64xf32, #tpu.memory_space<hbm>> -> memref<10240x64xf32, #tpu.memory_space<hbm>>
          tpu.enqueue_indirect_dma source(%dma_start3A_263 : memref<10240x64xf32, #tpu.memory_space<hbm>>) target(%run_scoped3A_6 : memref<128x64xf32, #tpu.memory_space<vmem>>) offsets(%dma_start3A_256 : memref<128xi32, #tpu.memory_space<vmem>>) semaphore(%arg12 : memref<!tpu.dma_semaphore, #tpu.memory_space<semaphore_mem>>)
        } else {
        }
      }
      %scan3A_69 = arith.constant 32 : i32
      %dma_wait3A = arith.constant 155 : i32
      %dma_wait3A_70 = arith.constant 0 : i32
      %dma_wait3A_71 = tpu.memref_slice %run_scoped3A_1[%dma_wait3A, %dma_wait3A_70] : memref<160x128xi32, #tpu.memory_space<vmem>> -> memref<1x128xi32, #tpu.memory_space<vmem>>
      %dma_wait3A_72 = tpu.memref_squeeze %dma_wait3A_71 : memref<1x128xi32, #tpu.memory_space<vmem>> -> memref<128xi32, #tpu.memory_space<vmem>>
      %dma_wait3A_73 = arith.constant 0 : i32
      %dma_wait3A_74 = arith.constant 0 : i32
      %dma_wait3A_75 = tpu.memref_slice %arg7[%dma_wait3A_73, %dma_wait3A_74] : memref<10240x64xf32, #tpu.memory_space<vmem_shared>> -> memref<10240x64xf32, #tpu.memory_space<vmem_shared>>
      tpu.wait_indirect_dma semaphore(%arg13 : memref<!tpu.dma_semaphore, #tpu.memory_space<semaphore_mem>>) src(%run_scoped3A_2 : memref<128x64xf32, #tpu.memory_space<vmem>>) dst(%dma_wait3A_75 : memref<10240x64xf32, #tpu.memory_space<vmem_shared>>)
      %dma_wait3A_76 = arith.constant 156 : i32
      %dma_wait3A_77 = arith.constant 0 : i32
      %dma_wait3A_78 = tpu.memref_slice %run_scoped3A_1[%dma_wait3A_76, %dma_wait3A_77] : memref<160x128xi32, #tpu.memory_space<vmem>> -> memref<1x128xi32, #tpu.memory_space<vmem>>
      %dma_wait3A_79 = tpu.memref_squeeze %dma_wait3A_78 : memref<1x128xi32, #tpu.memory_space<vmem>> -> memref<128xi32, #tpu.memory_space<vmem>>
      %dma_wait3A_80 = arith.constant 0 : i32
      %dma_wait3A_81 = arith.constant 0 : i32
      %dma_wait3A_82 = tpu.memref_slice %arg7[%dma_wait3A_80, %dma_wait3A_81] : memref<10240x64xf32, #tpu.memory_space<vmem_shared>> -> memref<10240x64xf32, #tpu.memory_space<vmem_shared>>
      tpu.wait_indirect_dma semaphore(%arg14 : memref<!tpu.dma_semaphore, #tpu.memory_space<semaphore_mem>>) src(%run_scoped3A_3 : memref<128x64xf32, #tpu.memory_space<vmem>>) dst(%dma_wait3A_82 : memref<10240x64xf32, #tpu.memory_space<vmem_shared>>)
      %dma_wait3A_83 = arith.constant 157 : i32
      %dma_wait3A_84 = arith.constant 0 : i32
      %dma_wait3A_85 = tpu.memref_slice %run_scoped3A_1[%dma_wait3A_83, %dma_wait3A_84] : memref<160x128xi32, #tpu.memory_space<vmem>> -> memref<1x128xi32, #tpu.memory_space<vmem>>
      %dma_wait3A_86 = tpu.memref_squeeze %dma_wait3A_85 : memref<1x128xi32, #tpu.memory_space<vmem>> -> memref<128xi32, #tpu.memory_space<vmem>>
      %dma_wait3A_87 = arith.constant 0 : i32
      %dma_wait3A_88 = arith.constant 0 : i32
      %dma_wait3A_89 = tpu.memref_slice %arg7[%dma_wait3A_87, %dma_wait3A_88] : memref<10240x64xf32, #tpu.memory_space<vmem_shared>> -> memref<10240x64xf32, #tpu.memory_space<vmem_shared>>
      tpu.wait_indirect_dma semaphore(%arg15 : memref<!tpu.dma_semaphore, #tpu.memory_space<semaphore_mem>>) src(%run_scoped3A_4 : memref<128x64xf32, #tpu.memory_space<vmem>>) dst(%dma_wait3A_89 : memref<10240x64xf32, #tpu.memory_space<vmem_shared>>)
      %dma_wait3A_90 = arith.constant 158 : i32
      %dma_wait3A_91 = arith.constant 0 : i32
      %dma_wait3A_92 = tpu.memref_slice %run_scoped3A_1[%dma_wait3A_90, %dma_wait3A_91] : memref<160x128xi32, #tpu.memory_space<vmem>> -> memref<1x128xi32, #tpu.memory_space<vmem>>
      %dma_wait3A_93 = tpu.memref_squeeze %dma_wait3A_92 : memref<1x128xi32, #tpu.memory_space<vmem>> -> memref<128xi32, #tpu.memory_space<vmem>>
      %dma_wait3A_94 = arith.constant 0 : i32
      %dma_wait3A_95 = arith.constant 0 : i32
      %dma_wait3A_96 = tpu.memref_slice %arg7[%dma_wait3A_94, %dma_wait3A_95] : memref<10240x64xf32, #tpu.memory_space<vmem_shared>> -> memref<10240x64xf32, #tpu.memory_space<vmem_shared>>
      tpu.wait_indirect_dma semaphore(%arg16 : memref<!tpu.dma_semaphore, #tpu.memory_space<semaphore_mem>>) src(%run_scoped3A_5 : memref<128x64xf32, #tpu.memory_space<vmem>>) dst(%dma_wait3A_96 : memref<10240x64xf32, #tpu.memory_space<vmem_shared>>)
      %dma_wait3A_97 = arith.constant 159 : i32
      %dma_wait3A_98 = arith.constant 0 : i32
      %dma_wait3A_99 = tpu.memref_slice %run_scoped3A_1[%dma_wait3A_97, %dma_wait3A_98] : memref<160x128xi32, #tpu.memory_space<vmem>> -> memref<1x128xi32, #tpu.memory_space<vmem>>
      %dma_wait3A_100 = tpu.memref_squeeze %dma_wait3A_99 : memref<1x128xi32, #tpu.memory_space<vmem>> -> memref<128xi32, #tpu.memory_space<vmem>>
      %dma_wait3A_101 = arith.constant 0 : i32
      %dma_wait3A_102 = arith.constant 0 : i32
      %dma_wait3A_103 = tpu.memref_slice %arg7[%dma_wait3A_101, %dma_wait3A_102] : memref<10240x64xf32, #tpu.memory_space<vmem_shared>> -> memref<10240x64xf32, #tpu.memory_space<vmem_shared>>
      tpu.wait_indirect_dma semaphore(%arg17 : memref<!tpu.dma_semaphore, #tpu.memory_space<semaphore_mem>>) src(%run_scoped3A_6 : memref<128x64xf32, #tpu.memory_space<vmem>>) dst(%dma_wait3A_103 : memref<10240x64xf32, #tpu.memory_space<vmem_shared>>)
      %barrier3A_104 = arith.constant 0 : index
      tpu.barrier barrier_id(%barrier3A_104)
      %scan3A_105 = arith.constant 0 : i32
      %scan3A_106 = arith.constant 5 : i32
      %scan3A_107 = arith.addi %scan3A_105, %scan3A_106 : i32
      %scan3A_108 = arith.constant 1 : i32
      scf.for %scan3A_110 = %scan3A_105 to %scan3A_107 step %scan3A_108  : i32 {
        %mul3A_111 = arith.constant 128 : i32
        %mul3A_112 = arith.muli %scan3A_110, %mul3A_111 : i32
        %add3A = arith.constant 0 : i32
        %add3A_113 = arith.addi %add3A, %mul3A_112 : i32
        %mul3A_114 = arith.constant 640 : i32
        %mul3A_115 = arith.muli %arg1, %mul3A_114 : i32
        %add3A_116 = arith.addi %mul3A_115, %add3A_113 : i32
        "tpu.region"() ({
          %run_scoped3A_120 = tpu.sem_alloc : memref<!tpu.dma_semaphore, #tpu.memory_space<semaphore_mem>>
          %dma_start3A_121 = arith.constant 0 : i32
          %dma_start3A_122 = tpu.memref_slice %arg7[%add3A_116, %dma_start3A_121] : memref<10240x64xf32, #tpu.memory_space<vmem_shared>> -> memref<128x64xf32, #tpu.memory_space<vmem_shared>>
          %dma_start3A_123 = arith.constant 0 : i32
          %dma_start3A_124 = tpu.memref_slice %arg7[%add3A_116, %dma_start3A_123] : memref<10240x64xf32, #tpu.memory_space<vmem_shared>> -> memref<128x64xf32, #tpu.memory_space<vmem_shared>>
          tpu.enqueue_dma source(%dma_start3A_124 : memref<128x64xf32, #tpu.memory_space<vmem_shared>>) target(%run_scoped3A_3 : memref<128x64xf32, #tpu.memory_space<vmem>>) target_semaphore(%run_scoped3A_120 : memref<!tpu.dma_semaphore, #tpu.memory_space<semaphore_mem>>)
          %dma_wait3A_125 = arith.constant 0 : i32
          %dma_wait3A_126 = tpu.memref_slice %arg7[%add3A_116, %dma_wait3A_125] : memref<10240x64xf32, #tpu.memory_space<vmem_shared>> -> memref<128x64xf32, #tpu.memory_space<vmem_shared>>
          %dma_wait3A_127 = arith.constant 0 : i32
          %dma_wait3A_128 = tpu.memref_slice %arg7[%add3A_116, %dma_wait3A_127] : memref<10240x64xf32, #tpu.memory_space<vmem_shared>> -> memref<128x64xf32, #tpu.memory_space<vmem_shared>>
          tpu.wait_dma2 semaphore(%run_scoped3A_120 : memref<!tpu.dma_semaphore, #tpu.memory_space<semaphore_mem>>) src(%dma_wait3A_128 : memref<128x64xf32, #tpu.memory_space<vmem_shared>>) dst(%run_scoped3A_3 : memref<128x64xf32, #tpu.memory_space<vmem>>)
          tpu.yield
        }) : () -> ()
        %mul3A_117 = arith.constant 640 : i32
        %mul3A_118 = arith.muli %arg1, %mul3A_117 : i32
        %add3A_119 = arith.addi %mul3A_118, %add3A_113 : i32
        "tpu.region"() ({
          %run_scoped3A_120 = tpu.sem_alloc : memref<!tpu.dma_semaphore, #tpu.memory_space<semaphore_mem>>
          %dma_start3A_121 = arith.constant 0 : i32
          %dma_start3A_122 = tpu.memref_slice %arg6[%arg0, %add3A_119, %dma_start3A_121] : memref<2x10240x64xf32, #tpu.memory_space<hbm>> -> memref<1x128x64xf32, #tpu.memory_space<hbm>>
          %dma_start3A_123 = tpu.memref_squeeze %dma_start3A_122 : memref<1x128x64xf32, #tpu.memory_space<hbm>> -> memref<128x64xf32, #tpu.memory_space<hbm>>
          %dma_start3A_124 = arith.constant 0 : i32
          %dma_start3A_125 = tpu.memref_slice %arg6[%arg0, %add3A_119, %dma_start3A_124] : memref<2x10240x64xf32, #tpu.memory_space<hbm>> -> memref<1x128x64xf32, #tpu.memory_space<hbm>>
          %dma_start3A_126 = tpu.memref_squeeze %dma_start3A_125 : memref<1x128x64xf32, #tpu.memory_space<hbm>> -> memref<128x64xf32, #tpu.memory_space<hbm>>
          tpu.enqueue_dma source(%run_scoped3A_3 : memref<128x64xf32, #tpu.memory_space<vmem>>) target(%dma_start3A_126 : memref<128x64xf32, #tpu.memory_space<hbm>>) target_semaphore(%run_scoped3A_120 : memref<!tpu.dma_semaphore, #tpu.memory_space<semaphore_mem>>)
          %dma_wait3A_127 = arith.constant 0 : i32
          %dma_wait3A_128 = tpu.memref_slice %arg6[%arg0, %add3A_119, %dma_wait3A_127] : memref<2x10240x64xf32, #tpu.memory_space<hbm>> -> memref<1x128x64xf32, #tpu.memory_space<hbm>>
          %dma_wait3A_129 = tpu.memref_squeeze %dma_wait3A_128 : memref<1x128x64xf32, #tpu.memory_space<hbm>> -> memref<128x64xf32, #tpu.memory_space<hbm>>
          %dma_wait3A_130 = arith.constant 0 : i32
          %dma_wait3A_131 = tpu.memref_slice %arg6[%arg0, %add3A_119, %dma_wait3A_130] : memref<2x10240x64xf32, #tpu.memory_space<hbm>> -> memref<1x128x64xf32, #tpu.memory_space<hbm>>
          %dma_wait3A_132 = tpu.memref_squeeze %dma_wait3A_131 : memref<1x128x64xf32, #tpu.memory_space<hbm>> -> memref<128x64xf32, #tpu.memory_space<hbm>>
          tpu.wait_dma2 semaphore(%run_scoped3A_120 : memref<!tpu.dma_semaphore, #tpu.memory_space<semaphore_mem>>) src(%run_scoped3A_3 : memref<128x64xf32, #tpu.memory_space<vmem>>) dst(%dma_wait3A_132 : memref<128x64xf32, #tpu.memory_space<hbm>>)
          tpu.yield
        }) : () -> ()
      }
      %scan3A_109 = arith.constant 5 : i32
      tpu.yield
    }) : () -> ()
    return
  }
}

module attributes {stable_mosaic.version = 14 : i64} {
  func.func @_tc1a_body(%arg0: i32, %arg1: memref<2048x128xf32, #tpu.memory_space<vmem>>, %arg2: memref<128x128xf32, #tpu.memory_space<vmem>>, %arg3: memref<2048x128xf32, #tpu.memory_space<vmem>>) attributes {dimension_semantics = [#tpu.dimension_semantics<arbitrary>], iteration_bounds = array<i64: 5>, scalar_prefetch = 0 : i64, scratch_operands = 0 : i64, tpu.core_type = #tpu.core_type<tc>, window_params = [{transform_indices = @transform_0, window_bounds = array<i64: 2048, 128>}, {pipeline_mode = #tpu.pipeline_mode<synchronous>, transform_indices = @transform_1, window_bounds = array<i64: 128, 128>}, {transform_indices = @transform_2, window_bounds = array<i64: 2048, 128>}]} {
    %get3A = arith.constant 0 : index
    %get3A_0 = arith.constant 0 : index
    %get3A_1 = vector.load %arg1[%get3A, %get3A_0] : memref<2048x128xf32, #tpu.memory_space<vmem>>, vector<2048x128xf32>
    %get3A_2 = arith.constant 0 : index
    %get3A_3 = arith.constant 0 : index
    %get3A_4 = vector.load %arg2[%get3A_2, %get3A_3] : memref<128x128xf32, #tpu.memory_space<vmem>>, vector<128x128xf32>
    %dot_general3A = arith.constant dense<0.000000e+00> : vector<2048x128xf32>
    %dot_general3A_5 = tpu.matmul %get3A_1, %get3A_4, %dot_general3A {dimension_numbers = #tpu.dot_dimension_numbers<[1], [0], [0], [1], [0, 0, 1, 1], [], []>, transpose_lhs_hint = false} : vector<2048x128xf32>, vector<128x128xf32>, vector<2048x128xf32> -> vector<2048x128xf32>
    %swap3A = arith.constant 0 : index
    %swap3A_6 = arith.constant 0 : index
    %swap3A_7 = vector.load %arg3[%swap3A, %swap3A_6] : memref<2048x128xf32, #tpu.memory_space<vmem>>, vector<2048x128xf32>
    tpu.vector_store %arg3[%swap3A, %swap3A_6], %dot_general3A_5 {strides = array<i32>} : memref<2048x128xf32, #tpu.memory_space<vmem>>, vector<2048x128xf32>,
    return
  }
  func.func @transform_0(%arg0: i32) -> (i32, i32) {
    %c0_i32 = arith.constant 0 : i32
    %c0_i32_0 = arith.constant 0 : i32
    return %arg0, %c0_i32 : i32, i32
  }
  func.func @transform_1(%arg0: i32) -> (i32, i32) {
    %c0_i32 = arith.constant 0 : i32
    %c0_i32_0 = arith.constant 0 : i32
    %c0_i32_1 = arith.constant 0 : i32
    return %c0_i32, %c0_i32_0 : i32, i32
  }
  func.func @transform_2(%arg0: i32) -> (i32, i32) {
    %c0_i32 = arith.constant 0 : i32
    %c0_i32_0 = arith.constant 0 : i32
    return %arg0, %c0_i32 : i32, i32
  }
}

module attributes {stable_mosaic.version = 14 : i64} {
  func.func @_tc1b_body(%arg0: i32, %arg1: memref<2048x128xf32, #tpu.memory_space<vmem>>, %arg2: memref<2048x2xf32, #tpu.memory_space<vmem>>, %arg3: memref<2x2048x64xf32, #tpu.memory_space<vmem>>) attributes {dimension_semantics = [#tpu.dimension_semantics<arbitrary>], iteration_bounds = array<i64: 5>, scalar_prefetch = 0 : i64, scratch_operands = 0 : i64, tpu.core_type = #tpu.core_type<tc>, window_params = [{transform_indices = @transform_0, window_bounds = array<i64: 2048, 128>}, {transform_indices = @transform_1, window_bounds = array<i64: 2048, 2>}, {transform_indices = @transform_2, window_bounds = array<i64: 2, 2048, 64>}]} {
    %get3A = arith.constant 0 : index
    %get3A_0 = arith.constant 0 : index
    %get3A_1 = vector.load %arg1[%get3A, %get3A_0] : memref<2048x128xf32, #tpu.memory_space<vmem>>, vector<2048x128xf32>
    %get3A_2 = arith.constant 0 : index
    %get3A_3 = arith.constant 0 : index
    %get3A_4 = vector.load %arg2[%get3A_2, %get3A_3] : memref<2048x2xf32, #tpu.memory_space<vmem>>, vector<2048x2xf32>
    %reduce_sum3A = arith.constant dense<0.000000e+00> : vector<2048xf32>
    %reduce_sum3A_5 = vector.multi_reduction <add>, %get3A_4, %reduce_sum3A [1] : vector<2048x2xf32> to vector<2048xf32>
    %broadcast_in_dim3A = vector.shape_cast %reduce_sum3A_5 : vector<2048xf32> to vector<2048x1xf32>
    %add3A = arith.constant 1.000000e+00 : f32
    %add3A_6 = vector.broadcast %add3A : f32 to vector<2048x1xf32>
    %add3A_7 = arith.addf %broadcast_in_dim3A, %add3A_6 : vector<2048x1xf32>
    %rsqrt3A = math.rsqrt %add3A_7 : vector<2048x1xf32>
    %mul3A = vector.broadcast %rsqrt3A : vector<2048x1xf32> to vector<2048x128xf32>
    %mul3A_8 = arith.mulf %get3A_1, %mul3A : vector<2048x128xf32>
    %slice3A = vector.extract_strided_slice %mul3A_8 {offsets = [0, 0], sizes = [2048, 64], strides = [1, 1]} : vector<2048x128xf32> to vector<2048x64xf32>
    %swap3A = arith.constant 0 : index
    %swap3A_9 = arith.constant 0 : index
    %swap3A_10 = arith.constant 0 : index
    %swap3A_11 = vector.load %arg3[%swap3A, %swap3A_9, %swap3A_10] : memref<2x2048x64xf32, #tpu.memory_space<vmem>>, vector<1x2048x64xf32>
    %swap3A_12 = vector.shape_cast %swap3A_11 : vector<1x2048x64xf32> to vector<2048x64xf32>
    %swap3A_13 = vector.shape_cast %slice3A : vector<2048x64xf32> to vector<1x2048x64xf32>
    tpu.vector_store %arg3[%swap3A, %swap3A_9, %swap3A_10], %swap3A_13 {strides = array<i32>} : memref<2x2048x64xf32, #tpu.memory_space<vmem>>, vector<1x2048x64xf32>,
    %slice3A_14 = vector.extract_strided_slice %mul3A_8 {offsets = [0, 64], sizes = [2048, 64], strides = [1, 1]} : vector<2048x128xf32> to vector<2048x64xf32>
    %swap3A_15 = arith.constant 1 : index
    %swap3A_16 = arith.constant 0 : index
    %swap3A_17 = arith.constant 0 : index
    %swap3A_18 = vector.load %arg3[%swap3A_15, %swap3A_16, %swap3A_17] : memref<2x2048x64xf32, #tpu.memory_space<vmem>>, vector<1x2048x64xf32>
    %swap3A_19 = vector.shape_cast %swap3A_18 : vector<1x2048x64xf32> to vector<2048x64xf32>
    %swap3A_20 = vector.shape_cast %slice3A_14 : vector<2048x64xf32> to vector<1x2048x64xf32>
    tpu.vector_store %arg3[%swap3A_15, %swap3A_16, %swap3A_17], %swap3A_20 {strides = array<i32>} : memref<2x2048x64xf32, #tpu.memory_space<vmem>>, vector<1x2048x64xf32>,
    return
  }
  func.func @transform_0(%arg0: i32) -> (i32, i32) {
    %c0_i32 = arith.constant 0 : i32
    %c0_i32_0 = arith.constant 0 : i32
    return %arg0, %c0_i32 : i32, i32
  }
  func.func @transform_1(%arg0: i32) -> (i32, i32) {
    %c0_i32 = arith.constant 0 : i32
    %c0_i32_0 = arith.constant 0 : i32
    return %arg0, %c0_i32 : i32, i32
  }
  func.func @transform_2(%arg0: i32) -> (i32, i32, i32) {
    %c0_i32 = arith.constant 0 : i32
    %c0_i32_0 = arith.constant 0 : i32
    %c0_i32_1 = arith.constant 0 : i32
    return %c0_i32, %arg0, %c0_i32_0 : i32, i32, i32
  }
}

module attributes {stable_mosaic.version = 14 : i64} {
  func.func @_tc2_body(%arg0: i32, %arg1: memref<2x2048x64xf32, #tpu.memory_space<vmem>>, %arg2: memref<2x2048x64xf32, #tpu.memory_space<vmem>>, %arg3: memref<2048x2xf32, #tpu.memory_space<vmem>>, %arg4: memref<128x64xf32, #tpu.memory_space<vmem>>, %arg5: memref<1x128xf32, #tpu.memory_space<vmem>>, %arg6: memref<2x2048x32xf32, #tpu.memory_space<vmem>>) attributes {dimension_semantics = [#tpu.dimension_semantics<arbitrary>], iteration_bounds = array<i64: 5>, scalar_prefetch = 0 : i64, scratch_operands = 0 : i64, tpu.core_type = #tpu.core_type<tc>, window_params = [{transform_indices = @transform_0, window_bounds = array<i64: 2, 2048, 64>}, {transform_indices = @transform_1, window_bounds = array<i64: 2, 2048, 64>}, {transform_indices = @transform_2, window_bounds = array<i64: 2048, 2>}, {pipeline_mode = #tpu.pipeline_mode<synchronous>, transform_indices = @transform_3, window_bounds = array<i64: 128, 64>}, {pipeline_mode = #tpu.pipeline_mode<synchronous>, transform_indices = @transform_4, window_bounds = array<i64: 1, 128>}, {transform_indices = @transform_5, window_bounds = array<i64: 2, 2048, 32>}]} {
    %get3A = arith.constant 0 : index
    %get3A_0 = arith.constant 0 : index
    %get3A_1 = vector.load %arg3[%get3A, %get3A_0] : memref<2048x2xf32, #tpu.memory_space<vmem>>, vector<2048x2xf32>
    %reduce_sum3A = arith.constant dense<0.000000e+00> : vector<2048xf32>
    %reduce_sum3A_2 = vector.multi_reduction <add>, %get3A_1, %reduce_sum3A [1] : vector<2048x2xf32> to vector<2048xf32>
    %broadcast_in_dim3A = vector.shape_cast %reduce_sum3A_2 : vector<2048xf32> to vector<2048x1xf32>
    %add3A = arith.constant 1.000000e+00 : f32
    %add3A_3 = vector.broadcast %add3A : f32 to vector<2048x1xf32>
    %add3A_4 = arith.addf %broadcast_in_dim3A, %add3A_3 : vector<2048x1xf32>
    %rsqrt3A = math.rsqrt %add3A_4 : vector<2048x1xf32>
    %mul3A = arith.constant 2048 : i32
    %mul3A_5 = arith.muli %arg0, %mul3A : i32
    %iota3A = tpu.iota {dimensions = array<i32: 0>} : vector<2048x1xi32>
    %add3A_6 = vector.broadcast %mul3A_5 : i32 to vector<2048x1xi32>
    %add3A_7 = arith.addi %add3A_6, %iota3A : vector<2048x1xi32>
    %lt3A = arith.constant 10000 : i32
    %lt3A_8 = vector.broadcast %lt3A : i32 to vector<2048x1xi32>
    %lt3A_9 = arith.cmpi slt, %add3A_7, %lt3A_8 : vector<2048x1xi32>
    %get3A_10 = arith.constant 0 : index
    %get3A_11 = arith.constant 0 : index
    %get3A_12 = arith.constant 0 : index
    %get3A_13 = vector.load %arg1[%get3A_10, %get3A_11, %get3A_12] : memref<2x2048x64xf32, #tpu.memory_space<vmem>>, vector<1x2048x64xf32>
    %get3A_14 = vector.shape_cast %get3A_13 : vector<1x2048x64xf32> to vector<2048x64xf32>
    %get3A_15 = arith.constant 0 : index
    %get3A_16 = arith.constant 0 : index
    %get3A_17 = arith.constant 0 : index
    %get3A_18 = vector.load %arg2[%get3A_15, %get3A_16, %get3A_17] : memref<2x2048x64xf32, #tpu.memory_space<vmem>>, vector<1x2048x64xf32>
    %get3A_19 = vector.shape_cast %get3A_18 : vector<1x2048x64xf32> to vector<2048x64xf32>
    %add3A_20 = arith.addf %get3A_14, %get3A_19 : vector<2048x64xf32>
    %mul3A_21 = vector.broadcast %rsqrt3A : vector<2048x1xf32> to vector<2048x64xf32>
    %mul3A_22 = arith.mulf %add3A_20, %mul3A_21 : vector<2048x64xf32>
    %get3A_23 = arith.constant 0 : index
    %get3A_24 = arith.constant 0 : index
    %get3A_25 = vector.load %arg5[%get3A_23, %get3A_24] : memref<1x128xf32, #tpu.memory_space<vmem>>, vector<1x64xf32>
    %add3A_26 = vector.broadcast %get3A_25 : vector<1x64xf32> to vector<2048x64xf32>
    %add3A_27 = arith.addf %mul3A_22, %add3A_26 : vector<2048x64xf32>
    %max3A = arith.constant 0.000000e+00 : f32
    %max3A_28 = vector.broadcast %max3A : f32 to vector<2048x64xf32>
    %max3A_29 = arith.maximumf %add3A_27, %max3A_28 : vector<2048x64xf32>
    %jit3A = arith.constant 0.000000e+00 : f32
    %broadcast_in_dim3A_30 = vector.shape_cast %lt3A_9 : vector<2048x1xi1> to vector<2048x1xi1>
    %broadcast_in_dim3A_31 = vector.broadcast %broadcast_in_dim3A_30 : vector<2048x1xi1> to vector<2048x64xi1>
    %broadcast_in_dim3A_32 = vector.broadcast %jit3A : f32 to vector<2048x64xf32>
    %select_n3A = arith.select %broadcast_in_dim3A_31, %max3A_29, %broadcast_in_dim3A_32 : vector<2048x64xi1>, vector<2048x64xf32>
    %get3A_33 = arith.constant 0 : index
    %get3A_34 = arith.constant 0 : index
    %get3A_35 = vector.load %arg4[%get3A_33, %get3A_34] : memref<128x64xf32, #tpu.memory_space<vmem>>, vector<64x64xf32>
    %dot_general3A = arith.constant dense<0.000000e+00> : vector<2048x64xf32>
    %dot_general3A_36 = tpu.matmul %select_n3A, %get3A_35, %dot_general3A {dimension_numbers = #tpu.dot_dimension_numbers<[1], [0], [0], [1], [0, 0, 1, 1], [], []>, transpose_lhs_hint = false} : vector<2048x64xf32>, vector<64x64xf32>, vector<2048x64xf32> -> vector<2048x64xf32>
    %get3A_37 = arith.constant 1 : index
    %get3A_38 = arith.constant 0 : index
    %get3A_39 = arith.constant 0 : index
    %get3A_40 = vector.load %arg1[%get3A_37, %get3A_38, %get3A_39] : memref<2x2048x64xf32, #tpu.memory_space<vmem>>, vector<1x2048x64xf32>
    %get3A_41 = vector.shape_cast %get3A_40 : vector<1x2048x64xf32> to vector<2048x64xf32>
    %get3A_42 = arith.constant 1 : index
    %get3A_43 = arith.constant 0 : index
    %get3A_44 = arith.constant 0 : index
    %get3A_45 = vector.load %arg2[%get3A_42, %get3A_43, %get3A_44] : memref<2x2048x64xf32, #tpu.memory_space<vmem>>, vector<1x2048x64xf32>
    %get3A_46 = vector.shape_cast %get3A_45 : vector<1x2048x64xf32> to vector<2048x64xf32>
    %add3A_47 = arith.addf %get3A_41, %get3A_46 : vector<2048x64xf32>
    %mul3A_48 = vector.broadcast %rsqrt3A : vector<2048x1xf32> to vector<2048x64xf32>
    %mul3A_49 = arith.mulf %add3A_47, %mul3A_48 : vector<2048x64xf32>
    %get3A_50 = arith.constant 0 : index
    %get3A_51 = arith.constant 64 : index
    %get3A_52 = vector.load %arg5[%get3A_50, %get3A_51] : memref<1x128xf32, #tpu.memory_space<vmem>>, vector<1x64xf32>
    %add3A_53 = vector.broadcast %get3A_52 : vector<1x64xf32> to vector<2048x64xf32>
    %add3A_54 = arith.addf %mul3A_49, %add3A_53 : vector<2048x64xf32>
    %max3A_55 = arith.constant 0.000000e+00 : f32
    %max3A_56 = vector.broadcast %max3A_55 : f32 to vector<2048x64xf32>
    %max3A_57 = arith.maximumf %add3A_54, %max3A_56 : vector<2048x64xf32>
    %jit3A_58 = arith.constant 0.000000e+00 : f32
    %broadcast_in_dim3A_59 = vector.shape_cast %lt3A_9 : vector<2048x1xi1> to vector<2048x1xi1>
    %broadcast_in_dim3A_60 = vector.broadcast %broadcast_in_dim3A_59 : vector<2048x1xi1> to vector<2048x64xi1>
    %broadcast_in_dim3A_61 = vector.broadcast %jit3A_58 : f32 to vector<2048x64xf32>
    %select_n3A_62 = arith.select %broadcast_in_dim3A_60, %max3A_57, %broadcast_in_dim3A_61 : vector<2048x64xi1>, vector<2048x64xf32>
    %get3A_63 = arith.constant 64 : index
    %get3A_64 = arith.constant 0 : index
    %get3A_65 = vector.load %arg4[%get3A_63, %get3A_64] : memref<128x64xf32, #tpu.memory_space<vmem>>, vector<64x64xf32>
    %dot_general3A_66 = arith.constant dense<0.000000e+00> : vector<2048x64xf32>
    %dot_general3A_67 = tpu.matmul %select_n3A_62, %get3A_65, %dot_general3A_66 {dimension_numbers = #tpu.dot_dimension_numbers<[1], [0], [0], [1], [0, 0, 1, 1], [], []>, transpose_lhs_hint = false} : vector<2048x64xf32>, vector<64x64xf32>, vector<2048x64xf32> -> vector<2048x64xf32>
    %add3A_68 = arith.addf %dot_general3A_36, %dot_general3A_67 : vector<2048x64xf32>
    %mul3A_69 = vector.broadcast %rsqrt3A : vector<2048x1xf32> to vector<2048x64xf32>
    %mul3A_70 = arith.mulf %add3A_68, %mul3A_69 : vector<2048x64xf32>
    %slice3A = vector.extract_strided_slice %mul3A_70 {offsets = [0, 0], sizes = [2048, 32], strides = [1, 1]} : vector<2048x64xf32> to vector<2048x32xf32>
    %swap3A = arith.constant 0 : index
    %swap3A_71 = arith.constant 0 : index
    %swap3A_72 = arith.constant 0 : index
    %swap3A_73 = vector.load %arg6[%swap3A, %swap3A_71, %swap3A_72] : memref<2x2048x32xf32, #tpu.memory_space<vmem>>, vector<1x2048x32xf32>
    %swap3A_74 = vector.shape_cast %swap3A_73 : vector<1x2048x32xf32> to vector<2048x32xf32>
    %swap3A_75 = vector.shape_cast %slice3A : vector<2048x32xf32> to vector<1x2048x32xf32>
    tpu.vector_store %arg6[%swap3A, %swap3A_71, %swap3A_72], %swap3A_75 {strides = array<i32>} : memref<2x2048x32xf32, #tpu.memory_space<vmem>>, vector<1x2048x32xf32>,
    %slice3A_76 = vector.extract_strided_slice %mul3A_70 {offsets = [0, 32], sizes = [2048, 32], strides = [1, 1]} : vector<2048x64xf32> to vector<2048x32xf32>
    %swap3A_77 = arith.constant 1 : index
    %swap3A_78 = arith.constant 0 : index
    %swap3A_79 = arith.constant 0 : index
    %swap3A_80 = vector.load %arg6[%swap3A_77, %swap3A_78, %swap3A_79] : memref<2x2048x32xf32, #tpu.memory_space<vmem>>, vector<1x2048x32xf32>
    %swap3A_81 = vector.shape_cast %swap3A_80 : vector<1x2048x32xf32> to vector<2048x32xf32>
    %swap3A_82 = vector.shape_cast %slice3A_76 : vector<2048x32xf32> to vector<1x2048x32xf32>
    tpu.vector_store %arg6[%swap3A_77, %swap3A_78, %swap3A_79], %swap3A_82 {strides = array<i32>} : memref<2x2048x32xf32, #tpu.memory_space<vmem>>, vector<1x2048x32xf32>,
    return
  }
  func.func @transform_0(%arg0: i32) -> (i32, i32, i32) {
    %c0_i32 = arith.constant 0 : i32
    %c0_i32_0 = arith.constant 0 : i32
    %c0_i32_1 = arith.constant 0 : i32
    return %c0_i32, %arg0, %c0_i32_0 : i32, i32, i32
  }
  func.func @transform_1(%arg0: i32) -> (i32, i32, i32) {
    %c0_i32 = arith.constant 0 : i32
    %c0_i32_0 = arith.constant 0 : i32
    %c0_i32_1 = arith.constant 0 : i32
    return %c0_i32, %arg0, %c0_i32_0 : i32, i32, i32
  }
  func.func @transform_2(%arg0: i32) -> (i32, i32) {
    %c0_i32 = arith.constant 0 : i32
    %c0_i32_0 = arith.constant 0 : i32
    return %arg0, %c0_i32 : i32, i32
  }
  func.func @transform_3(%arg0: i32) -> (i32, i32) {
    %c0_i32 = arith.constant 0 : i32
    %c0_i32_0 = arith.constant 0 : i32
    %c0_i32_1 = arith.constant 0 : i32
    return %c0_i32, %c0_i32_0 : i32, i32
  }
  func.func @transform_4(%arg0: i32) -> (i32, i32) {
    %c0_i32 = arith.constant 0 : i32
    %c0_i32_0 = arith.constant 0 : i32
    %c0_i32_1 = arith.constant 0 : i32
    return %c0_i32, %c0_i32_0 : i32, i32
  }
  func.func @transform_5(%arg0: i32) -> (i32, i32, i32) {
    %c0_i32 = arith.constant 0 : i32
    %c0_i32_0 = arith.constant 0 : i32
    %c0_i32_1 = arith.constant 0 : i32
    return %c0_i32, %arg0, %c0_i32_0 : i32, i32, i32
  }
}

module attributes {stable_mosaic.version = 14 : i64} {
  func.func @_tc3_body(%arg0: i32, %arg1: memref<2x2048x32xf32, #tpu.memory_space<vmem>>, %arg2: memref<2x2048x32xf32, #tpu.memory_space<vmem>>, %arg3: memref<2048x2xf32, #tpu.memory_space<vmem>>, %arg4: memref<1x64xf32, #tpu.memory_space<vmem>>, %arg5: memref<2048x64xf32, #tpu.memory_space<vmem>>) attributes {dimension_semantics = [#tpu.dimension_semantics<arbitrary>], iteration_bounds = array<i64: 5>, scalar_prefetch = 0 : i64, scratch_operands = 0 : i64, tpu.core_type = #tpu.core_type<tc>, window_params = [{transform_indices = @transform_0, window_bounds = array<i64: 2, 2048, 32>}, {transform_indices = @transform_1, window_bounds = array<i64: 2, 2048, 32>}, {transform_indices = @transform_2, window_bounds = array<i64: 2048, 2>}, {pipeline_mode = #tpu.pipeline_mode<synchronous>, transform_indices = @transform_3, window_bounds = array<i64: 1, 64>}, {transform_indices = @transform_4, window_bounds = array<i64: 2048, 64>}]} {
    %get3A = arith.constant 0 : index
    %get3A_0 = arith.constant 0 : index
    %get3A_1 = vector.load %arg3[%get3A, %get3A_0] : memref<2048x2xf32, #tpu.memory_space<vmem>>, vector<2048x2xf32>
    %reduce_sum3A = arith.constant dense<0.000000e+00> : vector<2048xf32>
    %reduce_sum3A_2 = vector.multi_reduction <add>, %get3A_1, %reduce_sum3A [1] : vector<2048x2xf32> to vector<2048xf32>
    %broadcast_in_dim3A = vector.shape_cast %reduce_sum3A_2 : vector<2048xf32> to vector<2048x1xf32>
    %add3A = arith.constant 1.000000e+00 : f32
    %add3A_3 = vector.broadcast %add3A : f32 to vector<2048x1xf32>
    %add3A_4 = arith.addf %broadcast_in_dim3A, %add3A_3 : vector<2048x1xf32>
    %rsqrt3A = math.rsqrt %add3A_4 : vector<2048x1xf32>
    %get3A_5 = arith.constant 0 : index
    %get3A_6 = arith.constant 0 : index
    %get3A_7 = arith.constant 0 : index
    %get3A_8 = vector.load %arg1[%get3A_5, %get3A_6, %get3A_7] : memref<2x2048x32xf32, #tpu.memory_space<vmem>>, vector<1x2048x32xf32>
    %get3A_9 = vector.shape_cast %get3A_8 : vector<1x2048x32xf32> to vector<2048x32xf32>
    %get3A_10 = arith.constant 0 : index
    %get3A_11 = arith.constant 0 : index
    %get3A_12 = arith.constant 0 : index
    %get3A_13 = vector.load %arg2[%get3A_10, %get3A_11, %get3A_12] : memref<2x2048x32xf32, #tpu.memory_space<vmem>>, vector<1x2048x32xf32>
    %get3A_14 = vector.shape_cast %get3A_13 : vector<1x2048x32xf32> to vector<2048x32xf32>
    %add3A_15 = arith.addf %get3A_9, %get3A_14 : vector<2048x32xf32>
    %mul3A = vector.broadcast %rsqrt3A : vector<2048x1xf32> to vector<2048x32xf32>
    %mul3A_16 = arith.mulf %add3A_15, %mul3A : vector<2048x32xf32>
    %get3A_17 = arith.constant 0 : index
    %get3A_18 = arith.constant 0 : index
    %get3A_19 = vector.load %arg4[%get3A_17, %get3A_18] : memref<1x64xf32, #tpu.memory_space<vmem>>, vector<1x32xf32>
    %add3A_20 = vector.broadcast %get3A_19 : vector<1x32xf32> to vector<2048x32xf32>
    %add3A_21 = arith.addf %mul3A_16, %add3A_20 : vector<2048x32xf32>
    %swap3A = arith.constant 0 : index
    %swap3A_22 = arith.constant 0 : index
    %swap3A_23 = vector.load %arg5[%swap3A, %swap3A_22] : memref<2048x64xf32, #tpu.memory_space<vmem>>, vector<2048x32xf32>
    tpu.vector_store %arg5[%swap3A, %swap3A_22], %add3A_21 {strides = array<i32>} : memref<2048x64xf32, #tpu.memory_space<vmem>>, vector<2048x32xf32>,
    %get3A_24 = arith.constant 1 : index
    %get3A_25 = arith.constant 0 : index
    %get3A_26 = arith.constant 0 : index
    %get3A_27 = vector.load %arg1[%get3A_24, %get3A_25, %get3A_26] : memref<2x2048x32xf32, #tpu.memory_space<vmem>>, vector<1x2048x32xf32>
    %get3A_28 = vector.shape_cast %get3A_27 : vector<1x2048x32xf32> to vector<2048x32xf32>
    %get3A_29 = arith.constant 1 : index
    %get3A_30 = arith.constant 0 : index
    %get3A_31 = arith.constant 0 : index
    %get3A_32 = vector.load %arg2[%get3A_29, %get3A_30, %get3A_31] : memref<2x2048x32xf32, #tpu.memory_space<vmem>>, vector<1x2048x32xf32>
    %get3A_33 = vector.shape_cast %get3A_32 : vector<1x2048x32xf32> to vector<2048x32xf32>
    %add3A_34 = arith.addf %get3A_28, %get3A_33 : vector<2048x32xf32>
    %mul3A_35 = vector.broadcast %rsqrt3A : vector<2048x1xf32> to vector<2048x32xf32>
    %mul3A_36 = arith.mulf %add3A_34, %mul3A_35 : vector<2048x32xf32>
    %get3A_37 = arith.constant 0 : index
    %get3A_38 = arith.constant 32 : index
    %get3A_39 = vector.load %arg4[%get3A_37, %get3A_38] : memref<1x64xf32, #tpu.memory_space<vmem>>, vector<1x32xf32>
    %add3A_40 = vector.broadcast %get3A_39 : vector<1x32xf32> to vector<2048x32xf32>
    %add3A_41 = arith.addf %mul3A_36, %add3A_40 : vector<2048x32xf32>
    %swap3A_42 = arith.constant 0 : index
    %swap3A_43 = arith.constant 32 : index
    %swap3A_44 = vector.load %arg5[%swap3A_42, %swap3A_43] : memref<2048x64xf32, #tpu.memory_space<vmem>>, vector<2048x32xf32>
    tpu.vector_store %arg5[%swap3A_42, %swap3A_43], %add3A_41 {strides = array<i32>} : memref<2048x64xf32, #tpu.memory_space<vmem>>, vector<2048x32xf32>,
    return
  }
  func.func @transform_0(%arg0: i32) -> (i32, i32, i32) {
    %c0_i32 = arith.constant 0 : i32
    %c0_i32_0 = arith.constant 0 : i32
    %c0_i32_1 = arith.constant 0 : i32
    return %c0_i32, %arg0, %c0_i32_0 : i32, i32, i32
  }
  func.func @transform_1(%arg0: i32) -> (i32, i32, i32) {
    %c0_i32 = arith.constant 0 : i32
    %c0_i32_0 = arith.constant 0 : i32
    %c0_i32_1 = arith.constant 0 : i32
    return %c0_i32, %arg0, %c0_i32_0 : i32, i32, i32
  }
  func.func @transform_2(%arg0: i32) -> (i32, i32) {
    %c0_i32 = arith.constant 0 : i32
    %c0_i32_0 = arith.constant 0 : i32
    return %arg0, %c0_i32 : i32, i32
  }
  func.func @transform_3(%arg0: i32) -> (i32, i32) {
    %c0_i32 = arith.constant 0 : i32
    %c0_i32_0 = arith.constant 0 : i32
    %c0_i32_1 = arith.constant 0 : i32
    return %c0_i32, %c0_i32_0 : i32, i32
  }
  func.func @transform_4(%arg0: i32) -> (i32, i32) {
    %c0_i32 = arith.constant 0 : i32
    %c0_i32_0 = arith.constant 0 : i32
    return %arg0, %c0_i32 : i32, i32
  }
}

</mosaic_0001>

<sc_bundles>
// kernel: kernel.12.cloned.1.call-start
scs
__scs_entry_jumppad:
0x0: {  	(pc) =	sbr.rel $0x88, $3  }
0x1: {  	(tag) =	ssettag $0x0;
	lr =	simm.s32 $0x1  }
0x2: {  	[smem:$0x3F9B] =	sst lr;
	_ =	strace $0xD0000000  }
0x3: {  	_ = 	snop  }
0x4: {  	_ = 	snop  }
0x5: {  	_ = 	snop  }
0x6: {  	_ = 	snop  }
0x7: {  	_ = 	snop  }
__scs_overlays_trampoline_lowered:
0x8: {  	[smem:$0x3FAA] =	sst s0  }
0x9: {  	[smem:$0x3FAB] =	sst s1  }
0xa: {  	[smem:$0x3FAC] =	sst s2  }
0xb: {  	[smem:$0x3FAD] =	sst s3  }
0xc: {  	[smem:$0x3FAE] =	sst s4  }
0xd: {  	[smem:$0x3FAF] =	sst s5  }
0xe: {  	[smem:$0x3FB0] =	sst s6  }
0xf: {  	[smem:$0x3FB1] =	sst s7  }
0x10: {  	[smem:$0x3FB2] =	sst s8  }
0x11: {  	[smem:$0x3FB3] =	sst s9;
	s0 =	simm.s32 @!p0 $0x0  }
0x12: {  	s1 =	sld [smem:$0x3F99];
	s0 =	simm.s32 @p0 $0x1  }
0x13: {  	[smem:$0x3FB4] =	sst s0;
	s0 =	simm.s32 @!p1 $0x0  }
0x14: {  	s2 =	sld [smem:$0x3F98];
	s0 =	simm.s32 @p1 $0x1  }
0x15: {  	[smem:$0x3FB5] =	sst s0;
	s0 =	simm.s32 @!p2 $0x0  }
0x16: {  	s3 =	sld [smem:$0x3FDB];
	s0 =	simm.s32 @p2 $0x1  }
0x17: {  	s4 =	simm.s32 $0x1BF5;
	[smem:$0x3FB7] =	sst s0  }
0x18: {  	s0 =	sld [smem:$0x3F9A];
	_ =	swait.ge [sflag:s4], $0x0  }
0x19: {  	s7 =	sld [smem:$0x3F9B]  }
0x1a: {  	s8 =	sadd.s32 $0xFFFFE003, lr  }
0x1b: {  	s9 =	sadd.s32 $0xFFFFFEF7, lr;
	s5 =	simm.s32 $0xFFFFFFFF;
	p2 =	slt.u32 s8, $0xFFFFF086  }
0x1c: {  	p1 =	slt.u32 s9, $0xF7A;
	s5 =	simm.s32 @!p2 $0x0  }
0x1d: {  	s5 =	simm.s32 @p1 $0x1;
	p0 =	seq.s32 s7, s2  }
0x1e: {  	s7 =	smul.u32 @!p0 $0xF7A, s2;
	p2 =	seq.s32 @!p0 s5, $0x0  }
0x1f: {  	s9 =	smul.u32 $0xF7A, s1;
	s8 =	simm.s32 @!p0 $0x1BF5;
	p2 =	por !p2, p0  }
0x20: {  	[sflag:s8] =	ssyncset.s32 @!p0 $0xFFFFF086;
	s6 =	sadd.s32 @!p0 s3, s7;
	s7 =	simm.s32 @!p0 $0x108  }
0x21: {  	s3 =	sadd.s32 s3, s9;
	s6 =	sadd.s32 @!p0 $0x88, s6;
	s7 =	simm.s32 @p2 $0x1082  }
0x22: {  	[simem:s7], [sflag:s8] =	dma.local @!p0 [hbm:s6], $0xF7A  }
0x23: {  	s9 =	sor.u32 $0xD0000000, s2;
	s6 =	simm.s32 $0x108;
	_ =	swait.ge @!p0 [sflag:s8], $0x0  }
0x24: {  	s3 =	sadd.s32 $0x88, s3;
	s6 =	simm.s32 @!p1 $0x1082;
	[sflag:s4] =	ssyncset.s32 $0xFFFFF086  }
0x25: {  	[simem:s6], [sflag:s4] =	dma.local [hbm:s3], $0xF7A  }
0x26: {  	[smem:$0x3F9B] =	sst s1;
	(tag) =	ssettag s2;
	_ =	strace s9  }
0x27: {  	s1 =	sld [smem:$0x3FAB]  }
0x28: {  	s2 =	sld [smem:$0x3FAC]  }
0x29: {  	s4 =	sld [smem:$0x3FAE]  }
0x2a: {  	p0 =	seq.s32 s5, $0x0;
	s5 =	sld [smem:$0x3FAF]  }
0x2b: {  	s6 =	sld [smem:$0x3FB0]  }
0x2c: {  	s7 =	sld [smem:$0x3FB1]  }
0x2d: {  	s3 =	simm.s32 $0x108;
	s8 =	sld [smem:$0x3FB2]  }
0x2e: {  	s3 =	simm.s32 @!p0 $0x1082;
	s9 =	sld [smem:$0x3FB3]  }
0x2f: {  	lr =	sadd.s32 s0, s3;
	s0 =	sld [smem:$0x3FAA]  }
0x30: {  	s3 =	sld [smem:$0x3FAD]  }
0x31: {  	[smem:$0x3FB6] =	sst s10  }
0x32: {  	s10 =	sld [smem:$0x3FB4];
	_ =	sdelay $0x3  }
0x33: {  	p0 =	seq.s32 s10, $0x1;
	s10 =	sld [smem:$0x3FB6];
	_ =	sdelay $0x3  }
0x34: {  	[smem:$0x3FB6] =	sst s10  }
0x35: {  	s10 =	sld [smem:$0x3FB5];
	_ =	sdelay $0x3  }
0x36: {  	p1 =	seq.s32 s10, $0x1;
	s10 =	sld [smem:$0x3FB6];
	_ =	sdelay $0x3  }
0x37: {  	[smem:$0x3FB6] =	sst s10  }
0x38: {  	s10 =	sld [smem:$0x3FB7]  }
0x39: {  	_ = 	snop;
	(pc) =	sbr.ind lr, $3  }
0x3a: {  	_ = 	snop  }
0x3b: {  	_ = 	snop  }
0x3c: {  	p2 =	seq.s32 s10, $0x1;
	s10 =	sld [smem:$0x3FB6]  }
0x3d: {  	_ =	shalt  }
0x3e: {  	_ =	shalt  }
0x3f: {  	_ =	shalt  }
0x40: {  	_ =	shalt  }
0x41: {  	_ =	shalt  }
0x42: {  	_ =	shalt  }
0x43: {  	_ =	shalt  }
0x44: {  	_ =	shalt  }
0x45: {  	_ =	shalt  }
0x46: {  	_ =	shalt  }
0x47: {  	_ =	shalt  }
0x48: {  	_ =	shalt  }
0x49: {  	_ =	shalt  }
0x4a: {  	_ =	shalt  }
0x4b: {  	_ =	shalt  }
0x4c: {  	_ =	shalt  }
0x4d: {  	_ =	shalt  }
0x4e: {  	_ =	shalt  }
0x4f: {  	_ =	shalt  }
0x50: {  	_ =	shalt  }
0x51: {  	_ =	shalt  }
0x52: {  	_ =	shalt  }
0x53: {  	_ =	shalt  }
0x54: {  	_ =	shalt  }
0x55: {  	_ =	shalt  }
0x56: {  	_ =	shalt  }
0x57: {  	_ =	shalt  }
0x58: {  	_ =	shalt  }
0x59: {  	_ =	shalt  }
0x5a: {  	_ =	shalt  }
0x5b: {  	_ =	shalt  }
0x5c: {  	_ =	shalt  }
0x5d: {  	_ =	shalt  }
0x5e: {  	_ =	shalt  }
0x5f: {  	_ =	shalt  }
0x60: {  	_ =	shalt  }
0x61: {  	_ =	shalt  }
0x62: {  	_ =	shalt  }
0x63: {  	_ =	shalt  }
0x64: {  	_ =	shalt  }
0x65: {  	_ =	shalt  }
0x66: {  	_ =	shalt  }
0x67: {  	_ =	shalt  }
0x68: {  	_ =	shalt  }
0x69: {  	_ =	shalt  }
0x6a: {  	_ =	shalt  }
0x6b: {  	_ =	shalt  }
0x6c: {  	_ =	shalt  }
0x6d: {  	_ =	shalt  }
0x6e: {  	_ =	shalt  }
0x6f: {  	_ =	shalt  }
0x70: {  	_ =	shalt  }
0x71: {  	_ =	shalt  }
0x72: {  	_ =	shalt  }
0x73: {  	_ =	shalt  }
0x74: {  	_ =	shalt  }
0x75: {  	_ =	shalt  }
0x76: {  	_ =	shalt  }
0x77: {  	_ =	shalt  }
0x78: {  	_ =	shalt  }
0x79: {  	_ =	shalt  }
0x7a: {  	_ =	shalt  }
0x7b: {  	_ =	shalt  }
0x7c: {  	_ =	shalt  }
0x7d: {  	_ =	shalt  }
0x7e: {  	_ =	shalt  }
0x7f: {  	_ =	shalt  }
0x80: {  	_ =	shalt  }
0x81: {  	_ =	shalt  }
0x82: {  	_ =	shalt  }
0x83: {  	_ =	shalt  }
0x84: {  	_ =	shalt  }
0x85: {  	_ =	shalt  }
0x86: {  	_ =	shalt  }
0x87: {  	_ =	shalt  }
.Lfunc_end0:
.L_simem_size_0:
called_computation.1_lowered:
.L_overlay_start_0:
0x88: {  	s2 =	sld [smem:$0x3FD9]  }
0x89: {  	s3 =	sld [smem:$0x3FFE];
	_ =	sdelay $0x1  }
0x8a: {  	s1 =	srdreg.scid  }
0x8b: {  	s0 =	sand.u32 $0x1, s1  }
0x8c: {  	s17 =	sshll.u32 s0, $0xA;
	s2 =	sadd.s32 s3, s2  }
0x8d: {  	s2 =	sadd.s32 s2, s17  }
0x8e: {  	[smem:$0x3FC2] =	sst s2  }
0x8f: {  	_ = 	snop  }
0x90: {  	s2 =	sld [smem:$0x3FD0];
	(tm) =	ssettm $0x1  }
0x91: {  	s18 =	sld [smem:$0x3FFB];
	_ =	sdelay $0x3  }
0x92: {  	_ =	strace s18  }
0x93: {  	s3 =	sld [smem:$0x3FFC];
	_ =	sdelay $0x3  }
0x94: {  	_ =	strace s3  }
0x95: {  	s3 =	sld [smem:$0x3FFD];
	_ =	sdelay $0x3  }
0x96: {  	_ =	strace s3  }
0x97: {  	_ =	strace $0x8FFFFFFF  }
0x98: {  	s19 =	sld [smem:$0x3FDB];
	_ =	sdelay $0x1  }
0x99: {  	s4 =	simm.s32 $_scs_section_size  }
0x9a: {  	s5 =	simm.s32 $_size__tile_overlayer_lowered;
	s6 =	simm.s32 $_tile_overlayer_lowered  }
0x9b: {  	s22 =	simm.s32 $0x1BFF;
	s21 =	sshll.u32 s6, $0x1;
	s3 =	sadd.s32 s4, s19  }
0x9c: {  	s7 =	simm.s32 $0x0;
	s20 =	sshll.u32 s5, $0x1;
	s5 =	sadd.s32 s21, s3  }
0x9d: {  	[timem:s7], [sflag:s22] =	dma.local [hbm:s5], s20  }
0x9e: {  	_ =	swait.ge [sflag:s22], s20  }
0x9f: {  	s4 =	ssub.s32 $0x0, s20;
	[sflag:s22] =	ssyncset.done $0x0  }
0xa0: {  	[sflag:s22] =	ssyncadd.s32 s4;
	_ =	sdelay $0x1  }
0xa1: {  	s23 =	simm.s32 $0x1B8B  }
0xa2: {  	_ =	swait.ge [sflag:s23], $0x1  }
0xa3: {  	[sflag:s23] =	ssyncset.done $0x0  }
0xa4: {  	s25 =	simm.s32 $0x1B8E;
	s24 =	sld [smem:$0x3FFE];
	[sflag:s23] =	ssyncadd.s32 $0xFFFFFFFF  }
0xa5: {  	s26 =	simm.s32 $execute0_lowered;
	[smem:$0x3FD2] =	sst s25  }
0xa6: {  	s5 =	sshll.u32 s26, $0x1;
	_ =	strace $0x80000049;
	[dreg:$0x1] =	wrdreg $0xFFFFFFFF  }
0xa7: {  	s28 =	simm.s32 $_size_execute0_lowered;
	s3 =	sadd.s32 s3, s5;
	[dreg:$0x0] =	wrdreg $0x0  }
0xa8: {  	s5 =	sshll.u32 s28, $0x1;
	[dreg:$0x2] =	wrdreg s3  }
0xa9: {  	[dreg:$0x3] =	wrdreg s5  }
0xaa: {  	[dreg:$0x4] =	wrdreg $0xC0  }
0xab: {  	_ =	task [dreg:s7], $0x5FFFF  }
0xac: {  	[dreg:$0x1] =	wrdreg $0xFFFFFFFF  }
0xad: {  	[dreg:$0x0] =	wrdreg $0x60  }
0xae: {  	[dreg:$0x2] =	wrdreg s24  }
0xaf: {  	[dreg:$0x3] =	wrdreg s2  }
0xb0: {  	[dreg:$0x4] =	wrdreg $0x0  }
0xb1: {  	[dreg:$0x5] =	wrdreg $0x9  }
0xb2: {  	_ =	task.clear_ibuf [dreg:s7], $0x6FFFF;
	_ =	strace $0x90000049  }
0xb3: {  	s29 =	simm.s32 $0x9;
	_ =	strace $0x8000004B  }
0xb4: {  	_ =	swait.ge [sflag:s29], $0x1  }
0xb5: {  	[sflag:s29] =	ssyncadd.s32 $0xFFFFFFFF  }
0xb6: {  	_ =	strace $0x9000004B  }
0xb7: {  	_ =	sfence  }
0xb8: {  	s30 =	sld [smem:$0x0];
	_ =	sdelay $0x2  }
0xb9: {  	s31 =	sshll.u32 s1, $0xD;
	s1 =	sshrl.u32 s1, $0x2  }
0xba: {  	s3 =	sand.u32 $0x4000, s31;
	s1 =	sadd.s32 s1, s30  }
0xbb: {  	s0 =	sor.u32 s3, s0;
	s1 =	sshll.u32 s1, $0x11  }
0xbc: {  	s0 =	sor.u32 s1, s0  }
0xbd: {  	s0 =	sadd.s32 $0x8F2B, s0  }
0xbe: {  	[sflag:s0] =	ssyncadd.remote.s32 $0x1  }
0xbf: {  	_ =	sfence.sel $0xFFFF  }
0xc0: {  	[dreg:$0x0] =	wrdreg $0xFFFFFFFF;
	(pc) =	sbr.abs _section_cstart, $3  }
0xc1: {  	[dreg:$0x1] =	wrdreg $0xFFFFFFFF  }
0xc2: {  	_ =	task.clear_ibuf [dreg:s7], $0x2FFFF;
	_ =	strace $0x9FFFFFFF  }
0xc3: {  	(tm) =	ssettm $0x7FFFFFFF  }
tec
execute0_lowered:
.L_overlay_start_1:
0x0: {  	(tag) =	ssettag $0x1  }
0x1: {  	s0 =	rddreg [dreg:$0x0]  }
0x2: {  	s2 =	rddreg [dreg:$0x1]  }
0x3: {  	s1 =	rddreg [dreg:$0x2]  }
0x4: {  	s3 =	srdreg.scid;
	s11 =	stileid.u32;
	s28 =	simm.s32 $0x14000  }
0x5: {  	s29 =	simm.s32 $0x80;
	s31 =	simm.s32 $0x16000;
	s6 =	smul.u32 $0xA00, s11  }
0x6: {  	s30 =	simm.s32 $0x1A000;
	s4 =	sand.u32 $0x1, s3;
	s10 =	smul.u32 $0x28000, s11  }
0x7: {  	s3 =	simm.s32 $0x0;
	s9 =	sadd.s32 $0xABE00, s0;
	s24 =	smul.u32 $0xA000, s11  }
0x8: {  	s5 =	smul.u32 $0xA0000, s4;
	[smem:$0x7FF] =	sst s3;
	s4 =	ssub.s32 $0x2, s4  }
0x9: {  	_ =	strace $0x8000004A;
	s22 =	sadd.s32 s6, s0;
	[dreg:$0x4] =	wrdreg s9  }
0xa: {  	s23 =	sshrl.u32 s4, $0x1;
	s2 =	sadd.s32 s2, s6;
	s26 =	sshrl.u32 s10, $0x2  }
0xb: {  	s6 =	sadd.s32 s24, s1;
	s15 =	sadd.s32 $0x2000, s24;
	s19 =	sadd.s32 $0x4000, s24  }
0xc: {  	s9 =	simm.s32 $0x5;
	s7 =	sshrl.u32 s5, $0x3;
	[dreg:$0x5] =	wrdreg s2  }
0xd: {  	s4 =	ssub.s32 s4, s23;
	s25 =	sadd.s32 $0x1E00, s22;
	[dreg:$0x7] =	wrdreg s6  }
0xe: {  	s14 =	sadd.s32 s5, s24;
	s17 =	sadd.s32 s5, s15;
	s20 =	sadd.s32 s5, s19  }
0xf: {  	s21 =	sadd.s32 s19, s1;
	s22 =	sadd.s32 $0x6000, s24;
	s24 =	sadd.s32 $0x8000, s24  }
0x10: {  	s6 =	simm.s32 $0x4;
	s8 =	sadd.s32 s7, s0;
	s0 =	sadd.s32 $0xAC200, s0  }
0x11: {  	[dreg:$0x6] =	wrdreg s25;
	s7 =	sadd.s32 s26, s1;
	s10 =	smax.u32 s4, $0x1  }
0x12: {  	s2 =	sshrl.u32 s14, $0x3;
	s18 =	sshrl.u32 s17, $0x3;
	s4 =	sadd.s32 s15, s1  }
0x13: {  	[dreg:$0x10] =	wrdreg s21;
	s23 =	sadd.s32 s5, s22;
	s25 =	sadd.s32 s5, s24  }
0x14: {  	s5 =	simm.s32 $0x3;
	s14 =	simm.s32 $0xA;
	[dreg:$0x8] =	wrdreg s10  }
0x15: {  	s15 =	simm.s32 $0x0;
	s11 =	sadd.s32 $0x2000, s7;
	[dreg:$0xe] =	wrdreg s4  }
0x16: {  	s8 =	sadd.s32 $0x83E00, s8;
	s12 =	sadd.s32 $0x4000, s7;
	[dreg:$0x9] =	wrdreg s11  }
0x17: {  	s13 =	sadd.s32 $0x6000, s7;
	s16 =	sadd.s32 $0x8000, s7;
	[dreg:$0xa] =	wrdreg s12  }
0x18: {  	s2 =	sadd.s32 s0, s2;
	s26 =	sshrl.u32 s25, $0x3;
	[dreg:$0xb] =	wrdreg s13  }
0x19: {  	s25 =	simm.s32 $0xB;
	s4 =	simm.s32 $0x2;
	[dreg:$0xc] =	wrdreg s16  }
0x1a: {  	s10 =	simm.s32 $0x6;
	[dreg:$0xd] =	wrdreg s2;
	s2 =	sadd.s32 s0, s18  }
0x1b: {  	s11 =	simm.s32 $0x7;
	s12 =	simm.s32 $0x8;
	s13 =	simm.s32 $0x9  }
0x1c: {  	[dreg:$0xf] =	wrdreg s2;
	s2 =	sshrl.u32 s20, $0x3;
	s20 =	sadd.s32 s22, s1  }
0x1d: {  	s22 =	sadd.s32 s24, s1;
	s24 =	simm.s32 $0xA000;
	s19 =	sadd.s32 s0, s2  }
0x1e: {  	s2 =	sshrl.u32 s23, $0x3;
	s23 =	sadd.s32 s0, s26;
	s26 =	simm.s32 $0x1C000  }
0x1f: {  	s21 =	sadd.s32 s0, s2;
	s2 =	simm.s32 $0x18000;
	s0 =	simm.s32 $0x1  }
.LBB2_1:
0x20: {  	s16 =	rddreg [dreg:$0x5]  }
0x21: {  	[tilespmem:s24], [sflag:$0xB] =	stream.linear.gather [hbm4b:s16+s3], $0x5000, $0x38;
	[tilespmem:$0x1E000] =	vst v63  }
0x22: {  	_ =	swait.ge [sflag:s25], $0x5000  }
0x23: {  	[sflag:s25] =	ssyncset.done $0x0  }
0x24: {  	s17 =	simm.s32 $0xF000;
	s18 =	rddreg [dreg:$0x6];
	[sflag:s25] =	ssyncadd.s32 $0xFFFFB000  }
0x25: {  	[tilespmem:s17], [sflag:$0xB] =	stream.linear.gather [hbm4b:s18+s3], $0x5000, $0x38;
	[tilespmem:$0x1E000] =	vst v63  }
0x26: {  	_ =	swait.ge [sflag:s25], $0x5000  }
0x27: {  	[sflag:s25] =	ssyncset.done $0x0  }
0x28: {  	s17 =	rddreg [dreg:$0x4];
	[sflag:s25] =	ssyncadd.s32 $0xFFFFB000  }
0x29: {  	[tilespmem:s28], [sflag:$0xB] =	stream.linear.gather [hbm4b:s17+s3], $0x2000, $0x38;
	[tilespmem:$0x1E000] =	vst v63  }
0x2a: {  	_ =	swait.ge [sflag:s25], $0x2000  }
0x2b: {  	[sflag:s25] =	ssyncset.done $0x0  }
0x2c: {  	[sflag:s25] =	ssyncadd.s32 $0xFFFFE000  }
0x2d: {  	[spmem:s7] =	stream.linear.scatter [tilespmem:s28], [sflag:$0xB], $0x2000, $0x38;
	[tilespmem:$0x1E000] =	vst v63  }
0x2e: {  	_ =	swait.ge [sflag:s25], $0x2000  }
0x2f: {  	[sflag:s25] =	ssyncset.done $0x0  }
0x30: {  	s18 =	rddreg [dreg:$0x9];
	[sflag:s25] =	ssyncadd.s32 $0xFFFFE000  }
0x31: {  	[spmem:s18] =	stream.linear.scatter [tilespmem:s28], [sflag:$0xB], $0x2000, $0x38;
	[tilespmem:$0x1E000] =	vst v63  }
0x32: {  	_ =	swait.ge [sflag:s25], $0x2000  }
0x33: {  	[sflag:s25] =	ssyncset.done $0x0  }
0x34: {  	s17 =	rddreg [dreg:$0xa];
	[sflag:s25] =	ssyncadd.s32 $0xFFFFE000  }
0x35: {  	[spmem:s17] =	stream.linear.scatter [tilespmem:s28], [sflag:$0xB], $0x2000, $0x38;
	[tilespmem:$0x1E000] =	vst v63  }
0x36: {  	_ =	swait.ge [sflag:s25], $0x2000  }
0x37: {  	[sflag:s25] =	ssyncset.done $0x0  }
0x38: {  	s18 =	rddreg [dreg:$0xb];
	[sflag:s25] =	ssyncadd.s32 $0xFFFFE000  }
0x39: {  	[spmem:s18] =	stream.linear.scatter [tilespmem:s28], [sflag:$0xB], $0x2000, $0x38;
	[tilespmem:$0x1E000] =	vst v63  }
0x3a: {  	_ =	swait.ge [sflag:s25], $0x2000  }
0x3b: {  	[sflag:s25] =	ssyncset.done $0x0  }
0x3c: {  	s17 =	rddreg [dreg:$0xc];
	[sflag:s25] =	ssyncadd.s32 $0xFFFFE000  }
0x3d: {  	[spmem:s17] =	stream.linear.scatter [tilespmem:s28], [sflag:$0xB], $0x2000, $0x38;
	[tilespmem:$0x1E000] =	vst v63  }
0x3e: {  	_ =	swait.ge [sflag:s25], $0x2000  }
0x3f: {  	[sflag:s25] =	ssyncset.done $0x0  }
0x40: {  	[sflag:s25] =	ssyncadd.s32 $0xFFFFE000  }
0x41: {  	[bflag:$0x0] =	sbarrier.arrive $0xFFFF  }
0x42: {  	[tilespmem:s28], [sflag:$0x1] =	stream.indirect.gather [hbm4b:s8+s29], $0x40, s24, s29, $0xb8;
	[tilespmem:$0x1E000] =	vst v63  }
0x43: {  	s18 =	simm.s32 $0xA080  }
0x44: {  	[tilespmem:s31], [sflag:$0x2] =	stream.indirect.gather [hbm4b:s8+s29], $0x40, s18, s29, $0xb8;
	[tilespmem:$0x1E000] =	vst v63  }
0x45: {  	s17 =	simm.s32 $0xA100  }
0x46: {  	[tilespmem:s2], [sflag:$0x3] =	stream.indirect.gather [hbm4b:s8+s29], $0x40, s17, s29, $0xb8;
	[tilespmem:$0x1E000] =	vst v63  }
0x47: {  	s18 =	simm.s32 $0xA180  }
0x48: {  	[tilespmem:s30], [sflag:$0x4] =	stream.indirect.gather [hbm4b:s8+s29], $0x40, s18, s29, $0xb8;
	[tilespmem:$0x1E000] =	vst v63  }
0x49: {  	s17 =	simm.s32 $0xA200  }
0x4a: {  	[tilespmem:s26], [sflag:$0x5] =	stream.indirect.gather [hbm4b:s8+s29], $0x40, s17, s29, $0xb8;
	[tilespmem:$0x1E000] =	vst v63  }
0x4b: {  	_ =	swait.ge [sflag:s0], $0x2000  }
0x4c: {  	[sflag:s0] =	ssyncset.done $0x0  }
0x4d: {  	s18 =	simm.s32 $0xF000;
	[sflag:s0] =	ssyncadd.s32 $0xFFFFE000  }
0x4e: {  	[spmem:s1] =	stream.indirect.scatter.add.f32 [tilespmem:s28], [sflag:$0x6], $0x40, s18, s29, $0xb8;
	[tilespmem:$0x1E000] =	vst v63  }
0x4f: {  	_ =	swait.ge [sflag:s4], $0x2000  }
0x50: {  	[sflag:s4] =	ssyncset.done $0x0  }
0x51: {  	s17 =	simm.s32 $0xF080;
	[sflag:s4] =	ssyncadd.s32 $0xFFFFE000  }
0x52: {  	[spmem:s1] =	stream.indirect.scatter.add.f32 [tilespmem:s31], [sflag:$0x7], $0x40, s17, s29, $0xb8;
	[tilespmem:$0x1E000] =	vst v63  }
0x53: {  	_ =	swait.ge [sflag:s5], $0x2000  }
0x54: {  	[sflag:s5] =	ssyncset.done $0x0  }
0x55: {  	s18 =	simm.s32 $0xF100;
	[sflag:s5] =	ssyncadd.s32 $0xFFFFE000  }
0x56: {  	[spmem:s1] =	stream.indirect.scatter.add.f32 [tilespmem:s2], [sflag:$0x8], $0x40, s18, s29, $0xb8;
	[tilespmem:$0x1E000] =	vst v63  }
0x57: {  	_ =	swait.ge [sflag:s6], $0x2000  }
0x58: {  	[sflag:s6] =	ssyncset.done $0x0  }
0x59: {  	s17 =	simm.s32 $0xF180;
	[sflag:s6] =	ssyncadd.s32 $0xFFFFE000  }
0x5a: {  	[spmem:s1] =	stream.indirect.scatter.add.f32 [tilespmem:s30], [sflag:$0x9], $0x40, s17, s29, $0xb8;
	[tilespmem:$0x1E000] =	vst v63  }
0x5b: {  	_ =	swait.ge [sflag:s9], $0x2000  }
0x5c: {  	[sflag:s9] =	ssyncset.done $0x0  }
0x5d: {  	s18 =	simm.s32 $0xF200;
	[sflag:s9] =	ssyncadd.s32 $0xFFFFE000  }
0x5e: {  	[spmem:s1] =	stream.indirect.scatter.add.f32 [tilespmem:s26], [sflag:$0xA], $0x40, s18, s29, $0xb8;
	[tilespmem:$0x1E000] =	vst v63  }
0x5f: {  	_ =	swait.ge [sflag:s10], $0x2000  }
0x60: {  	[sflag:s10] =	ssyncset.done $0x0  }
0x61: {  	s17 =	simm.s32 $0xA280;
	[sflag:s10] =	ssyncadd.s32 $0xFFFFE000  }
0x62: {  	[tilespmem:s28], [sflag:$0x1] =	stream.indirect.gather [hbm4b:s8+s29], $0x40, s17, s29, $0xb8;
	[tilespmem:$0x1E000] =	vst v63  }
0x63: {  	_ =	swait.ge [sflag:s11], $0x2000  }
0x64: {  	[sflag:s11] =	ssyncset.done $0x0  }
0x65: {  	s18 =	simm.s32 $0xA300;
	[sflag:s11] =	ssyncadd.s32 $0xFFFFE000  }
0x66: {  	[tilespmem:s31], [sflag:$0x2] =	stream.indirect.gather [hbm4b:s8+s29], $0x40, s18, s29, $0xb8;
	[tilespmem:$0x1E000] =	vst v63  }
0x67: {  	_ =	swait.ge [sflag:s12], $0x2000  }
0x68: {  	[sflag:s12] =	ssyncset.done $0x0  }
0x69: {  	s17 =	simm.s32 $0xA380;
	[sflag:s12] =	ssyncadd.s32 $0xFFFFE000  }
0x6a: {  	[tilespmem:s2], [sflag:$0x3] =	stream.indirect.gather [hbm4b:s8+s29], $0x40, s17, s29, $0xb8;
	[tilespmem:$0x1E000] =	vst v63  }
0x6b: {  	_ =	swait.ge [sflag:s13], $0x2000  }
0x6c: {  	[sflag:s13] =	ssyncset.done $0x0  }
0x6d: {  	s18 =	simm.s32 $0xA400;
	[sflag:s13] =	ssyncadd.s32 $0xFFFFE000  }
0x6e: {  	[tilespmem:s30], [sflag:$0x4] =	stream.indirect.gather [hbm4b:s8+s29], $0x40, s18, s29, $0xb8;
	[tilespmem:$0x1E000] =	vst v63  }
0x6f: {  	_ =	swait.ge [sflag:s14], $0x2000  }
0x70: {  	[sflag:s14] =	ssyncset.done $0x0  }
0x71: {  	s16 =	simm.s32 $0xA00;
	s17 =	simm.s32 $0xA480;
	[sflag:s14] =	ssyncadd.s32 $0xFFFFE000  }
.LBB2_2:
0x72: {  	[tilespmem:s26], [sflag:$0x5] =	stream.indirect.gather [hbm4b:s8+s29], $0x40, s17, s29, $0xb8;
	[tilespmem:$0x1E000] =	vst v63  }
0x73: {  	s17 =	smov.u32 s16  }
0x74: {  	p0 =	sne.s32 s16, $0x12C00;
	s16 =	sadd.s32 $0xA00, s16;
	_ =	swait.ge [sflag:s0], $0x2000  }
0x75: {  	s17 =	sshra.s32 s17, $0x2;
	[sflag:s0] =	ssyncset.done $0x0  }
0x76: {  	s18 =	sadd.s32 $0xF000, s17;
	[sflag:s0] =	ssyncadd.s32 $0xFFFFE000  }
0x77: {  	[spmem:s1] =	stream.indirect.scatter.add.f32 [tilespmem:s28], [sflag:$0x6], $0x40, s18, s29, $0xb8;
	[tilespmem:$0x1E000] =	vst v63  }
0x78: {  	_ =	swait.ge [sflag:s4], $0x2000  }
0x79: {  	[sflag:s4] =	ssyncset.done $0x0  }
0x7a: {  	s18 =	sadd.s32 $0xF080, s17;
	[sflag:s4] =	ssyncadd.s32 $0xFFFFE000  }
0x7b: {  	[spmem:s1] =	stream.indirect.scatter.add.f32 [tilespmem:s31], [sflag:$0x7], $0x40, s18, s29, $0xb8;
	[tilespmem:$0x1E000] =	vst v63  }
0x7c: {  	_ =	swait.ge [sflag:s5], $0x2000  }
0x7d: {  	[sflag:s5] =	ssyncset.done $0x0  }
0x7e: {  	s18 =	sadd.s32 $0xF100, s17;
	[sflag:s5] =	ssyncadd.s32 $0xFFFFE000  }
0x7f: {  	[spmem:s1] =	stream.indirect.scatter.add.f32 [tilespmem:s2], [sflag:$0x8], $0x40, s18, s29, $0xb8;
	[tilespmem:$0x1E000] =	vst v63  }
0x80: {  	_ =	swait.ge [sflag:s6], $0x2000  }
0x81: {  	[sflag:s6] =	ssyncset.done $0x0  }
0x82: {  	s18 =	sadd.s32 $0xF180, s17;
	[sflag:s6] =	ssyncadd.s32 $0xFFFFE000  }
0x83: {  	[spmem:s1] =	stream.indirect.scatter.add.f32 [tilespmem:s30], [sflag:$0x9], $0x40, s18, s29, $0xb8;
	[tilespmem:$0x1E000] =	vst v63  }
0x84: {  	_ =	swait.ge [sflag:s9], $0x2000  }
0x85: {  	[sflag:s9] =	ssyncset.done $0x0  }
0x86: {  	s18 =	sadd.s32 $0xF200, s17;
	[sflag:s9] =	ssyncadd.s32 $0xFFFFE000  }
0x87: {  	[spmem:s1] =	stream.indirect.scatter.add.f32 [tilespmem:s26], [sflag:$0xA], $0x40, s18, s29, $0xb8;
	[tilespmem:$0x1E000] =	vst v63  }
0x88: {  	_ =	swait.ge [sflag:s10], $0x2000  }
0x89: {  	[sflag:s10] =	ssyncset.done $0x0  }
0x8a: {  	s18 =	sadd.s32 $0xA280, s17;
	[sflag:s10] =	ssyncadd.s32 $0xFFFFE000  }
0x8b: {  	[tilespmem:s28], [sflag:$0x1] =	stream.indirect.gather [hbm4b:s8+s29], $0x40, s18, s29, $0xb8;
	[tilespmem:$0x1E000] =	vst v63  }
0x8c: {  	_ =	swait.ge [sflag:s11], $0x2000  }
0x8d: {  	[sflag:s11] =	ssyncset.done $0x0  }
0x8e: {  	s18 =	sadd.s32 $0xA300, s17;
	[sflag:s11] =	ssyncadd.s32 $0xFFFFE000  }
0x8f: {  	[tilespmem:s31], [sflag:$0x2] =	stream.indirect.gather [hbm4b:s8+s29], $0x40, s18, s29, $0xb8;
	[tilespmem:$0x1E000] =	vst v63  }
0x90: {  	_ =	swait.ge [sflag:s12], $0x2000  }
0x91: {  	[sflag:s12] =	ssyncset.done $0x0  }
0x92: {  	s18 =	sadd.s32 $0xA380, s17;
	[sflag:s12] =	ssyncadd.s32 $0xFFFFE000  }
0x93: {  	[tilespmem:s2], [sflag:$0x3] =	stream.indirect.gather [hbm4b:s8+s29], $0x40, s18, s29, $0xb8;
	[tilespmem:$0x1E000] =	vst v63  }
0x94: {  	_ =	swait.ge [sflag:s13], $0x2000  }
0x95: {  	[sflag:s13] =	ssyncset.done $0x0  }
.Ltmp0:
0x96: {  	s18 =	sadd.s32 $0xA400, s17;
	[sflag:s13] =	ssyncadd.s32 $0xFFFFE000;
	(pc) =	sbr.rel @p0 .LBB2_2-.Ltmp0, $4  }
0x97: {  	[tilespmem:s30], [sflag:$0x4] =	stream.indirect.gather [hbm4b:s8+s29], $0x40, s18, s29, $0xb8;
	[tilespmem:$0x1E000] =	vst v63  }
0x98: {  	_ =	swait.ge [sflag:s14], $0x2000  }
0x99: {  	[sflag:s14] =	ssyncset.done $0x0  }
0x9a: {  	s17 =	sadd.s32 $0xA480, s17;
	[sflag:s14] =	ssyncadd.s32 $0xFFFFE000  }
0x9b: {  	[tilespmem:s26], [sflag:$0x5] =	stream.indirect.gather [hbm4b:s8+s29], $0x40, s17, s29, $0xb8;
	[tilespmem:$0x1E000] =	vst v63  }
0x9c: {  	_ =	swait.ge [sflag:s0], $0x2000  }
0x9d: {  	[sflag:s0] =	ssyncset.done $0x0  }
0x9e: {  	s16 =	simm.s32 $0x13D80;
	[sflag:s0] =	ssyncadd.s32 $0xFFFFE000  }
0x9f: {  	[spmem:s1] =	stream.indirect.scatter.add.f32 [tilespmem:s28], [sflag:$0x6], $0x40, s16, s29, $0xb8;
	[tilespmem:$0x1E000] =	vst v63  }
0xa0: {  	_ =	swait.ge [sflag:s4], $0x2000  }
0xa1: {  	[sflag:s4] =	ssyncset.done $0x0  }
0xa2: {  	s17 =	simm.s32 $0x13E00;
	[sflag:s4] =	ssyncadd.s32 $0xFFFFE000  }
0xa3: {  	[spmem:s1] =	stream.indirect.scatter.add.f32 [tilespmem:s31], [sflag:$0x7], $0x40, s17, s29, $0xb8;
	[tilespmem:$0x1E000] =	vst v63  }
0xa4: {  	_ =	swait.ge [sflag:s5], $0x2000  }
0xa5: {  	[sflag:s5] =	ssyncset.done $0x0  }
0xa6: {  	s18 =	simm.s32 $0x13E80;
	[sflag:s5] =	ssyncadd.s32 $0xFFFFE000  }
0xa7: {  	[spmem:s1] =	stream.indirect.scatter.add.f32 [tilespmem:s2], [sflag:$0x8], $0x40, s18, s29, $0xb8;
	[tilespmem:$0x1E000] =	vst v63  }
0xa8: {  	_ =	swait.ge [sflag:s6], $0x2000  }
0xa9: {  	[sflag:s6] =	ssyncset.done $0x0  }
0xaa: {  	s17 =	simm.s32 $0x13F00;
	[sflag:s6] =	ssyncadd.s32 $0xFFFFE000  }
0xab: {  	[spmem:s1] =	stream.indirect.scatter.add.f32 [tilespmem:s30], [sflag:$0x9], $0x40, s17, s29, $0xb8;
	[tilespmem:$0x1E000] =	vst v63  }
0xac: {  	_ =	swait.ge [sflag:s9], $0x2000  }
0xad: {  	[sflag:s9] =	ssyncset.done $0x0  }
0xae: {  	s18 =	simm.s32 $0x13F80;
	[sflag:s9] =	ssyncadd.s32 $0xFFFFE000  }
0xaf: {  	[spmem:s1] =	stream.indirect.scatter.add.f32 [tilespmem:s26], [sflag:$0xA], $0x40, s18, s29, $0xb8;
	[tilespmem:$0x1E000] =	vst v63  }
0xb0: {  	_ =	swait.ge [sflag:s10], $0x2000  }
0xb1: {  	[sflag:s10] =	ssyncset.done $0x0  }
0xb2: {  	[sflag:s10] =	ssyncadd.s32 $0xFFFFE000  }
0xb3: {  	_ =	swait.ge [sflag:s11], $0x2000  }
0xb4: {  	[sflag:s11] =	ssyncset.done $0x0  }
0xb5: {  	[sflag:s11] =	ssyncadd.s32 $0xFFFFE000  }
0xb6: {  	_ =	swait.ge [sflag:s12], $0x2000  }
0xb7: {  	[sflag:s12] =	ssyncset.done $0x0  }
0xb8: {  	[sflag:s12] =	ssyncadd.s32 $0xFFFFE000  }
0xb9: {  	_ =	swait.ge [sflag:s13], $0x2000  }
0xba: {  	[sflag:s13] =	ssyncset.done $0x0  }
0xbb: {  	[sflag:s13] =	ssyncadd.s32 $0xFFFFE000  }
0xbc: {  	_ =	swait.ge [sflag:s14], $0x2000  }
0xbd: {  	[sflag:s14] =	ssyncset.done $0x0  }
0xbe: {  	[sflag:s14] =	ssyncadd.s32 $0xFFFFE000  }
0xbf: {  	[bflag:$0x0] =	sbarrier.arrive $0xFFFF  }
0xc0: {  	s17 =	rddreg [dreg:$0x7]  }
0xc1: {  	[tilespmem:s31], [sflag:$0xB] =	stream.linear.gather [spmem:s17], $0x2000, $0x38;
	[tilespmem:$0x1E000] =	vst v63  }
0xc2: {  	_ =	swait.ge [sflag:s25], $0x2000  }
0xc3: {  	[sflag:s25] =	ssyncset.done $0x0  }
0xc4: {  	s18 =	rddreg [dreg:$0xd];
	[sflag:s25] =	ssyncadd.s32 $0xFFFFE000  }
0xc5: {  	[hbm4b:s18+s3] =	stream.linear.scatter [tilespmem:s31], [sflag:$0xB], $0x2000, $0x38;
	[tilespmem:$0x1E000] =	vst v63  }
0xc6: {  	_ =	swait.ge [sflag:s25], $0x2000  }
0xc7: {  	[sflag:s25] =	ssyncset.done $0x0  }
0xc8: {  	s17 =	rddreg [dreg:$0xe];
	[sflag:s25] =	ssyncadd.s32 $0xFFFFE000  }
0xc9: {  	[tilespmem:s31], [sflag:$0xB] =	stream.linear.gather [spmem:s17], $0x2000, $0x38;
	[tilespmem:$0x1E000] =	vst v63  }
0xca: {  	_ =	swait.ge [sflag:s25], $0x2000  }
0xcb: {  	[sflag:s25] =	ssyncset.done $0x0  }
0xcc: {  	s18 =	rddreg [dreg:$0xf];
	[sflag:s25] =	ssyncadd.s32 $0xFFFFE000  }
0xcd: {  	[hbm4b:s18+s3] =	stream.linear.scatter [tilespmem:s31], [sflag:$0xB], $0x2000, $0x38;
	[tilespmem:$0x1E000] =	vst v63  }
0xce: {  	_ =	swait.ge [sflag:s25], $0x2000  }
0xcf: {  	[sflag:s25] =	ssyncset.done $0x0  }
0xd0: {  	s17 =	rddreg [dreg:$0x10];
	[sflag:s25] =	ssyncadd.s32 $0xFFFFE000  }
0xd1: {  	[tilespmem:s31], [sflag:$0xB] =	stream.linear.gather [spmem:s17], $0x2000, $0x38;
	[tilespmem:$0x1E000] =	vst v63  }
0xd2: {  	_ =	swait.ge [sflag:s25], $0x2000  }
0xd3: {  	[sflag:s25] =	ssyncset.done $0x0  }
0xd4: {  	[sflag:s25] =	ssyncadd.s32 $0xFFFFE000  }
0xd5: {  	[hbm4b:s19+s3] =	stream.linear.scatter [tilespmem:s31], [sflag:$0xB], $0x2000, $0x38;
	[tilespmem:$0x1E000] =	vst v63  }
0xd6: {  	_ =	swait.ge [sflag:s25], $0x2000  }
0xd7: {  	[sflag:s25] =	ssyncset.done $0x0  }
0xd8: {  	[sflag:s25] =	ssyncadd.s32 $0xFFFFE000  }
0xd9: {  	[tilespmem:s31], [sflag:$0xB] =	stream.linear.gather [spmem:s20], $0x2000, $0x38;
	[tilespmem:$0x1E000] =	vst v63  }
0xda: {  	_ =	swait.ge [sflag:s25], $0x2000  }
0xdb: {  	[sflag:s25] =	ssyncset.done $0x0  }
0xdc: {  	[sflag:s25] =	ssyncadd.s32 $0xFFFFE000  }
0xdd: {  	[hbm4b:s21+s3] =	stream.linear.scatter [tilespmem:s31], [sflag:$0xB], $0x2000, $0x38;
	[tilespmem:$0x1E000] =	vst v63  }
0xde: {  	_ =	swait.ge [sflag:s25], $0x2000  }
0xdf: {  	[sflag:s25] =	ssyncset.done $0x0  }
0xe0: {  	[sflag:s25] =	ssyncadd.s32 $0xFFFFE000  }
0xe1: {  	[tilespmem:s31], [sflag:$0xB] =	stream.linear.gather [spmem:s22], $0x2000, $0x38;
	[tilespmem:$0x1E000] =	vst v63  }
0xe2: {  	_ =	swait.ge [sflag:s25], $0x2000  }
0xe3: {  	[sflag:s25] =	ssyncset.done $0x0  }
0xe4: {  	[sflag:s25] =	ssyncadd.s32 $0xFFFFE000  }
0xe5: {  	[hbm4b:s23+s3] =	stream.linear.scatter [tilespmem:s31], [sflag:$0xB], $0x2000, $0x38;
	[tilespmem:$0x1E000] =	vst v63  }
0xe6: {  	_ =	swait.ge [sflag:s25], $0x2000  }
0xe7: {  	s15 =	sadd.s32 $0x1, s15;
	s18 =	rddreg [dreg:$0x8]  }
0xe8: {  	p0 =	sne.s32 s15, s18  }
.Ltmp1:
0xe9: {  	_ = 	snop;
	(pc) =	sbr.rel @p0 .LBB2_1-.Ltmp1, $3  }
0xea: {  	_ =	sdelay $0x1  }
0xeb: {  	[sflag:s25] =	ssyncset.done $0x0  }
0xec: {  	[sflag:s25] =	ssyncadd.s32 $0xFFFFE000  }
0xed: {  	_ =	sfence.sel $0x180000  }
0xee: {  	[bflag:$0x0] =	sbarrier.arrive $0xFFFF  }
0xef: {  	_ =	strace $0x9000004A  }
0xf0: {  	s0 =	stileid.u32;
	[bflag:$0x2] =	sbarrier.arrive $0xFFFF  }
0xf1: {  	p0 =	sne.s32 s0, $0x0;
	s0 =	rddreg [dreg:$0x3]  }
0xf2: {  	s0 =	sadd.s32 @!p0 $0x100000, s0  }
0xf3: {  	[sflag:s0] =	ssyncadd.tile.s32 @!p0 $0x1;
	_ =	shalt  }
.Lfunc_end2:
_tile_overlayer_lowered:
.L_overlay_start_2:
0xf4: {  	(tag) =	ssettag $0x2  }
0xf5: {  	s0 =	rddreg [dreg:$0x0];
	s2 =	stileid.u32  }
0xf6: {  	s1 =	rddreg [dreg:$0x1];
	p0 =	sne.s32 s2, $0x0  }
0xf7: {  	s3 =	rddreg [dreg:$0x2];
	[bflag:$0x3] =	sbarrier.arrive $0xFFFF;
	s2 =	simm.s32 @!p0 $0x1C0B  }
0xf8: {  	[timem:s3], [sflag:s2] =	dma.local @!p0 [hbm:s0], s1  }
0xf9: {  	s0 =	simm.s32 @!p0 $0xB  }
0xfa: {  	_ =	swait.ge @!p0 [sflag:s0], s1  }
0xfb: {  	s1 =	ssub.s32 @!p0 $0x0, s1;
	[sflag:s0] =	ssyncset.done @!p0 $0x0  }
0xfc: {  	[sflag:s0] =	ssyncadd.s32 @!p0 s1  }
0xfd: {  	[bflag:$0x3] =	sbarrier.arrive $0xFFFF  }
0xfe: {  	_ =	shalt  }

// kernel: kernel.15.cloned.1.call-start
scs
__scs_entry_jumppad:
0x0: {  	(pc) =	sbr.rel $0x88, $3  }
0x1: {  	(tag) =	ssettag $0x0;
	lr =	simm.s32 $0x1  }
0x2: {  	[smem:$0x3F9B] =	sst lr;
	_ =	strace $0xD0000000  }
0x3: {  	_ = 	snop  }
0x4: {  	_ = 	snop  }
0x5: {  	_ = 	snop  }
0x6: {  	_ = 	snop  }
0x7: {  	_ = 	snop  }
__scs_overlays_trampoline_lowered:
0x8: {  	[smem:$0x3FAA] =	sst s0  }
0x9: {  	[smem:$0x3FAB] =	sst s1  }
0xa: {  	[smem:$0x3FAC] =	sst s2  }
0xb: {  	[smem:$0x3FAD] =	sst s3  }
0xc: {  	[smem:$0x3FAE] =	sst s4  }
0xd: {  	[smem:$0x3FAF] =	sst s5  }
0xe: {  	[smem:$0x3FB0] =	sst s6  }
0xf: {  	[smem:$0x3FB1] =	sst s7  }
0x10: {  	[smem:$0x3FB2] =	sst s8  }
0x11: {  	[smem:$0x3FB3] =	sst s9;
	s0 =	simm.s32 @!p0 $0x0  }
0x12: {  	s1 =	sld [smem:$0x3F99];
	s0 =	simm.s32 @p0 $0x1  }
0x13: {  	[smem:$0x3FB4] =	sst s0;
	s0 =	simm.s32 @!p1 $0x0  }
0x14: {  	s2 =	sld [smem:$0x3F98];
	s0 =	simm.s32 @p1 $0x1  }
0x15: {  	[smem:$0x3FB5] =	sst s0;
	s0 =	simm.s32 @!p2 $0x0  }
0x16: {  	s3 =	sld [smem:$0x3FDB];
	s0 =	simm.s32 @p2 $0x1  }
0x17: {  	s4 =	simm.s32 $0x1BF5;
	[smem:$0x3FB7] =	sst s0  }
0x18: {  	s0 =	sld [smem:$0x3F9A];
	_ =	swait.ge [sflag:s4], $0x0  }
0x19: {  	s7 =	sld [smem:$0x3F9B]  }
0x1a: {  	s8 =	sadd.s32 $0xFFFFE003, lr  }
0x1b: {  	s9 =	sadd.s32 $0xFFFFFEF7, lr;
	s5 =	simm.s32 $0xFFFFFFFF;
	p2 =	slt.u32 s8, $0xFFFFF086  }
0x1c: {  	p1 =	slt.u32 s9, $0xF7A;
	s5 =	simm.s32 @!p2 $0x0  }
0x1d: {  	s5 =	simm.s32 @p1 $0x1;
	p0 =	seq.s32 s7, s2  }
0x1e: {  	s7 =	smul.u32 @!p0 $0xF7A, s2;
	p2 =	seq.s32 @!p0 s5, $0x0  }
0x1f: {  	s9 =	smul.u32 $0xF7A, s1;
	s8 =	simm.s32 @!p0 $0x1BF5;
	p2 =	por !p2, p0  }
0x20: {  	[sflag:s8] =	ssyncset.s32 @!p0 $0xFFFFF086;
	s6 =	sadd.s32 @!p0 s3, s7;
	s7 =	simm.s32 @!p0 $0x108  }
0x21: {  	s3 =	sadd.s32 s3, s9;
	s6 =	sadd.s32 @!p0 $0x88, s6;
	s7 =	simm.s32 @p2 $0x1082  }
0x22: {  	[simem:s7], [sflag:s8] =	dma.local @!p0 [hbm:s6], $0xF7A  }
0x23: {  	s9 =	sor.u32 $0xD0000000, s2;
	s6 =	simm.s32 $0x108;
	_ =	swait.ge @!p0 [sflag:s8], $0x0  }
0x24: {  	s3 =	sadd.s32 $0x88, s3;
	s6 =	simm.s32 @!p1 $0x1082;
	[sflag:s4] =	ssyncset.s32 $0xFFFFF086  }
0x25: {  	[simem:s6], [sflag:s4] =	dma.local [hbm:s3], $0xF7A  }
0x26: {  	[smem:$0x3F9B] =	sst s1;
	(tag) =	ssettag s2;
	_ =	strace s9  }
0x27: {  	s1 =	sld [smem:$0x3FAB]  }
0x28: {  	s2 =	sld [smem:$0x3FAC]  }
0x29: {  	s4 =	sld [smem:$0x3FAE]  }
0x2a: {  	p0 =	seq.s32 s5, $0x0;
	s5 =	sld [smem:$0x3FAF]  }
0x2b: {  	s6 =	sld [smem:$0x3FB0]  }
0x2c: {  	s7 =	sld [smem:$0x3FB1]  }
0x2d: {  	s3 =	simm.s32 $0x108;
	s8 =	sld [smem:$0x3FB2]  }
0x2e: {  	s3 =	simm.s32 @!p0 $0x1082;
	s9 =	sld [smem:$0x3FB3]  }
0x2f: {  	lr =	sadd.s32 s0, s3;
	s0 =	sld [smem:$0x3FAA]  }
0x30: {  	s3 =	sld [smem:$0x3FAD]  }
0x31: {  	[smem:$0x3FB6] =	sst s10  }
0x32: {  	s10 =	sld [smem:$0x3FB4];
	_ =	sdelay $0x3  }
0x33: {  	p0 =	seq.s32 s10, $0x1;
	s10 =	sld [smem:$0x3FB6];
	_ =	sdelay $0x3  }
0x34: {  	[smem:$0x3FB6] =	sst s10  }
0x35: {  	s10 =	sld [smem:$0x3FB5];
	_ =	sdelay $0x3  }
0x36: {  	p1 =	seq.s32 s10, $0x1;
	s10 =	sld [smem:$0x3FB6];
	_ =	sdelay $0x3  }
0x37: {  	[smem:$0x3FB6] =	sst s10  }
0x38: {  	s10 =	sld [smem:$0x3FB7]  }
0x39: {  	_ = 	snop;
	(pc) =	sbr.ind lr, $3  }
0x3a: {  	_ = 	snop  }
0x3b: {  	_ = 	snop  }
0x3c: {  	p2 =	seq.s32 s10, $0x1;
	s10 =	sld [smem:$0x3FB6]  }
0x3d: {  	_ =	shalt  }
0x3e: {  	_ =	shalt  }
0x3f: {  	_ =	shalt  }
0x40: {  	_ =	shalt  }
0x41: {  	_ =	shalt  }
0x42: {  	_ =	shalt  }
0x43: {  	_ =	shalt  }
0x44: {  	_ =	shalt  }
0x45: {  	_ =	shalt  }
0x46: {  	_ =	shalt  }
0x47: {  	_ =	shalt  }
0x48: {  	_ =	shalt  }
0x49: {  	_ =	shalt  }
0x4a: {  	_ =	shalt  }
0x4b: {  	_ =	shalt  }
0x4c: {  	_ =	shalt  }
0x4d: {  	_ =	shalt  }
0x4e: {  	_ =	shalt  }
0x4f: {  	_ =	shalt  }
0x50: {  	_ =	shalt  }
0x51: {  	_ =	shalt  }
0x52: {  	_ =	shalt  }
0x53: {  	_ =	shalt  }
0x54: {  	_ =	shalt  }
0x55: {  	_ =	shalt  }
0x56: {  	_ =	shalt  }
0x57: {  	_ =	shalt  }
0x58: {  	_ =	shalt  }
0x59: {  	_ =	shalt  }
0x5a: {  	_ =	shalt  }
0x5b: {  	_ =	shalt  }
0x5c: {  	_ =	shalt  }
0x5d: {  	_ =	shalt  }
0x5e: {  	_ =	shalt  }
0x5f: {  	_ =	shalt  }
0x60: {  	_ =	shalt  }
0x61: {  	_ =	shalt  }
0x62: {  	_ =	shalt  }
0x63: {  	_ =	shalt  }
0x64: {  	_ =	shalt  }
0x65: {  	_ =	shalt  }
0x66: {  	_ =	shalt  }
0x67: {  	_ =	shalt  }
0x68: {  	_ =	shalt  }
0x69: {  	_ =	shalt  }
0x6a: {  	_ =	shalt  }
0x6b: {  	_ =	shalt  }
0x6c: {  	_ =	shalt  }
0x6d: {  	_ =	shalt  }
0x6e: {  	_ =	shalt  }
0x6f: {  	_ =	shalt  }
0x70: {  	_ =	shalt  }
0x71: {  	_ =	shalt  }
0x72: {  	_ =	shalt  }
0x73: {  	_ =	shalt  }
0x74: {  	_ =	shalt  }
0x75: {  	_ =	shalt  }
0x76: {  	_ =	shalt  }
0x77: {  	_ =	shalt  }
0x78: {  	_ =	shalt  }
0x79: {  	_ =	shalt  }
0x7a: {  	_ =	shalt  }
0x7b: {  	_ =	shalt  }
0x7c: {  	_ =	shalt  }
0x7d: {  	_ =	shalt  }
0x7e: {  	_ =	shalt  }
0x7f: {  	_ =	shalt  }
0x80: {  	_ =	shalt  }
0x81: {  	_ =	shalt  }
0x82: {  	_ =	shalt  }
0x83: {  	_ =	shalt  }
0x84: {  	_ =	shalt  }
0x85: {  	_ =	shalt  }
0x86: {  	_ =	shalt  }
0x87: {  	_ =	shalt  }
.Lfunc_end0:
.L_simem_size_0:
called_computation.2_lowered:
.L_overlay_start_0:
0x88: {  	s2 =	sld [smem:$0x3FD9]  }
0x89: {  	s3 =	sld [smem:$0x3FFE];
	_ =	sdelay $0x1  }
0x8a: {  	s1 =	srdreg.scid  }
0x8b: {  	s0 =	sand.u32 $0x1, s1  }
0x8c: {  	s17 =	sshll.u32 s0, $0xA;
	s2 =	sadd.s32 s3, s2  }
0x8d: {  	s2 =	sadd.s32 s2, s17  }
0x8e: {  	[smem:$0x3FC2] =	sst s2  }
0x8f: {  	_ = 	snop  }
0x90: {  	s2 =	sld [smem:$0x3FD0];
	(tm) =	ssettm $0x1  }
0x91: {  	s18 =	sld [smem:$0x3FFB];
	_ =	sdelay $0x3  }
0x92: {  	_ =	strace s18  }
0x93: {  	s3 =	sld [smem:$0x3FFC];
	_ =	sdelay $0x3  }
0x94: {  	_ =	strace s3  }
0x95: {  	s3 =	sld [smem:$0x3FFD];
	_ =	sdelay $0x3  }
0x96: {  	_ =	strace s3  }
0x97: {  	_ =	strace $0x8FFFFFFF  }
0x98: {  	s19 =	sld [smem:$0x3FDB];
	_ =	sdelay $0x1  }
0x99: {  	s4 =	simm.s32 $_scs_section_size  }
0x9a: {  	s5 =	simm.s32 $_size__tile_overlayer_lowered;
	s6 =	simm.s32 $_tile_overlayer_lowered  }
0x9b: {  	s22 =	simm.s32 $0x1BFF;
	s21 =	sshll.u32 s6, $0x1;
	s3 =	sadd.s32 s4, s19  }
0x9c: {  	s7 =	simm.s32 $0x0;
	s20 =	sshll.u32 s5, $0x1;
	s5 =	sadd.s32 s21, s3  }
0x9d: {  	[timem:s7], [sflag:s22] =	dma.local [hbm:s5], s20  }
0x9e: {  	_ =	swait.ge [sflag:s22], s20  }
0x9f: {  	s4 =	ssub.s32 $0x0, s20;
	[sflag:s22] =	ssyncset.done $0x0  }
0xa0: {  	[sflag:s22] =	ssyncadd.s32 s4;
	_ =	sdelay $0x1  }
0xa1: {  	s23 =	simm.s32 $0x1B8B  }
0xa2: {  	_ =	swait.ge [sflag:s23], $0x1  }
0xa3: {  	[sflag:s23] =	ssyncset.done $0x0  }
0xa4: {  	s25 =	simm.s32 $0x1B8E;
	s24 =	sld [smem:$0x3FFE];
	[sflag:s23] =	ssyncadd.s32 $0xFFFFFFFF  }
0xa5: {  	s26 =	simm.s32 $execute0_lowered;
	[smem:$0x3FD2] =	sst s25  }
0xa6: {  	s5 =	sshll.u32 s26, $0x1;
	_ =	strace $0x8000004C;
	[dreg:$0x1] =	wrdreg $0xFFFFFFFF  }
0xa7: {  	s28 =	simm.s32 $_size_execute0_lowered;
	s3 =	sadd.s32 s3, s5;
	[dreg:$0x0] =	wrdreg $0x0  }
0xa8: {  	s5 =	sshll.u32 s28, $0x1;
	[dreg:$0x2] =	wrdreg s3  }
0xa9: {  	[dreg:$0x3] =	wrdreg s5  }
0xaa: {  	[dreg:$0x4] =	wrdreg $0xC0  }
0xab: {  	_ =	task [dreg:s7], $0x5FFFF  }
0xac: {  	[dreg:$0x1] =	wrdreg $0xFFFFFFFF  }
0xad: {  	[dreg:$0x0] =	wrdreg $0x60  }
0xae: {  	[dreg:$0x2] =	wrdreg s24  }
0xaf: {  	[dreg:$0x3] =	wrdreg s2  }
0xb0: {  	[dreg:$0x4] =	wrdreg $0x0  }
0xb1: {  	[dreg:$0x5] =	wrdreg $0x9  }
0xb2: {  	_ =	task.clear_ibuf [dreg:s7], $0x6FFFF;
	_ =	strace $0x9000004C  }
0xb3: {  	s29 =	simm.s32 $0x9;
	_ =	strace $0x8000004E  }
0xb4: {  	_ =	swait.ge [sflag:s29], $0x1  }
0xb5: {  	[sflag:s29] =	ssyncadd.s32 $0xFFFFFFFF  }
0xb6: {  	_ =	strace $0x9000004E  }
0xb7: {  	_ =	sfence  }
0xb8: {  	s30 =	sld [smem:$0x0];
	_ =	sdelay $0x2  }
0xb9: {  	s31 =	sshll.u32 s1, $0xD;
	s1 =	sshrl.u32 s1, $0x2  }
0xba: {  	s3 =	sand.u32 $0x4000, s31;
	s1 =	sadd.s32 s1, s30  }
0xbb: {  	s0 =	sor.u32 s3, s0;
	s1 =	sshll.u32 s1, $0x11  }
0xbc: {  	s0 =	sor.u32 s1, s0  }
0xbd: {  	s0 =	sadd.s32 $0x8F2B, s0  }
0xbe: {  	[sflag:s0] =	ssyncadd.remote.s32 $0x1  }
0xbf: {  	_ =	sfence.sel $0xFFFF  }
0xc0: {  	[dreg:$0x0] =	wrdreg $0xFFFFFFFF;
	(pc) =	sbr.abs _section_cstart, $3  }
0xc1: {  	[dreg:$0x1] =	wrdreg $0xFFFFFFFF  }
0xc2: {  	_ =	task.clear_ibuf [dreg:s7], $0x2FFFF;
	_ =	strace $0x9FFFFFFF  }
0xc3: {  	(tm) =	ssettm $0x7FFFFFFF  }
tec
execute0_lowered:
.L_overlay_start_1:
0x0: {  	(tag) =	ssettag $0x1  }
0x1: {  	s0 =	rddreg [dreg:$0x0]  }
0x2: {  	s2 =	rddreg [dreg:$0x1]  }
0x3: {  	s1 =	rddreg [dreg:$0x2]  }
0x4: {  	s3 =	srdreg.scid;
	s10 =	stileid.u32  }
0x5: {  	s23 =	simm.s32 $0x0;
	s28 =	simm.s32 $0xF000;
	s5 =	smul.u32 $0xA00, s10  }
0x6: {  	s29 =	simm.s32 $0x80;
	s31 =	simm.s32 $0x10000;
	s9 =	smul.u32 $0x14000, s10  }
0x7: {  	s30 =	simm.s32 $0x12000;
	s3 =	sand.u32 $0x1, s3;
	s10 =	smul.u32 $0x5000, s10  }
0x8: {  	[smem:$0x7FF] =	sst s23;
	s8 =	sadd.s32 $0x6FE00, s0;
	s4 =	smul.u32 $0x50000, s3  }
0x9: {  	_ =	strace $0x8000004D;
	s3 =	ssub.s32 $0x2, s3;
	[dreg:$0x4] =	wrdreg s8  }
0xa: {  	s7 =	sadd.s32 s5, s0;
	s22 =	sshrl.u32 s3, $0x1;
	s2 =	sadd.s32 s2, s5  }
0xb: {  	s25 =	sshrl.u32 s9, $0x2;
	s14 =	sadd.s32 $0x1000, s10;
	s17 =	sadd.s32 $0x2000, s10  }
0xc: {  	s20 =	sadd.s32 $0x3000, s10;
	s6 =	sshrl.u32 s4, $0x3;
	s3 =	ssub.s32 s3, s22  }
0xd: {  	[dreg:$0x5] =	wrdreg s2;
	s24 =	sadd.s32 $0x1E00, s7;
	s26 =	sadd.s32 s25, s1  }
0xe: {  	s13 =	sadd.s32 s4, s10;
	s15 =	sadd.s32 s4, s14;
	s18 =	sadd.s32 s4, s17  }
0xf: {  	s19 =	sadd.s32 s17, s1;
	s21 =	sadd.s32 s4, s20;
	s22 =	sadd.s32 $0x4000, s10  }
0x10: {  	s17 =	simm.s32 $0xA;
	s6 =	sadd.s32 s6, s0;
	s0 =	sadd.s32 $0x70000, s0  }
0x11: {  	[dreg:$0x6] =	wrdreg s24;
	s7 =	smax.u32 s3, $0x1;
	s9 =	sadd.s32 $0x1000, s26  }
0x12: {  	s11 =	sadd.s32 $0x2000, s26;
	s12 =	sadd.s32 $0x3000, s26;
	[dreg:$0x7] =	wrdreg s26  }
0x13: {  	s5 =	sadd.s32 $0x4000, s26;
	s2 =	sshrl.u32 s13, $0x3;
	[dreg:$0x11] =	wrdreg s19  }
0x14: {  	s16 =	sshrl.u32 s15, $0x3;
	s3 =	sadd.s32 s14, s1;
	[dreg:$0x9] =	wrdreg s7  }
0x15: {  	s24 =	sadd.s32 s4, s22;
	s25 =	sadd.s32 s22, s1;
	[dreg:$0xa] =	wrdreg s9  }
0x16: {  	s4 =	simm.s32 $0x15000;
	s13 =	simm.s32 $0x6;
	[dreg:$0xb] =	wrdreg s11  }
0x17: {  	s14 =	simm.s32 $0x7;
	s15 =	simm.s32 $0x8;
	[dreg:$0xc] =	wrdreg s12  }
0x18: {  	s19 =	simm.s32 $0xC;
	s22 =	simm.s32 $0x10;
	[dreg:$0xd] =	wrdreg s5  }
0x19: {  	s8 =	sadd.s32 $0x5BE00, s6;
	s6 =	sadd.s32 s10, s1;
	[dreg:$0xf] =	wrdreg s3  }
0x1a: {  	s2 =	sadd.s32 s0, s2;
	s3 =	sadd.s32 s20, s1;
	[dreg:$0x15] =	wrdreg s25  }
0x1b: {  	s26 =	sshrl.u32 s24, $0x3;
	s25 =	simm.s32 $0x11;
	s5 =	simm.s32 $0x16000  }
0x1c: {  	s9 =	simm.s32 $0x2;
	s10 =	simm.s32 $0x3;
	s11 =	simm.s32 $0x4  }
0x1d: {  	s12 =	simm.s32 $0x5;
	s20 =	simm.s32 $0xD;
	[dreg:$0x8] =	wrdreg s6  }
0x1e: {  	s24 =	simm.s32 $0xE;
	[dreg:$0xe] =	wrdreg s2;
	s2 =	sadd.s32 s0, s16  }
0x1f: {  	s7 =	simm.s32 $0x0;
	[dreg:$0x10] =	wrdreg s2;
	s2 =	sshrl.u32 s18, $0x3  }
0x20: {  	[dreg:$0x13] =	wrdreg s3;
	s6 =	simm.s32 $0x1;
	s2 =	sadd.s32 s0, s2  }
0x21: {  	s16 =	simm.s32 $0x9;
	[dreg:$0x12] =	wrdreg s2;
	s2 =	sshrl.u32 s21, $0x3  }
0x22: {  	s18 =	simm.s32 $0xB;
	s21 =	simm.s32 $0xF;
	s2 =	sadd.s32 s0, s2  }
0x23: {  	s0 =	sadd.s32 s0, s26;
	s26 =	simm.s32 $0x13000;
	[dreg:$0x14] =	wrdreg s2  }
0x24: {  	[dreg:$0x16] =	wrdreg s0;
	s2 =	simm.s32 $0x11000;
	s0 =	simm.s32 $0x14000  }
.LBB2_1:
0x25: {  	[dreg:$0x17] =	wrdreg s7  }
0x26: {  	s3 =	rddreg [dreg:$0x5];
	s7 =	simm.s32 $0x5000  }
0x27: {  	[tilespmem:s7], [sflag:$0x11] =	stream.linear.gather [hbm4b:s3+s23], $0x5000, $0x38;
	[tilespmem:$0x17000] =	vst v63  }
0x28: {  	_ =	swait.ge [sflag:s25], $0x5000  }
0x29: {  	[sflag:s25] =	ssyncset.done $0x0  }
0x2a: {  	s7 =	simm.s32 $0xA000;
	s3 =	rddreg [dreg:$0x6];
	[sflag:s25] =	ssyncadd.s32 $0xFFFFB000  }
0x2b: {  	[tilespmem:s7], [sflag:$0x11] =	stream.linear.gather [hbm4b:s3+s23], $0x5000, $0x38;
	[tilespmem:$0x17000] =	vst v63  }
0x2c: {  	_ =	swait.ge [sflag:s25], $0x5000  }
0x2d: {  	[sflag:s25] =	ssyncset.done $0x0  }
0x2e: {  	s7 =	rddreg [dreg:$0x4];
	[sflag:s25] =	ssyncadd.s32 $0xFFFFB000  }
0x2f: {  	[tilespmem:s28], [sflag:$0x11] =	stream.linear.gather [hbm4b:s7+s23], $0x1000, $0x38;
	[tilespmem:$0x17000] =	vst v63  }
0x30: {  	_ =	swait.ge [sflag:s25], $0x1000  }
0x31: {  	[sflag:s25] =	ssyncset.done $0x0  }
0x32: {  	s7 =	rddreg [dreg:$0x7];
	[sflag:s25] =	ssyncadd.s32 $0xFFFFF000  }
0x33: {  	[spmem:s7] =	stream.linear.scatter [tilespmem:s28], [sflag:$0x11], $0x1000, $0x38;
	[tilespmem:$0x17000] =	vst v63  }
0x34: {  	_ =	swait.ge [sflag:s25], $0x1000  }
0x35: {  	[sflag:s25] =	ssyncset.done $0x0  }
0x36: {  	s23 =	rddreg [dreg:$0xa];
	[sflag:s25] =	ssyncadd.s32 $0xFFFFF000  }
0x37: {  	[spmem:s23] =	stream.linear.scatter [tilespmem:s28], [sflag:$0x11], $0x1000, $0x38;
	[tilespmem:$0x17000] =	vst v63  }
0x38: {  	_ =	swait.ge [sflag:s25], $0x1000  }
0x39: {  	[sflag:s25] =	ssyncset.done $0x0  }
0x3a: {  	s7 =	rddreg [dreg:$0xb];
	[sflag:s25] =	ssyncadd.s32 $0xFFFFF000  }
0x3b: {  	[spmem:s7] =	stream.linear.scatter [tilespmem:s28], [sflag:$0x11], $0x1000, $0x38;
	[tilespmem:$0x17000] =	vst v63  }
0x3c: {  	_ =	swait.ge [sflag:s25], $0x1000  }
0x3d: {  	[sflag:s25] =	ssyncset.done $0x0  }
0x3e: {  	s23 =	rddreg [dreg:$0xc];
	[sflag:s25] =	ssyncadd.s32 $0xFFFFF000  }
0x3f: {  	[spmem:s23] =	stream.linear.scatter [tilespmem:s28], [sflag:$0x11], $0x1000, $0x38;
	[tilespmem:$0x17000] =	vst v63  }
0x40: {  	_ =	swait.ge [sflag:s25], $0x1000  }
0x41: {  	[sflag:s25] =	ssyncset.done $0x0  }
0x42: {  	s7 =	rddreg [dreg:$0xd];
	[sflag:s25] =	ssyncadd.s32 $0xFFFFF000  }
0x43: {  	[spmem:s7] =	stream.linear.scatter [tilespmem:s28], [sflag:$0x11], $0x1000, $0x38;
	[tilespmem:$0x17000] =	vst v63  }
0x44: {  	_ =	swait.ge [sflag:s25], $0x1000  }
0x45: {  	[sflag:s25] =	ssyncset.done $0x0  }
0x46: {  	[sflag:s25] =	ssyncadd.s32 $0xFFFFF000  }
0x47: {  	s23 =	simm.s32 $0x5000;
	[bflag:$0x0] =	sbarrier.arrive $0xFFFF  }
0x48: {  	[tilespmem:s28], [sflag:$0x1] =	stream.indirect.gather [hbm4b:s8+s29], $0x20, s23, s29, $0xb8;
	[tilespmem:$0x17000] =	vst v63  }
0x49: {  	s7 =	simm.s32 $0x5080  }
0x4a: {  	[tilespmem:s31], [sflag:$0x2] =	stream.indirect.gather [hbm4b:s8+s29], $0x20, s7, s29, $0xb8;
	[tilespmem:$0x17000] =	vst v63  }
0x4b: {  	s23 =	simm.s32 $0x5100  }
0x4c: {  	[tilespmem:s2], [sflag:$0x3] =	stream.indirect.gather [hbm4b:s8+s29], $0x20, s23, s29, $0xb8;
	[tilespmem:$0x17000] =	vst v63  }
0x4d: {  	s7 =	simm.s32 $0x5180  }
0x4e: {  	[tilespmem:s30], [sflag:$0x4] =	stream.indirect.gather [hbm4b:s8+s29], $0x20, s7, s29, $0xb8;
	[tilespmem:$0x17000] =	vst v63  }
0x4f: {  	s23 =	simm.s32 $0x5200  }
0x50: {  	[tilespmem:s26], [sflag:$0x5] =	stream.indirect.gather [hbm4b:s8+s29], $0x20, s23, s29, $0xb8;
	[tilespmem:$0x17000] =	vst v63  }
0x51: {  	s7 =	simm.s32 $0x5280  }
0x52: {  	[tilespmem:s0], [sflag:$0x6] =	stream.indirect.gather [hbm4b:s8+s29], $0x20, s7, s29, $0xb8;
	[tilespmem:$0x17000] =	vst v63  }
0x53: {  	s23 =	simm.s32 $0x5300  }
0x54: {  	[tilespmem:s4], [sflag:$0x7] =	stream.indirect.gather [hbm4b:s8+s29], $0x20, s23, s29, $0xb8;
	[tilespmem:$0x17000] =	vst v63  }
0x55: {  	s7 =	simm.s32 $0x5380  }
0x56: {  	[tilespmem:s5], [sflag:$0x8] =	stream.indirect.gather [hbm4b:s8+s29], $0x20, s7, s29, $0xb8;
	[tilespmem:$0x17000] =	vst v63  }
0x57: {  	_ =	swait.ge [sflag:s6], $0x1000  }
0x58: {  	[sflag:s6] =	ssyncset.done $0x0  }
0x59: {  	s23 =	simm.s32 $0xA000;
	[sflag:s6] =	ssyncadd.s32 $0xFFFFF000  }
0x5a: {  	[spmem:s1] =	stream.indirect.scatter.add.f32 [tilespmem:s28], [sflag:$0x9], $0x20, s23, s29, $0xb8;
	[tilespmem:$0x17000] =	vst v63  }
0x5b: {  	_ =	swait.ge [sflag:s9], $0x1000  }
0x5c: {  	[sflag:s9] =	ssyncset.done $0x0  }
0x5d: {  	s7 =	simm.s32 $0xA080;
	[sflag:s9] =	ssyncadd.s32 $0xFFFFF000  }
0x5e: {  	[spmem:s1] =	stream.indirect.scatter.add.f32 [tilespmem:s31], [sflag:$0xA], $0x20, s7, s29, $0xb8;
	[tilespmem:$0x17000] =	vst v63  }
0x5f: {  	_ =	swait.ge [sflag:s10], $0x1000  }
0x60: {  	[sflag:s10] =	ssyncset.done $0x0  }
0x61: {  	s23 =	simm.s32 $0xA100;
	[sflag:s10] =	ssyncadd.s32 $0xFFFFF000  }
0x62: {  	[spmem:s1] =	stream.indirect.scatter.add.f32 [tilespmem:s2], [sflag:$0xB], $0x20, s23, s29, $0xb8;
	[tilespmem:$0x17000] =	vst v63  }
0x63: {  	_ =	swait.ge [sflag:s11], $0x1000  }
0x64: {  	[sflag:s11] =	ssyncset.done $0x0  }
0x65: {  	s7 =	simm.s32 $0xA180;
	[sflag:s11] =	ssyncadd.s32 $0xFFFFF000  }
0x66: {  	[spmem:s1] =	stream.indirect.scatter.add.f32 [tilespmem:s30], [sflag:$0xC], $0x20, s7, s29, $0xb8;
	[tilespmem:$0x17000] =	vst v63  }
0x67: {  	_ =	swait.ge [sflag:s12], $0x1000  }
0x68: {  	[sflag:s12] =	ssyncset.done $0x0  }
0x69: {  	s23 =	simm.s32 $0xA200;
	[sflag:s12] =	ssyncadd.s32 $0xFFFFF000  }
0x6a: {  	[spmem:s1] =	stream.indirect.scatter.add.f32 [tilespmem:s26], [sflag:$0xD], $0x20, s23, s29, $0xb8;
	[tilespmem:$0x17000] =	vst v63  }
0x6b: {  	_ =	swait.ge [sflag:s13], $0x1000  }
0x6c: {  	[sflag:s13] =	ssyncset.done $0x0  }
0x6d: {  	s7 =	simm.s32 $0xA280;
	[sflag:s13] =	ssyncadd.s32 $0xFFFFF000  }
0x6e: {  	[spmem:s1] =	stream.indirect.scatter.add.f32 [tilespmem:s0], [sflag:$0xE], $0x20, s7, s29, $0xb8;
	[tilespmem:$0x17000] =	vst v63  }
0x6f: {  	_ =	swait.ge [sflag:s14], $0x1000  }
0x70: {  	[sflag:s14] =	ssyncset.done $0x0  }
0x71: {  	s23 =	simm.s32 $0xA300;
	[sflag:s14] =	ssyncadd.s32 $0xFFFFF000  }
0x72: {  	[spmem:s1] =	stream.indirect.scatter.add.f32 [tilespmem:s4], [sflag:$0xF], $0x20, s23, s29, $0xb8;
	[tilespmem:$0x17000] =	vst v63  }
0x73: {  	_ =	swait.ge [sflag:s15], $0x1000  }
0x74: {  	[sflag:s15] =	ssyncset.done $0x0  }
0x75: {  	s7 =	simm.s32 $0xA380;
	[sflag:s15] =	ssyncadd.s32 $0xFFFFF000  }
0x76: {  	[spmem:s1] =	stream.indirect.scatter.add.f32 [tilespmem:s5], [sflag:$0x10], $0x20, s7, s29, $0xb8;
	[tilespmem:$0x17000] =	vst v63  }
0x77: {  	_ =	swait.ge [sflag:s16], $0x1000  }
0x78: {  	[sflag:s16] =	ssyncset.done $0x0  }
0x79: {  	s23 =	simm.s32 $0x5400;
	[sflag:s16] =	ssyncadd.s32 $0xFFFFF000  }
0x7a: {  	[tilespmem:s28], [sflag:$0x1] =	stream.indirect.gather [hbm4b:s8+s29], $0x20, s23, s29, $0xb8;
	[tilespmem:$0x17000] =	vst v63  }
0x7b: {  	_ =	swait.ge [sflag:s17], $0x1000  }
0x7c: {  	[sflag:s17] =	ssyncset.done $0x0  }
0x7d: {  	s7 =	simm.s32 $0x5480;
	[sflag:s17] =	ssyncadd.s32 $0xFFFFF000  }
0x7e: {  	[tilespmem:s31], [sflag:$0x2] =	stream.indirect.gather [hbm4b:s8+s29], $0x20, s7, s29, $0xb8;
	[tilespmem:$0x17000] =	vst v63  }
0x7f: {  	_ =	swait.ge [sflag:s18], $0x1000  }
0x80: {  	[sflag:s18] =	ssyncset.done $0x0  }
0x81: {  	s23 =	simm.s32 $0x5500;
	[sflag:s18] =	ssyncadd.s32 $0xFFFFF000  }
0x82: {  	[tilespmem:s2], [sflag:$0x3] =	stream.indirect.gather [hbm4b:s8+s29], $0x20, s23, s29, $0xb8;
	[tilespmem:$0x17000] =	vst v63  }
0x83: {  	_ =	swait.ge [sflag:s19], $0x1000  }
0x84: {  	[sflag:s19] =	ssyncset.done $0x0  }
0x85: {  	s7 =	simm.s32 $0x5580;
	[sflag:s19] =	ssyncadd.s32 $0xFFFFF000  }
0x86: {  	[tilespmem:s30], [sflag:$0x4] =	stream.indirect.gather [hbm4b:s8+s29], $0x20, s7, s29, $0xb8;
	[tilespmem:$0x17000] =	vst v63  }
0x87: {  	_ =	swait.ge [sflag:s20], $0x1000  }
0x88: {  	[sflag:s20] =	ssyncset.done $0x0  }
0x89: {  	s23 =	simm.s32 $0x5600;
	[sflag:s20] =	ssyncadd.s32 $0xFFFFF000  }
0x8a: {  	[tilespmem:s26], [sflag:$0x5] =	stream.indirect.gather [hbm4b:s8+s29], $0x20, s23, s29, $0xb8;
	[tilespmem:$0x17000] =	vst v63  }
0x8b: {  	_ =	swait.ge [sflag:s24], $0x1000  }
0x8c: {  	[sflag:s24] =	ssyncset.done $0x0  }
0x8d: {  	s7 =	simm.s32 $0x5680;
	[sflag:s24] =	ssyncadd.s32 $0xFFFFF000  }
0x8e: {  	[tilespmem:s0], [sflag:$0x6] =	stream.indirect.gather [hbm4b:s8+s29], $0x20, s7, s29, $0xb8;
	[tilespmem:$0x17000] =	vst v63  }
0x8f: {  	_ =	swait.ge [sflag:s21], $0x1000  }
0x90: {  	[sflag:s21] =	ssyncset.done $0x0  }
0x91: {  	s23 =	simm.s32 $0x5700;
	[sflag:s21] =	ssyncadd.s32 $0xFFFFF000  }
0x92: {  	[tilespmem:s4], [sflag:$0x7] =	stream.indirect.gather [hbm4b:s8+s29], $0x20, s23, s29, $0xb8;
	[tilespmem:$0x17000] =	vst v63  }
0x93: {  	_ =	swait.ge [sflag:s22], $0x1000  }
0x94: {  	[sflag:s22] =	ssyncset.done $0x0  }
0x95: {  	s3 =	simm.s32 $0x5780;
	s7 =	simm.s32 $0x1000;
	[sflag:s22] =	ssyncadd.s32 $0xFFFFF000  }
.LBB2_2:
0x96: {  	[tilespmem:s5], [sflag:$0x8] =	stream.indirect.gather [hbm4b:s8+s29], $0x20, s3, s29, $0xb8;
	[tilespmem:$0x17000] =	vst v63  }
0x97: {  	s3 =	smov.u32 s7  }
0x98: {  	p0 =	sne.s32 s7, $0x12000;
	s7 =	sadd.s32 $0x1000, s7;
	_ =	swait.ge [sflag:s6], $0x1000  }
0x99: {  	s3 =	sshra.s32 s3, $0x2;
	[sflag:s6] =	ssyncset.done $0x0  }
0x9a: {  	s23 =	sadd.s32 $0xA000, s3;
	[sflag:s6] =	ssyncadd.s32 $0xFFFFF000  }
0x9b: {  	[spmem:s1] =	stream.indirect.scatter.add.f32 [tilespmem:s28], [sflag:$0x9], $0x20, s23, s29, $0xb8;
	[tilespmem:$0x17000] =	vst v63  }
0x9c: {  	_ =	swait.ge [sflag:s9], $0x1000  }
0x9d: {  	[sflag:s9] =	ssyncset.done $0x0  }
0x9e: {  	s23 =	sadd.s32 $0xA080, s3;
	[sflag:s9] =	ssyncadd.s32 $0xFFFFF000  }
0x9f: {  	[spmem:s1] =	stream.indirect.scatter.add.f32 [tilespmem:s31], [sflag:$0xA], $0x20, s23, s29, $0xb8;
	[tilespmem:$0x17000] =	vst v63  }
0xa0: {  	_ =	swait.ge [sflag:s10], $0x1000  }
0xa1: {  	[sflag:s10] =	ssyncset.done $0x0  }
0xa2: {  	s23 =	sadd.s32 $0xA100, s3;
	[sflag:s10] =	ssyncadd.s32 $0xFFFFF000  }
0xa3: {  	[spmem:s1] =	stream.indirect.scatter.add.f32 [tilespmem:s2], [sflag:$0xB], $0x20, s23, s29, $0xb8;
	[tilespmem:$0x17000] =	vst v63  }
0xa4: {  	_ =	swait.ge [sflag:s11], $0x1000  }
0xa5: {  	[sflag:s11] =	ssyncset.done $0x0  }
0xa6: {  	s23 =	sadd.s32 $0xA180, s3;
	[sflag:s11] =	ssyncadd.s32 $0xFFFFF000  }
0xa7: {  	[spmem:s1] =	stream.indirect.scatter.add.f32 [tilespmem:s30], [sflag:$0xC], $0x20, s23, s29, $0xb8;
	[tilespmem:$0x17000] =	vst v63  }
0xa8: {  	_ =	swait.ge [sflag:s12], $0x1000  }
0xa9: {  	[sflag:s12] =	ssyncset.done $0x0  }
0xaa: {  	s23 =	sadd.s32 $0xA200, s3;
	[sflag:s12] =	ssyncadd.s32 $0xFFFFF000  }
0xab: {  	[spmem:s1] =	stream.indirect.scatter.add.f32 [tilespmem:s26], [sflag:$0xD], $0x20, s23, s29, $0xb8;
	[tilespmem:$0x17000] =	vst v63  }
0xac: {  	_ =	swait.ge [sflag:s13], $0x1000  }
0xad: {  	[sflag:s13] =	ssyncset.done $0x0  }
0xae: {  	s23 =	sadd.s32 $0xA280, s3;
	[sflag:s13] =	ssyncadd.s32 $0xFFFFF000  }
0xaf: {  	[spmem:s1] =	stream.indirect.scatter.add.f32 [tilespmem:s0], [sflag:$0xE], $0x20, s23, s29, $0xb8;
	[tilespmem:$0x17000] =	vst v63  }
0xb0: {  	_ =	swait.ge [sflag:s14], $0x1000  }
0xb1: {  	[sflag:s14] =	ssyncset.done $0x0  }
0xb2: {  	s23 =	sadd.s32 $0xA300, s3;
	[sflag:s14] =	ssyncadd.s32 $0xFFFFF000  }
0xb3: {  	[spmem:s1] =	stream.indirect.scatter.add.f32 [tilespmem:s4], [sflag:$0xF], $0x20, s23, s29, $0xb8;
	[tilespmem:$0x17000] =	vst v63  }
0xb4: {  	_ =	swait.ge [sflag:s15], $0x1000  }
0xb5: {  	[sflag:s15] =	ssyncset.done $0x0  }
0xb6: {  	s23 =	sadd.s32 $0xA380, s3;
	[sflag:s15] =	ssyncadd.s32 $0xFFFFF000  }
0xb7: {  	[spmem:s1] =	stream.indirect.scatter.add.f32 [tilespmem:s5], [sflag:$0x10], $0x20, s23, s29, $0xb8;
	[tilespmem:$0x17000] =	vst v63  }
0xb8: {  	_ =	swait.ge [sflag:s16], $0x1000  }
0xb9: {  	[sflag:s16] =	ssyncset.done $0x0  }
0xba: {  	s23 =	sadd.s32 $0x5400, s3;
	[sflag:s16] =	ssyncadd.s32 $0xFFFFF000  }
0xbb: {  	[tilespmem:s28], [sflag:$0x1] =	stream.indirect.gather [hbm4b:s8+s29], $0x20, s23, s29, $0xb8;
	[tilespmem:$0x17000] =	vst v63  }
0xbc: {  	_ =	swait.ge [sflag:s17], $0x1000  }
0xbd: {  	[sflag:s17] =	ssyncset.done $0x0  }
0xbe: {  	s23 =	sadd.s32 $0x5480, s3;
	[sflag:s17] =	ssyncadd.s32 $0xFFFFF000  }
0xbf: {  	[tilespmem:s31], [sflag:$0x2] =	stream.indirect.gather [hbm4b:s8+s29], $0x20, s23, s29, $0xb8;
	[tilespmem:$0x17000] =	vst v63  }
0xc0: {  	_ =	swait.ge [sflag:s18], $0x1000  }
0xc1: {  	[sflag:s18] =	ssyncset.done $0x0  }
0xc2: {  	s23 =	sadd.s32 $0x5500, s3;
	[sflag:s18] =	ssyncadd.s32 $0xFFFFF000  }
0xc3: {  	[tilespmem:s2], [sflag:$0x3] =	stream.indirect.gather [hbm4b:s8+s29], $0x20, s23, s29, $0xb8;
	[tilespmem:$0x17000] =	vst v63  }
0xc4: {  	_ =	swait.ge [sflag:s19], $0x1000  }
0xc5: {  	[sflag:s19] =	ssyncset.done $0x0  }
0xc6: {  	s23 =	sadd.s32 $0x5580, s3;
	[sflag:s19] =	ssyncadd.s32 $0xFFFFF000  }
0xc7: {  	[tilespmem:s30], [sflag:$0x4] =	stream.indirect.gather [hbm4b:s8+s29], $0x20, s23, s29, $0xb8;
	[tilespmem:$0x17000] =	vst v63  }
0xc8: {  	_ =	swait.ge [sflag:s20], $0x1000  }
0xc9: {  	[sflag:s20] =	ssyncset.done $0x0  }
0xca: {  	s23 =	sadd.s32 $0x5600, s3;
	[sflag:s20] =	ssyncadd.s32 $0xFFFFF000  }
0xcb: {  	[tilespmem:s26], [sflag:$0x5] =	stream.indirect.gather [hbm4b:s8+s29], $0x20, s23, s29, $0xb8;
	[tilespmem:$0x17000] =	vst v63  }
0xcc: {  	_ =	swait.ge [sflag:s24], $0x1000  }
0xcd: {  	[sflag:s24] =	ssyncset.done $0x0  }
0xce: {  	s23 =	sadd.s32 $0x5680, s3;
	[sflag:s24] =	ssyncadd.s32 $0xFFFFF000  }
0xcf: {  	[tilespmem:s0], [sflag:$0x6] =	stream.indirect.gather [hbm4b:s8+s29], $0x20, s23, s29, $0xb8;
	[tilespmem:$0x17000] =	vst v63  }
0xd0: {  	_ =	swait.ge [sflag:s21], $0x1000  }
0xd1: {  	[sflag:s21] =	ssyncset.done $0x0  }
.Ltmp0:
0xd2: {  	s23 =	sadd.s32 $0x5700, s3;
	[sflag:s21] =	ssyncadd.s32 $0xFFFFF000;
	(pc) =	sbr.rel @p0 .LBB2_2-.Ltmp0, $4  }
0xd3: {  	[tilespmem:s4], [sflag:$0x7] =	stream.indirect.gather [hbm4b:s8+s29], $0x20, s23, s29, $0xb8;
	[tilespmem:$0x17000] =	vst v63  }
0xd4: {  	_ =	swait.ge [sflag:s22], $0x1000  }
0xd5: {  	[sflag:s22] =	ssyncset.done $0x0  }
0xd6: {  	s3 =	sadd.s32 $0x5780, s3;
	[sflag:s22] =	ssyncadd.s32 $0xFFFFF000  }
0xd7: {  	[tilespmem:s5], [sflag:$0x8] =	stream.indirect.gather [hbm4b:s8+s29], $0x20, s3, s29, $0xb8;
	[tilespmem:$0x17000] =	vst v63  }
0xd8: {  	_ =	swait.ge [sflag:s6], $0x1000  }
0xd9: {  	[sflag:s6] =	ssyncset.done $0x0  }
0xda: {  	s23 =	simm.s32 $0xEC00;
	[sflag:s6] =	ssyncadd.s32 $0xFFFFF000  }
0xdb: {  	[spmem:s1] =	stream.indirect.scatter.add.f32 [tilespmem:s28], [sflag:$0x9], $0x20, s23, s29, $0xb8;
	[tilespmem:$0x17000] =	vst v63  }
0xdc: {  	_ =	swait.ge [sflag:s9], $0x1000  }
0xdd: {  	[sflag:s9] =	ssyncset.done $0x0  }
0xde: {  	s7 =	simm.s32 $0xEC80;
	[sflag:s9] =	ssyncadd.s32 $0xFFFFF000  }
0xdf: {  	[spmem:s1] =	stream.indirect.scatter.add.f32 [tilespmem:s31], [sflag:$0xA], $0x20, s7, s29, $0xb8;
	[tilespmem:$0x17000] =	vst v63  }
0xe0: {  	_ =	swait.ge [sflag:s10], $0x1000  }
0xe1: {  	[sflag:s10] =	ssyncset.done $0x0  }
0xe2: {  	s23 =	simm.s32 $0xED00;
	[sflag:s10] =	ssyncadd.s32 $0xFFFFF000  }
0xe3: {  	[spmem:s1] =	stream.indirect.scatter.add.f32 [tilespmem:s2], [sflag:$0xB], $0x20, s23, s29, $0xb8;
	[tilespmem:$0x17000] =	vst v63  }
0xe4: {  	_ =	swait.ge [sflag:s11], $0x1000  }
0xe5: {  	[sflag:s11] =	ssyncset.done $0x0  }
0xe6: {  	s7 =	simm.s32 $0xED80;
	[sflag:s11] =	ssyncadd.s32 $0xFFFFF000  }
0xe7: {  	[spmem:s1] =	stream.indirect.scatter.add.f32 [tilespmem:s30], [sflag:$0xC], $0x20, s7, s29, $0xb8;
	[tilespmem:$0x17000] =	vst v63  }
0xe8: {  	_ =	swait.ge [sflag:s12], $0x1000  }
0xe9: {  	[sflag:s12] =	ssyncset.done $0x0  }
0xea: {  	s23 =	simm.s32 $0xEE00;
	[sflag:s12] =	ssyncadd.s32 $0xFFFFF000  }
0xeb: {  	[spmem:s1] =	stream.indirect.scatter.add.f32 [tilespmem:s26], [sflag:$0xD], $0x20, s23, s29, $0xb8;
	[tilespmem:$0x17000] =	vst v63  }
0xec: {  	_ =	swait.ge [sflag:s13], $0x1000  }
0xed: {  	[sflag:s13] =	ssyncset.done $0x0  }
0xee: {  	s7 =	simm.s32 $0xEE80;
	[sflag:s13] =	ssyncadd.s32 $0xFFFFF000  }
0xef: {  	[spmem:s1] =	stream.indirect.scatter.add.f32 [tilespmem:s0], [sflag:$0xE], $0x20, s7, s29, $0xb8;
	[tilespmem:$0x17000] =	vst v63  }
0xf0: {  	_ =	swait.ge [sflag:s14], $0x1000  }
0xf1: {  	[sflag:s14] =	ssyncset.done $0x0  }
0xf2: {  	s23 =	simm.s32 $0xEF00;
	[sflag:s14] =	ssyncadd.s32 $0xFFFFF000  }
0xf3: {  	[spmem:s1] =	stream.indirect.scatter.add.f32 [tilespmem:s4], [sflag:$0xF], $0x20, s23, s29, $0xb8;
	[tilespmem:$0x17000] =	vst v63  }
0xf4: {  	_ =	swait.ge [sflag:s15], $0x1000  }
0xf5: {  	[sflag:s15] =	ssyncset.done $0x0  }
0xf6: {  	s7 =	simm.s32 $0xEF80;
	[sflag:s15] =	ssyncadd.s32 $0xFFFFF000  }
0xf7: {  	[spmem:s1] =	stream.indirect.scatter.add.f32 [tilespmem:s5], [sflag:$0x10], $0x20, s7, s29, $0xb8;
	[tilespmem:$0x17000] =	vst v63  }
0xf8: {  	_ =	swait.ge [sflag:s16], $0x1000  }
0xf9: {  	[sflag:s16] =	ssyncset.done $0x0  }
0xfa: {  	[sflag:s16] =	ssyncadd.s32 $0xFFFFF000  }
0xfb: {  	_ =	swait.ge [sflag:s17], $0x1000  }
0xfc: {  	[sflag:s17] =	ssyncset.done $0x0  }
0xfd: {  	[sflag:s17] =	ssyncadd.s32 $0xFFFFF000  }
0xfe: {  	_ =	swait.ge [sflag:s18], $0x1000  }
0xff: {  	[sflag:s18] =	ssyncset.done $0x0  }
0x100: {  	[sflag:s18] =	ssyncadd.s32 $0xFFFFF000  }
0x101: {  	_ =	swait.ge [sflag:s19], $0x1000  }
0x102: {  	[sflag:s19] =	ssyncset.done $0x0  }
0x103: {  	[sflag:s19] =	ssyncadd.s32 $0xFFFFF000  }
0x104: {  	_ =	swait.ge [sflag:s20], $0x1000  }
0x105: {  	[sflag:s20] =	ssyncset.done $0x0  }
0x106: {  	[sflag:s20] =	ssyncadd.s32 $0xFFFFF000  }
0x107: {  	_ =	swait.ge [sflag:s24], $0x1000  }
0x108: {  	[sflag:s24] =	ssyncset.done $0x0  }
0x109: {  	[sflag:s24] =	ssyncadd.s32 $0xFFFFF000  }
0x10a: {  	_ =	swait.ge [sflag:s21], $0x1000  }
0x10b: {  	[sflag:s21] =	ssyncset.done $0x0  }
0x10c: {  	[sflag:s21] =	ssyncadd.s32 $0xFFFFF000  }
0x10d: {  	_ =	swait.ge [sflag:s22], $0x1000  }
0x10e: {  	[sflag:s22] =	ssyncset.done $0x0  }
0x10f: {  	[sflag:s22] =	ssyncadd.s32 $0xFFFFF000  }
0x110: {  	[bflag:$0x0] =	sbarrier.arrive $0xFFFF  }
0x111: {  	s23 =	rddreg [dreg:$0x8]  }
0x112: {  	[tilespmem:s31], [sflag:$0x11] =	stream.linear.gather [spmem:s23], $0x1000, $0x38;
	[tilespmem:$0x17000] =	vst v63  }
0x113: {  	_ =	swait.ge [sflag:s25], $0x1000  }
0x114: {  	[sflag:s25] =	ssyncset.done $0x0  }
0x115: {  	s23 =	simm.s32 $0x0;
	s7 =	rddreg [dreg:$0xe];
	[sflag:s25] =	ssyncadd.s32 $0xFFFFF000  }
0x116: {  	[hbm4b:s7+s23] =	stream.linear.scatter [tilespmem:s31], [sflag:$0x11], $0x1000, $0x38;
	[tilespmem:$0x17000] =	vst v63  }
0x117: {  	_ =	swait.ge [sflag:s25], $0x1000  }
0x118: {  	[sflag:s25] =	ssyncset.done $0x0  }
0x119: {  	s7 =	rddreg [dreg:$0xf];
	[sflag:s25] =	ssyncadd.s32 $0xFFFFF000  }
0x11a: {  	[tilespmem:s31], [sflag:$0x11] =	stream.linear.gather [spmem:s7], $0x1000, $0x38;
	[tilespmem:$0x17000] =	vst v63  }
0x11b: {  	_ =	swait.ge [sflag:s25], $0x1000  }
0x11c: {  	[sflag:s25] =	ssyncset.done $0x0  }
0x11d: {  	s7 =	rddreg [dreg:$0x10];
	[sflag:s25] =	ssyncadd.s32 $0xFFFFF000  }
0x11e: {  	[hbm4b:s7+s23] =	stream.linear.scatter [tilespmem:s31], [sflag:$0x11], $0x1000, $0x38;
	[tilespmem:$0x17000] =	vst v63  }
0x11f: {  	_ =	swait.ge [sflag:s25], $0x1000  }
0x120: {  	[sflag:s25] =	ssyncset.done $0x0  }
0x121: {  	s7 =	rddreg [dreg:$0x11];
	[sflag:s25] =	ssyncadd.s32 $0xFFFFF000  }
0x122: {  	[tilespmem:s31], [sflag:$0x11] =	stream.linear.gather [spmem:s7], $0x1000, $0x38;
	[tilespmem:$0x17000] =	vst v63  }
0x123: {  	_ =	swait.ge [sflag:s25], $0x1000  }
0x124: {  	[sflag:s25] =	ssyncset.done $0x0  }
0x125: {  	s7 =	rddreg [dreg:$0x12];
	[sflag:s25] =	ssyncadd.s32 $0xFFFFF000  }
0x126: {  	[hbm4b:s7+s23] =	stream.linear.scatter [tilespmem:s31], [sflag:$0x11], $0x1000, $0x38;
	[tilespmem:$0x17000] =	vst v63  }
0x127: {  	_ =	swait.ge [sflag:s25], $0x1000  }
0x128: {  	[sflag:s25] =	ssyncset.done $0x0  }
0x129: {  	s7 =	rddreg [dreg:$0x13];
	[sflag:s25] =	ssyncadd.s32 $0xFFFFF000  }
0x12a: {  	[tilespmem:s31], [sflag:$0x11] =	stream.linear.gather [spmem:s7], $0x1000, $0x38;
	[tilespmem:$0x17000] =	vst v63  }
0x12b: {  	_ =	swait.ge [sflag:s25], $0x1000  }
0x12c: {  	[sflag:s25] =	ssyncset.done $0x0  }
0x12d: {  	s7 =	rddreg [dreg:$0x14];
	[sflag:s25] =	ssyncadd.s32 $0xFFFFF000  }
0x12e: {  	[hbm4b:s7+s23] =	stream.linear.scatter [tilespmem:s31], [sflag:$0x11], $0x1000, $0x38;
	[tilespmem:$0x17000] =	vst v63  }
0x12f: {  	_ =	swait.ge [sflag:s25], $0x1000  }
0x130: {  	[sflag:s25] =	ssyncset.done $0x0  }
0x131: {  	s7 =	rddreg [dreg:$0x15];
	[sflag:s25] =	ssyncadd.s32 $0xFFFFF000  }
0x132: {  	[tilespmem:s31], [sflag:$0x11] =	stream.linear.gather [spmem:s7], $0x1000, $0x38;
	[tilespmem:$0x17000] =	vst v63  }
0x133: {  	_ =	swait.ge [sflag:s25], $0x1000  }
0x134: {  	[sflag:s25] =	ssyncset.done $0x0  }
0x135: {  	s7 =	rddreg [dreg:$0x16];
	[sflag:s25] =	ssyncadd.s32 $0xFFFFF000  }
0x136: {  	[hbm4b:s7+s23] =	stream.linear.scatter [tilespmem:s31], [sflag:$0x11], $0x1000, $0x38;
	[tilespmem:$0x17000] =	vst v63  }
0x137: {  	_ =	swait.ge [sflag:s25], $0x1000  }
0x138: {  	s7 =	rddreg [dreg:$0x17]  }
0x139: {  	s3 =	rddreg [dreg:$0x9];
	s7 =	sadd.s32 $0x1, s7  }
0x13a: {  	p0 =	sne.s32 s7, s3  }
.Ltmp1:
0x13b: {  	_ = 	snop;
	(pc) =	sbr.rel @p0 .LBB2_1-.Ltmp1, $3  }
0x13c: {  	_ =	sdelay $0x1  }
0x13d: {  	[sflag:s25] =	ssyncset.done $0x0  }
0x13e: {  	[sflag:s25] =	ssyncadd.s32 $0xFFFFF000  }
0x13f: {  	_ =	sfence.sel $0x180000  }
0x140: {  	[bflag:$0x0] =	sbarrier.arrive $0xFFFF  }
0x141: {  	_ =	strace $0x9000004D  }
0x142: {  	s0 =	stileid.u32;
	[bflag:$0x2] =	sbarrier.arrive $0xFFFF  }
0x143: {  	p0 =	sne.s32 s0, $0x0;
	s0 =	rddreg [dreg:$0x3]  }
0x144: {  	s0 =	sadd.s32 @!p0 $0x100000, s0  }
0x145: {  	[sflag:s0] =	ssyncadd.tile.s32 @!p0 $0x1;
	_ =	shalt  }
.Lfunc_end2:
_tile_overlayer_lowered:
.L_overlay_start_2:
0x146: {  	(tag) =	ssettag $0x2  }
0x147: {  	s0 =	rddreg [dreg:$0x0];
	s2 =	stileid.u32  }
0x148: {  	s1 =	rddreg [dreg:$0x1];
	p0 =	sne.s32 s2, $0x0  }
0x149: {  	s3 =	rddreg [dreg:$0x2];
	[bflag:$0x3] =	sbarrier.arrive $0xFFFF;
	s2 =	simm.s32 @!p0 $0x1C11  }
0x14a: {  	[timem:s3], [sflag:s2] =	dma.local @!p0 [hbm:s0], s1  }
0x14b: {  	s0 =	simm.s32 @!p0 $0x11  }
0x14c: {  	_ =	swait.ge @!p0 [sflag:s0], s1  }
0x14d: {  	s1 =	ssub.s32 @!p0 $0x0, s1;
	[sflag:s0] =	ssyncset.done @!p0 $0x0  }
0x14e: {  	[sflag:s0] =	ssyncadd.s32 @!p0 s1  }
0x14f: {  	[bflag:$0x3] =	sbarrier.arrive $0xFFFF  }
0x150: {  	_ =	shalt  }

// kernel: kernel.9.cloned.1.call-start
scs
__scs_entry_jumppad:
0x0: {  	(pc) =	sbr.rel $0x88, $3  }
0x1: {  	(tag) =	ssettag $0x0;
	lr =	simm.s32 $0x1  }
0x2: {  	[smem:$0x3F9B] =	sst lr;
	_ =	strace $0xD0000000  }
0x3: {  	_ = 	snop  }
0x4: {  	_ = 	snop  }
0x5: {  	_ = 	snop  }
0x6: {  	_ = 	snop  }
0x7: {  	_ = 	snop  }
__scs_overlays_trampoline_lowered:
0x8: {  	[smem:$0x3FAA] =	sst s0  }
0x9: {  	[smem:$0x3FAB] =	sst s1  }
0xa: {  	[smem:$0x3FAC] =	sst s2  }
0xb: {  	[smem:$0x3FAD] =	sst s3  }
0xc: {  	[smem:$0x3FAE] =	sst s4  }
0xd: {  	[smem:$0x3FAF] =	sst s5  }
0xe: {  	[smem:$0x3FB0] =	sst s6  }
0xf: {  	[smem:$0x3FB1] =	sst s7  }
0x10: {  	[smem:$0x3FB2] =	sst s8  }
0x11: {  	[smem:$0x3FB3] =	sst s9;
	s0 =	simm.s32 @!p0 $0x0  }
0x12: {  	s1 =	sld [smem:$0x3F99];
	s0 =	simm.s32 @p0 $0x1  }
0x13: {  	[smem:$0x3FB4] =	sst s0;
	s0 =	simm.s32 @!p1 $0x0  }
0x14: {  	s2 =	sld [smem:$0x3F98];
	s0 =	simm.s32 @p1 $0x1  }
0x15: {  	[smem:$0x3FB5] =	sst s0;
	s0 =	simm.s32 @!p2 $0x0  }
0x16: {  	s3 =	sld [smem:$0x3FDB];
	s0 =	simm.s32 @p2 $0x1  }
0x17: {  	s4 =	simm.s32 $0x1BF5;
	[smem:$0x3FB7] =	sst s0  }
0x18: {  	s0 =	sld [smem:$0x3F9A];
	_ =	swait.ge [sflag:s4], $0x0  }
0x19: {  	s7 =	sld [smem:$0x3F9B]  }
0x1a: {  	s8 =	sadd.s32 $0xFFFFE003, lr  }
0x1b: {  	s9 =	sadd.s32 $0xFFFFFEF7, lr;
	s5 =	simm.s32 $0xFFFFFFFF;
	p2 =	slt.u32 s8, $0xFFFFF086  }
0x1c: {  	p1 =	slt.u32 s9, $0xF7A;
	s5 =	simm.s32 @!p2 $0x0  }
0x1d: {  	s5 =	simm.s32 @p1 $0x1;
	p0 =	seq.s32 s7, s2  }
0x1e: {  	s7 =	smul.u32 @!p0 $0xF7A, s2;
	p2 =	seq.s32 @!p0 s5, $0x0  }
0x1f: {  	s9 =	smul.u32 $0xF7A, s1;
	s8 =	simm.s32 @!p0 $0x1BF5;
	p2 =	por !p2, p0  }
0x20: {  	[sflag:s8] =	ssyncset.s32 @!p0 $0xFFFFF086;
	s6 =	sadd.s32 @!p0 s3, s7;
	s7 =	simm.s32 @!p0 $0x108  }
0x21: {  	s3 =	sadd.s32 s3, s9;
	s6 =	sadd.s32 @!p0 $0x88, s6;
	s7 =	simm.s32 @p2 $0x1082  }
0x22: {  	[simem:s7], [sflag:s8] =	dma.local @!p0 [hbm:s6], $0xF7A  }
0x23: {  	s9 =	sor.u32 $0xD0000000, s2;
	s6 =	simm.s32 $0x108;
	_ =	swait.ge @!p0 [sflag:s8], $0x0  }
0x24: {  	s3 =	sadd.s32 $0x88, s3;
	s6 =	simm.s32 @!p1 $0x1082;
	[sflag:s4] =	ssyncset.s32 $0xFFFFF086  }
0x25: {  	[simem:s6], [sflag:s4] =	dma.local [hbm:s3], $0xF7A  }
0x26: {  	[smem:$0x3F9B] =	sst s1;
	(tag) =	ssettag s2;
	_ =	strace s9  }
0x27: {  	s1 =	sld [smem:$0x3FAB]  }
0x28: {  	s2 =	sld [smem:$0x3FAC]  }
0x29: {  	s4 =	sld [smem:$0x3FAE]  }
0x2a: {  	p0 =	seq.s32 s5, $0x0;
	s5 =	sld [smem:$0x3FAF]  }
0x2b: {  	s6 =	sld [smem:$0x3FB0]  }
0x2c: {  	s7 =	sld [smem:$0x3FB1]  }
0x2d: {  	s3 =	simm.s32 $0x108;
	s8 =	sld [smem:$0x3FB2]  }
0x2e: {  	s3 =	simm.s32 @!p0 $0x1082;
	s9 =	sld [smem:$0x3FB3]  }
0x2f: {  	lr =	sadd.s32 s0, s3;
	s0 =	sld [smem:$0x3FAA]  }
0x30: {  	s3 =	sld [smem:$0x3FAD]  }
0x31: {  	[smem:$0x3FB6] =	sst s10  }
0x32: {  	s10 =	sld [smem:$0x3FB4];
	_ =	sdelay $0x3  }
0x33: {  	p0 =	seq.s32 s10, $0x1;
	s10 =	sld [smem:$0x3FB6];
	_ =	sdelay $0x3  }
0x34: {  	[smem:$0x3FB6] =	sst s10  }
0x35: {  	s10 =	sld [smem:$0x3FB5];
	_ =	sdelay $0x3  }
0x36: {  	p1 =	seq.s32 s10, $0x1;
	s10 =	sld [smem:$0x3FB6];
	_ =	sdelay $0x3  }
0x37: {  	[smem:$0x3FB6] =	sst s10  }
0x38: {  	s10 =	sld [smem:$0x3FB7]  }
0x39: {  	_ = 	snop;
	(pc) =	sbr.ind lr, $3  }
0x3a: {  	_ = 	snop  }
0x3b: {  	_ = 	snop  }
0x3c: {  	p2 =	seq.s32 s10, $0x1;
	s10 =	sld [smem:$0x3FB6]  }
0x3d: {  	_ =	shalt  }
0x3e: {  	_ =	shalt  }
0x3f: {  	_ =	shalt  }
0x40: {  	_ =	shalt  }
0x41: {  	_ =	shalt  }
0x42: {  	_ =	shalt  }
0x43: {  	_ =	shalt  }
0x44: {  	_ =	shalt  }
0x45: {  	_ =	shalt  }
0x46: {  	_ =	shalt  }
0x47: {  	_ =	shalt  }
0x48: {  	_ =	shalt  }
0x49: {  	_ =	shalt  }
0x4a: {  	_ =	shalt  }
0x4b: {  	_ =	shalt  }
0x4c: {  	_ =	shalt  }
0x4d: {  	_ =	shalt  }
0x4e: {  	_ =	shalt  }
0x4f: {  	_ =	shalt  }
0x50: {  	_ =	shalt  }
0x51: {  	_ =	shalt  }
0x52: {  	_ =	shalt  }
0x53: {  	_ =	shalt  }
0x54: {  	_ =	shalt  }
0x55: {  	_ =	shalt  }
0x56: {  	_ =	shalt  }
0x57: {  	_ =	shalt  }
0x58: {  	_ =	shalt  }
0x59: {  	_ =	shalt  }
0x5a: {  	_ =	shalt  }
0x5b: {  	_ =	shalt  }
0x5c: {  	_ =	shalt  }
0x5d: {  	_ =	shalt  }
0x5e: {  	_ =	shalt  }
0x5f: {  	_ =	shalt  }
0x60: {  	_ =	shalt  }
0x61: {  	_ =	shalt  }
0x62: {  	_ =	shalt  }
0x63: {  	_ =	shalt  }
0x64: {  	_ =	shalt  }
0x65: {  	_ =	shalt  }
0x66: {  	_ =	shalt  }
0x67: {  	_ =	shalt  }
0x68: {  	_ =	shalt  }
0x69: {  	_ =	shalt  }
0x6a: {  	_ =	shalt  }
0x6b: {  	_ =	shalt  }
0x6c: {  	_ =	shalt  }
0x6d: {  	_ =	shalt  }
0x6e: {  	_ =	shalt  }
0x6f: {  	_ =	shalt  }
0x70: {  	_ =	shalt  }
0x71: {  	_ =	shalt  }
0x72: {  	_ =	shalt  }
0x73: {  	_ =	shalt  }
0x74: {  	_ =	shalt  }
0x75: {  	_ =	shalt  }
0x76: {  	_ =	shalt  }
0x77: {  	_ =	shalt  }
0x78: {  	_ =	shalt  }
0x79: {  	_ =	shalt  }
0x7a: {  	_ =	shalt  }
0x7b: {  	_ =	shalt  }
0x7c: {  	_ =	shalt  }
0x7d: {  	_ =	shalt  }
0x7e: {  	_ =	shalt  }
0x7f: {  	_ =	shalt  }
0x80: {  	_ =	shalt  }
0x81: {  	_ =	shalt  }
0x82: {  	_ =	shalt  }
0x83: {  	_ =	shalt  }
0x84: {  	_ =	shalt  }
0x85: {  	_ =	shalt  }
0x86: {  	_ =	shalt  }
0x87: {  	_ =	shalt  }
.Lfunc_end0:
.L_simem_size_0:
called_computation_lowered:
.L_overlay_start_0:
0x88: {  	s2 =	sld [smem:$0x3FD9]  }
0x89: {  	s3 =	sld [smem:$0x3FFE];
	_ =	sdelay $0x1  }
0x8a: {  	s1 =	srdreg.scid  }
0x8b: {  	s0 =	sand.u32 $0x1, s1  }
0x8c: {  	s16 =	sshll.u32 s0, $0xA;
	s2 =	sadd.s32 s3, s2  }
0x8d: {  	s2 =	sadd.s32 s2, s16  }
0x8e: {  	[smem:$0x3FC2] =	sst s2  }
0x8f: {  	_ = 	snop  }
0x90: {  	(tm) =	ssettm $0x1  }
0x91: {  	s17 =	sld [smem:$0x3FFB];
	_ =	sdelay $0x3  }
0x92: {  	_ =	strace s17  }
0x93: {  	s2 =	sld [smem:$0x3FFC];
	_ =	sdelay $0x3  }
0x94: {  	_ =	strace s2  }
0x95: {  	s2 =	sld [smem:$0x3FFD];
	_ =	sdelay $0x3  }
0x96: {  	_ =	strace s2  }
0x97: {  	_ =	strace $0x8FFFFFFF  }
0x98: {  	s18 =	sld [smem:$0x3FDB];
	_ =	sdelay $0x1  }
0x99: {  	s19 =	simm.s32 $_scs_section_size  }
0x9a: {  	s4 =	simm.s32 $_size__tile_overlayer_lowered;
	s5 =	simm.s32 $_tile_overlayer_lowered  }
0x9b: {  	s22 =	simm.s32 $0x1BFF;
	s21 =	sshll.u32 s5, $0x1;
	s2 =	sadd.s32 s19, s18  }
0x9c: {  	s6 =	simm.s32 $0x0;
	s20 =	sshll.u32 s4, $0x1;
	s4 =	sadd.s32 s21, s2  }
0x9d: {  	[timem:s6], [sflag:s22] =	dma.local [hbm:s4], s20  }
0x9e: {  	_ =	swait.ge [sflag:s22], s20  }
0x9f: {  	s3 =	ssub.s32 $0x0, s20;
	[sflag:s22] =	ssyncset.done $0x0  }
0xa0: {  	[sflag:s22] =	ssyncadd.s32 s3;
	_ =	sdelay $0x1  }
0xa1: {  	s23 =	simm.s32 $0x1B8B  }
0xa2: {  	_ =	swait.ge [sflag:s23], $0x1  }
0xa3: {  	[sflag:s23] =	ssyncset.done $0x0  }
0xa4: {  	s25 =	simm.s32 $0x1B8E;
	s24 =	sld [smem:$0x3FFE];
	[sflag:s23] =	ssyncadd.s32 $0xFFFFFFFF  }
0xa5: {  	s26 =	simm.s32 $execute0_lowered;
	[smem:$0x3FD2] =	sst s25  }
0xa6: {  	s4 =	sshll.u32 s26, $0x1;
	_ =	strace $0x80000046;
	[dreg:$0x1] =	wrdreg $0xFFFFFFFF  }
0xa7: {  	s28 =	simm.s32 $_size_execute0_lowered;
	s2 =	sadd.s32 s2, s4;
	[dreg:$0x0] =	wrdreg $0x0  }
0xa8: {  	s4 =	sshll.u32 s28, $0x1;
	[dreg:$0x2] =	wrdreg s2  }
0xa9: {  	[dreg:$0x3] =	wrdreg s4  }
0xaa: {  	[dreg:$0x4] =	wrdreg $0xC0  }
0xab: {  	_ =	task [dreg:s6], $0x5FFFF  }
0xac: {  	[dreg:$0x1] =	wrdreg $0xFFFFFFFF  }
0xad: {  	[dreg:$0x0] =	wrdreg $0x60  }
0xae: {  	[dreg:$0x2] =	wrdreg s24  }
0xaf: {  	[dreg:$0x3] =	wrdreg $0x0  }
0xb0: {  	[dreg:$0x4] =	wrdreg $0x9  }
0xb1: {  	_ =	task.clear_ibuf [dreg:s6], $0x5FFFF;
	_ =	strace $0x90000046  }
0xb2: {  	s29 =	simm.s32 $0x9;
	_ =	strace $0x80000048  }
0xb3: {  	_ =	swait.ge [sflag:s29], $0x1  }
0xb4: {  	[sflag:s29] =	ssyncadd.s32 $0xFFFFFFFF  }
0xb5: {  	_ =	strace $0x90000048  }
0xb6: {  	_ =	sfence  }
0xb7: {  	s30 =	sld [smem:$0x0];
	_ =	sdelay $0x2  }
0xb8: {  	s31 =	sshll.u32 s1, $0xD;
	s1 =	sshrl.u32 s1, $0x2  }
0xb9: {  	s3 =	sand.u32 $0x4000, s31;
	s1 =	sadd.s32 s1, s30  }
0xba: {  	s0 =	sor.u32 s3, s0;
	s1 =	sshll.u32 s1, $0x11  }
0xbb: {  	s0 =	sor.u32 s1, s0  }
0xbc: {  	s0 =	sadd.s32 $0x8F2B, s0  }
0xbd: {  	[sflag:s0] =	ssyncadd.remote.s32 $0x1  }
0xbe: {  	_ =	sfence.sel $0xFFFF  }
0xbf: {  	[dreg:$0x0] =	wrdreg $0xFFFFFFFF;
	(pc) =	sbr.abs _section_cstart, $3  }
0xc0: {  	[dreg:$0x1] =	wrdreg $0xFFFFFFFF  }
0xc1: {  	_ =	task.clear_ibuf [dreg:s6], $0x2FFFF;
	_ =	strace $0x9FFFFFFF  }
0xc2: {  	(tm) =	ssettm $0x7FFFFFFF  }
0xc3: {  	_ =	shalt  }
tec
execute0_lowered:
.L_overlay_start_1:
0x0: {  	(tag) =	ssettag $0x1  }
0x1: {  	s13 =	rddreg [dreg:$0x0]  }
0x2: {  	s2 =	rddreg [dreg:$0x1];
	s1 =	srdreg.scid  }
0x3: {  	s0 =	rddreg [dreg:$0x2];
	s3 =	simm.s32 $0x0;
	s14 =	sand.u32 $0x1, s1  }
0x4: {  	s6 =	simm.s32 $0x2A80;
	s1 =	stileid.u32;
	s4 =	sshll.u32 s14, $0x4  }
0x5: {  	s5 =	simm.s32 $0x1;
	[smem:$0x7FF] =	sst s3;
	s4 =	sor.u32 s1, s4  }
0x6: {  	_ =	strace $0x80000047;
	s7 =	smul.u32 $0x500, s4;
	s4 =	sadd.s32 $0xBE00, s13  }
0x7: {  	[tilespmem:s6], [sflag:$0x1] =	stream.linear.gather [hbm4b:s4+s3], $0x2800, $0x38;
	[tilespmem:$0x5500] =	vst v63  }
0x8: {  	_ =	swait.ge [sflag:s5], $0x2800  }
0x9: {  	s7 =	sadd.s32 s7, s13;
	[sflag:s5] =	ssyncset.done $0x0  }
0xa: {  	s8 =	simm.s32 $0x280;
	s7 =	sadd.s32 $0x1E00, s7;
	[sflag:s5] =	ssyncadd.s32 $0xFFFFD800  }
0xb: {  	[tilespmem:s8], [sflag:$0x1] =	stream.linear.gather [hbm4b:s7+s3], $0x2800, $0x38;
	[tilespmem:$0x5500] =	vst v63  }
0xc: {  	_ =	swait.ge [sflag:s5], $0x2800  }
0xd: {  	s10 =	simm.s32 $0x5280;
	[sflag:s5] =	ssyncset.done $0x0  }
0xe: {  	s9 =	sadd.s32 $0xC400, s13;
	s11 =	smul.u32 $0xA00, s1;
	[sflag:s5] =	ssyncadd.s32 $0xFFFFD800  }
0xf: {  	[tilespmem:s10], [sflag:$0x1] =	stream.linear.gather [hbm4b:s9+s3], $0x280, $0x38;
	[tilespmem:$0x5500] =	vst v63  }
0x10: {  	_ =	swait.ge [sflag:s5], $0x280  }
0x11: {  	s11 =	sshrl.u32 s11, $0x2;
	[sflag:s5] =	ssyncset.done $0x0  }
0x12: {  	s11 =	sadd.s32 s11, s2;
	[sflag:s5] =	ssyncadd.s32 $0xFFFFFD80  }
0x13: {  	[spmem:s11] =	stream.linear.scatter [tilespmem:s10], [sflag:$0x1], $0x280, $0x38;
	[tilespmem:$0x5500] =	vst v63  }
0x14: {  	_ =	swait.ge [sflag:s5], $0x280  }
0x15: {  	[sflag:s5] =	ssyncset.done $0x0  }
0x16: {  	[sflag:s5] =	ssyncadd.s32 $0xFFFFFD80  }
0x17: {  	s12 =	simm.s32 $0x2800;
	s15 =	smul.u32 $0x500, s1;
	[bflag:$0x0] =	sbarrier.arrive $0xFFFF  }
0x18: {  	[spmem:s2] =	stream.indirect.scatter.add.f32 [tilespmem:s6], [sflag:$0x1], $0x1, s8, s12, $0xb8;
	[tilespmem:$0x5500] =	vst v63  }
0x19: {  	s16 =	sshll.u32 s14, $0x7;
	s14 =	ssub.s32 $0x2, s14;
	_ =	swait.ge [sflag:s5], $0x2800  }
0x1a: {  	s31 =	sshrl.u32 s14, $0x1;
	[sflag:s5] =	ssyncset.done $0x0  }
0x1b: {  	s15 =	sor.u32 s16, s15;
	s14 =	ssub.s32 s14, s31;
	[sflag:s5] =	ssyncadd.s32 $0xFFFFD800  }
0x1c: {  	s15 =	sshrl.u32 s15, $0x3;
	s16 =	smax.u32 s14, $0x1;
	[bflag:$0x0] =	sbarrier.arrive $0xFFFF  }
0x1d: {  	[tilespmem:s10], [sflag:$0x1] =	stream.linear.gather [spmem:s11], $0x280, $0x38;
	[tilespmem:$0x5500] =	vst v63  }
0x1e: {  	s14 =	simm.s32 $0x80;
	p0 =	sne.s32 s16, $0x1;
	_ =	swait.ge [sflag:s5], $0x280  }
.Ltmp0:
0x1f: {  	s13 =	sadd.s32 s15, s13;
	[sflag:s5] =	ssyncset.done $0x0;
	(pc) =	sbr.rel @!p0 .LBB2_2-.Ltmp0, $4  }
0x20: {  	s15 =	simm.s32 $0x100;
	s13 =	sadd.s32 $0xC600, s13;
	[sflag:s5] =	ssyncadd.s32 $0xFFFFFD80  }
0x21: {  	[hbm4b:s13+s14] =	stream.strided.scatter [tilespmem:s10], [sflag:$0x1], $0x280, s15, s14, $0x38;
	[tilespmem:$0x5500] =	vst v63  }
0x22: {  	_ =	swait.ge [sflag:s5], $0x280  }
0x23: {  	s16 =	sadd.s32 $0xFFFFFFFF, s16;
	[sflag:s5] =	ssyncset.done $0x0  }
.LBB2_1:
0x24: {  	p0 =	sne.s32 s16, $0x1;
	s16 =	sadd.s32 $0xFFFFFFFF, s16;
	[sflag:s5] =	ssyncadd.s32 $0xFFFFFD80  }
0x25: {  	[tilespmem:s6], [sflag:$0x1] =	stream.linear.gather [hbm4b:s4+s3], $0x2800, $0x38;
	[tilespmem:$0x5500] =	vst v63  }
0x26: {  	_ =	swait.ge [sflag:s5], $0x2800  }
0x27: {  	[sflag:s5] =	ssyncset.done $0x0  }
0x28: {  	[sflag:s5] =	ssyncadd.s32 $0xFFFFD800  }
0x29: {  	[tilespmem:s8], [sflag:$0x1] =	stream.linear.gather [hbm4b:s7+s3], $0x2800, $0x38;
	[tilespmem:$0x5500] =	vst v63  }
0x2a: {  	_ =	swait.ge [sflag:s5], $0x2800  }
0x2b: {  	[sflag:s5] =	ssyncset.done $0x0  }
0x2c: {  	[sflag:s5] =	ssyncadd.s32 $0xFFFFD800  }
0x2d: {  	[tilespmem:s10], [sflag:$0x1] =	stream.linear.gather [hbm4b:s9+s3], $0x280, $0x38;
	[tilespmem:$0x5500] =	vst v63  }
0x2e: {  	_ =	swait.ge [sflag:s5], $0x280  }
0x2f: {  	[sflag:s5] =	ssyncset.done $0x0  }
0x30: {  	[sflag:s5] =	ssyncadd.s32 $0xFFFFFD80  }
0x31: {  	[spmem:s11] =	stream.linear.scatter [tilespmem:s10], [sflag:$0x1], $0x280, $0x38;
	[tilespmem:$0x5500] =	vst v63  }
0x32: {  	_ =	swait.ge [sflag:s5], $0x280  }
0x33: {  	[sflag:s5] =	ssyncset.done $0x0  }
0x34: {  	[sflag:s5] =	ssyncadd.s32 $0xFFFFFD80  }
0x35: {  	[bflag:$0x0] =	sbarrier.arrive $0xFFFF  }
0x36: {  	[spmem:s2] =	stream.indirect.scatter.add.f32 [tilespmem:s6], [sflag:$0x1], $0x1, s8, s12, $0xb8;
	[tilespmem:$0x5500] =	vst v63  }
0x37: {  	_ =	swait.ge [sflag:s5], $0x2800  }
0x38: {  	[sflag:s5] =	ssyncset.done $0x0  }
0x39: {  	[sflag:s5] =	ssyncadd.s32 $0xFFFFD800  }
0x3a: {  	[bflag:$0x0] =	sbarrier.arrive $0xFFFF  }
0x3b: {  	[tilespmem:s10], [sflag:$0x1] =	stream.linear.gather [spmem:s11], $0x280, $0x38;
	[tilespmem:$0x5500] =	vst v63  }
0x3c: {  	_ =	swait.ge [sflag:s5], $0x280  }
.Ltmp1:
0x3d: {  	[sflag:s5] =	ssyncset.done $0x0;
	(pc) =	sbr.rel @p0 .LBB2_1-.Ltmp1, $4  }
0x3e: {  	[sflag:s5] =	ssyncadd.s32 $0xFFFFFD80  }
0x3f: {  	[hbm4b:s13+s14] =	stream.strided.scatter [tilespmem:s10], [sflag:$0x1], $0x280, s15, s14, $0x38;
	[tilespmem:$0x5500] =	vst v63  }
0x40: {  	_ =	swait.ge [sflag:s5], $0x280  }
0x41: {  	[sflag:s5] =	ssyncset.done $0x0  }
.LBB2_2:
0x42: {  	[sflag:s5] =	ssyncadd.s32 $0xFFFFFD80  }
0x43: {  	_ =	sfence.sel $0x180000  }
0x44: {  	[bflag:$0x0] =	sbarrier.arrive $0xFFFF  }
0x45: {  	p0 =	sne.s32 s1, $0x0;
	_ =	strace $0x90000047  }
0x46: {  	s0 =	sadd.s32 @!p0 $0x100000, s0;
	[bflag:$0x2] =	sbarrier.arrive $0xFFFF  }
0x47: {  	[sflag:s0] =	ssyncadd.tile.s32 @!p0 $0x1;
	_ =	shalt  }
.Lfunc_end2:
_tile_overlayer_lowered:
.L_overlay_start_2:
0x48: {  	(tag) =	ssettag $0x2  }
0x49: {  	s0 =	rddreg [dreg:$0x0];
	s2 =	stileid.u32  }
0x4a: {  	s1 =	rddreg [dreg:$0x1];
	p0 =	sne.s32 s2, $0x0  }
0x4b: {  	s3 =	rddreg [dreg:$0x2];
	[bflag:$0x3] =	sbarrier.arrive $0xFFFF;
	s2 =	simm.s32 @!p0 $0x1C01  }
0x4c: {  	[timem:s3], [sflag:s2] =	dma.local @!p0 [hbm:s0], s1  }
0x4d: {  	s0 =	simm.s32 @!p0 $0x1  }
0x4e: {  	_ =	swait.ge @!p0 [sflag:s0], s1  }
0x4f: {  	s1 =	ssub.s32 @!p0 $0x0, s1;
	[sflag:s0] =	ssyncset.done @!p0 $0x0  }
0x50: {  	[sflag:s0] =	ssyncadd.s32 @!p0 s1  }
0x51: {  	[bflag:$0x3] =	sbarrier.arrive $0xFFFF  }
0x52: {  	_ =	shalt  }

</sc_bundles>
